<compile_context>
chip_gen: v7x
topology: tpu7x:2x2x1
jax: 0.10.2.dev20260603
libtpu: 0.0.44.dev20260713+nightly
codegen_flags: <defaults>
</compile_context>

<pallas_src>
import functools

import jax
import jax.numpy as jnp
from jax import lax
from jax.experimental import pallas as pl
from jax.experimental.pallas import tpu as pltpu
from jax.experimental.pallas import tpu_sc as plsc

_WEIGHT = 0.0

_B = 16384
_D = 128
_NW = 32
_RPW = _B // _NW
_CH = 128
_CHD = _CH * _D
_NCHUNK = _RPW // _CH


def _sqrt16(x):
    i = plsc.bitcast(x, jnp.int32)
    y = plsc.bitcast((i >> 1) + jnp.int32(0x1FBD1DF5), jnp.float32)
    y = 0.5 * (y + x / y)
    y = 0.5 * (y + x / y)
    y = 0.5 * (y + x / y)
    return y


def _sc_body(h_hbm, r_hbm, t_hbm, out_hbm, h_v, r_v, t_v, out_v, sems):
    wid = lax.axis_index("s") * 2 + lax.axis_index("c")
    row0 = wid * _RPW
    rowstride = jnp.arange(16, dtype=jnp.int32) * _D

    def dma_triplet(c, buf):
        elem0 = (row0 + c * _CH) * _D
        dst = pl.ds(buf * _CHD, _CHD)
        copies = (
            pltpu.make_async_copy(h_hbm.at[pl.ds(elem0, _CHD)], h_v.at[dst],
                                  sems.at[buf, 0]),
            pltpu.make_async_copy(r_hbm.at[pl.ds(elem0, _CHD)], r_v.at[dst],
                                  sems.at[buf, 1]),
            pltpu.make_async_copy(t_hbm.at[pl.ds(elem0, _CHD)], t_v.at[dst],
                                  sems.at[buf, 2]),
        )
        return copies

    def start(c, buf):
        for cp in dma_triplet(c, buf):
            cp.start()

    def wait(c, buf):
        for cp in dma_triplet(c, buf):
            cp.wait()

    start(0, 0)

    def chunk_body(c, _):
        buf = lax.rem(c, 2)

        @pl.when(c + 1 < _NCHUNK)
        def _():
            start(c + 1, 1 - buf)

        wait(c, buf)
        vbase = buf * _CHD

        def group_body(g, _):
            goff = vbase + g * (16 * _D)
            acc = jnp.zeros((16,), jnp.float32)
            for col in range(_D):
                idx = rowstride + (goff + col)
                hv = plsc.load_gather(h_v, [idx])
                rv = plsc.load_gather(r_v, [idx])
                tv = plsc.load_gather(t_v, [idx])
                d = hv + rv - tv
                acc = acc + d * d
            out_v[pl.ds(c * _CH + g * 16, 16)] = _WEIGHT * _sqrt16(acc)
            return 0

        lax.fori_loop(0, _CH // 16, group_body, 0)
        return 0

    lax.fori_loop(0, _NCHUNK, chunk_body, 0)
    pltpu.sync_copy(out_v, out_hbm.at[pl.ds(row0, _RPW)])


def kernel(h_emb, r_emb, t_emb):
    mesh = plsc.VectorSubcoreMesh(core_axis_name="c", subcore_axis_name="s")
    k = functools.partial(
        pl.kernel,
        mesh=mesh,
        compiler_params=pltpu.CompilerParams(needs_layout_passes=False),
        out_type=jax.ShapeDtypeStruct((_B,), jnp.float32),
        scratch_types=[
            pltpu.VMEM((2 * _CHD,), jnp.float32),
            pltpu.VMEM((2 * _CHD,), jnp.float32),
            pltpu.VMEM((2 * _CHD,), jnp.float32),
            pltpu.VMEM((_RPW,), jnp.float32),
            pltpu.SemaphoreType.DMA((2, 3)),
        ],
    )(_sc_body)
    return k(h_emb.reshape(-1), r_emb.reshape(-1), t_emb.reshape(-1))

# --- scband reference (transcript-rebuilt; emitter-appended) ---
"""Pipeline reference for scband-score-model-75771813037078 (READ-ONLY COPY).

The authoritative reference and input builder live on the scoring server;
editing this copy changes nothing except your own understanding.
"""

import jax, jax.numpy as jnp
import numpy as np

B = 16384
D = 128

def setup_inputs(seed: int = 0) -> dict:
    key = jax.random.key(seed)
    k1, k2, k3 = jax.random.split(key, 3)
    h_emb = jax.random.normal(k1, (B, D), dtype=jnp.float32)
    r_emb = jax.random.normal(k2, (B, D), dtype=jnp.float32)
    t_emb = jax.random.normal(k3, (B, D), dtype=jnp.float32)
    return {"h_emb": h_emb, "r_emb": r_emb, "t_emb": t_emb}

def reference(h_emb, r_emb, t_emb):
    # Faithful translation of ScoreModel.forward with timestep=None:
    #   distance = ||h + r - t||_2 along last dim
    #   weight = 0.0 (timestep is None)
    #   score = weight * distance
    distance = jnp.linalg.norm(h_emb + r_emb - t_emb, axis=-1)
    weight = 0.0
    score = weight * distance
    return score

if __name__ == "__main__":
    import jax
    _d = setup_inputs()
    print(jax.jit(kernel)(*tuple(_d.values())))

</pallas_src>

<mosaic_0001>
#map = affine_map<(d0, d1) -> (0)>
module attributes {stable_mosaic.version = 14 : i64} {
  func.func @_sc_body(%arg0: i32, %arg1: i32, %arg2: memref<2097152xf32, #tpu.memory_space<hbm>>, %arg3: memref<2097152xf32, #tpu.memory_space<hbm>>, %arg4: memref<2097152xf32, #tpu.memory_space<hbm>>, %arg5: memref<16384xf32, #tpu.memory_space<hbm>>, %arg6: memref<32768xf32, #tpu.memory_space<vmem>>, %arg7: memref<32768xf32, #tpu.memory_space<vmem>>, %arg8: memref<32768xf32, #tpu.memory_space<vmem>>, %arg9: memref<512xf32, #tpu.memory_space<vmem>>, %arg10: memref<2x3x!tpu.dma_semaphore, #tpu.memory_space<semaphore_mem>>) attributes {dimension_semantics = [#tpu.dimension_semantics<core_parallel>, #tpu.dimension_semantics<subcore_parallel>], iteration_bounds = array<i64: 2, 16>, scalar_prefetch = 0 : i64, scratch_operands = 5 : i64, tpu.core_type = #tpu.core_type<sc_vector_subcore>, window_params = [{transform_indices = #map}, {transform_indices = #map}, {transform_indices = #map}, {transform_indices = #map}]} {
    %mul3A = arith.constant 2 : i32
    %mul3A_0 = arith.muli %arg1, %mul3A : i32
    %add3A = arith.addi %mul3A_0, %arg0 : i32
    %mul3A_1 = arith.constant 512 : i32
    %mul3A_2 = arith.muli %add3A, %mul3A_1 : i32
    %iota3A = tpu.iota {dimensions = array<i32: 0>} : vector<16xi32>
    %mul3A_3 = arith.constant 128 : i32
    %mul3A_4 = vector.broadcast %mul3A_3 : i32 to vector<16xi32>
    %mul3A_5 = arith.muli %iota3A, %mul3A_4 : vector<16xi32>
    %add3A_6 = arith.constant 0 : i32
    %add3A_7 = arith.addi %mul3A_2, %add3A_6 : i32
    %mul3A_8 = arith.constant 128 : i32
    %mul3A_9 = arith.muli %add3A_7, %mul3A_8 : i32
    %dma_start3A = arith.constant 0 : i32
    %dma_start3A_10 = arith.constant 0 : i32
    %dma_start3A_11 = arith.constant 0 : i32
    %dma_start3A_12 = tpu.memref_slice %arg6[%dma_start3A_11] : memref<32768xf32, #tpu.memory_space<vmem>> -> memref<16384xf32, #tpu.memory_space<vmem>>
    %dma_start3A_13 = tpu.memref_slice %arg2[%mul3A_9] : memref<2097152xf32, #tpu.memory_space<hbm>> -> memref<16384xf32, #tpu.memory_space<hbm>>
    %dma_start3A_14 = tpu.memref_slice %arg10[%dma_start3A, %dma_start3A_10] : memref<2x3x!tpu.dma_semaphore, #tpu.memory_space<semaphore_mem>> -> memref<1x1x!tpu.dma_semaphore, #tpu.memory_space<semaphore_mem>>
    %dma_start3A_15 = tpu.memref_squeeze %dma_start3A_14 : memref<1x1x!tpu.dma_semaphore, #tpu.memory_space<semaphore_mem>> -> memref<!tpu.dma_semaphore, #tpu.memory_space<semaphore_mem>>
    %dma_start3A_16 = arith.constant 0 : i32
    %dma_start3A_17 = tpu.memref_slice %arg6[%dma_start3A_16] : memref<32768xf32, #tpu.memory_space<vmem>> -> memref<16384xf32, #tpu.memory_space<vmem>>
    %dma_start3A_18 = tpu.memref_slice %arg2[%mul3A_9] : memref<2097152xf32, #tpu.memory_space<hbm>> -> memref<16384xf32, #tpu.memory_space<hbm>>
    tpu.enqueue_dma source(%dma_start3A_18 : memref<16384xf32, #tpu.memory_space<hbm>>) target(%dma_start3A_17 : memref<16384xf32, #tpu.memory_space<vmem>>) target_semaphore(%dma_start3A_15 : memref<!tpu.dma_semaphore, #tpu.memory_space<semaphore_mem>>)
    %dma_start3A_19 = arith.constant 0 : i32
    %dma_start3A_20 = arith.constant 1 : i32
    %dma_start3A_21 = arith.constant 0 : i32
    %dma_start3A_22 = tpu.memref_slice %arg7[%dma_start3A_21] : memref<32768xf32, #tpu.memory_space<vmem>> -> memref<16384xf32, #tpu.memory_space<vmem>>
    %dma_start3A_23 = tpu.memref_slice %arg3[%mul3A_9] : memref<2097152xf32, #tpu.memory_space<hbm>> -> memref<16384xf32, #tpu.memory_space<hbm>>
    %dma_start3A_24 = tpu.memref_slice %arg10[%dma_start3A_19, %dma_start3A_20] : memref<2x3x!tpu.dma_semaphore, #tpu.memory_space<semaphore_mem>> -> memref<1x1x!tpu.dma_semaphore, #tpu.memory_space<semaphore_mem>>
    %dma_start3A_25 = tpu.memref_squeeze %dma_start3A_24 : memref<1x1x!tpu.dma_semaphore, #tpu.memory_space<semaphore_mem>> -> memref<!tpu.dma_semaphore, #tpu.memory_space<semaphore_mem>>
    %dma_start3A_26 = arith.constant 0 : i32
    %dma_start3A_27 = tpu.memref_slice %arg7[%dma_start3A_26] : memref<32768xf32, #tpu.memory_space<vmem>> -> memref<16384xf32, #tpu.memory_space<vmem>>
    %dma_start3A_28 = tpu.memref_slice %arg3[%mul3A_9] : memref<2097152xf32, #tpu.memory_space<hbm>> -> memref<16384xf32, #tpu.memory_space<hbm>>
    tpu.enqueue_dma source(%dma_start3A_28 : memref<16384xf32, #tpu.memory_space<hbm>>) target(%dma_start3A_27 : memref<16384xf32, #tpu.memory_space<vmem>>) target_semaphore(%dma_start3A_25 : memref<!tpu.dma_semaphore, #tpu.memory_space<semaphore_mem>>)
    %dma_start3A_29 = arith.constant 0 : i32
    %dma_start3A_30 = arith.constant 2 : i32
    %dma_start3A_31 = arith.constant 0 : i32
    %dma_start3A_32 = tpu.memref_slice %arg8[%dma_start3A_31] : memref<32768xf32, #tpu.memory_space<vmem>> -> memref<16384xf32, #tpu.memory_space<vmem>>
    %dma_start3A_33 = tpu.memref_slice %arg4[%mul3A_9] : memref<2097152xf32, #tpu.memory_space<hbm>> -> memref<16384xf32, #tpu.memory_space<hbm>>
    %dma_start3A_34 = tpu.memref_slice %arg10[%dma_start3A_29, %dma_start3A_30] : memref<2x3x!tpu.dma_semaphore, #tpu.memory_space<semaphore_mem>> -> memref<1x1x!tpu.dma_semaphore, #tpu.memory_space<semaphore_mem>>
    %dma_start3A_35 = tpu.memref_squeeze %dma_start3A_34 : memref<1x1x!tpu.dma_semaphore, #tpu.memory_space<semaphore_mem>> -> memref<!tpu.dma_semaphore, #tpu.memory_space<semaphore_mem>>
    %dma_start3A_36 = arith.constant 0 : i32
    %dma_start3A_37 = tpu.memref_slice %arg8[%dma_start3A_36] : memref<32768xf32, #tpu.memory_space<vmem>> -> memref<16384xf32, #tpu.memory_space<vmem>>
    %dma_start3A_38 = tpu.memref_slice %arg4[%mul3A_9] : memref<2097152xf32, #tpu.memory_space<hbm>> -> memref<16384xf32, #tpu.memory_space<hbm>>
    tpu.enqueue_dma source(%dma_start3A_38 : memref<16384xf32, #tpu.memory_space<hbm>>) target(%dma_start3A_37 : memref<16384xf32, #tpu.memory_space<vmem>>) target_semaphore(%dma_start3A_35 : memref<!tpu.dma_semaphore, #tpu.memory_space<semaphore_mem>>)
    %scan3A = arith.constant 0 : i32
    %scan3A_39 = arith.constant 0 : i32
    %scan3A_40 = arith.constant 4 : i32
    %scan3A_41 = arith.addi %scan3A_39, %scan3A_40 : i32
    %scan3A_42 = arith.constant 1 : i32
    %scan3A_43 = scf.for %scan3A_45 = %scan3A_39 to %scan3A_41 step %scan3A_42 iter_args(%scan3A_46 = %scan3A) -> (i32)  : i32 {
      %rem3A = arith.constant 2 : i32
      %rem3A_47 = arith.remsi %scan3A_45, %rem3A : i32
      %add3A_48 = arith.constant 1 : i32
      %add3A_49 = arith.addi %scan3A_45, %add3A_48 : i32
      %lt3A = arith.constant 4 : i32
      %lt3A_50 = arith.cmpi slt, %add3A_49, %lt3A : i32
      %convert_element_type3A = arith.extui %lt3A_50 : i1 to i32
      %cond3A = arith.constant 0 : i32
      %cond3A_51 = arith.cmpi ne, %convert_element_type3A, %cond3A : i32
      scf.if %cond3A_51 {
        %add3A_89 = arith.constant 1 : i32
        %add3A_90 = arith.addi %scan3A_45, %add3A_89 : i32
        %sub3A = arith.constant 1 : i32
        %sub3A_91 = arith.subi %sub3A, %rem3A_47 : i32
        %mul3A_92 = arith.constant 128 : i32
        %mul3A_93 = arith.muli %add3A_90, %mul3A_92 : i32
        %add3A_94 = arith.addi %mul3A_2, %mul3A_93 : i32
        %mul3A_95 = arith.constant 128 : i32
        %mul3A_96 = arith.muli %add3A_94, %mul3A_95 : i32
        %mul3A_97 = arith.constant 16384 : i32
        %mul3A_98 = arith.muli %sub3A_91, %mul3A_97 : i32
        %dma_start3A_99 = arith.constant 0 : i32
        %dma_start3A_100 = tpu.memref_slice %arg6[%mul3A_98] : memref<32768xf32, #tpu.memory_space<vmem>> -> memref<16384xf32, #tpu.memory_space<vmem>>
        %dma_start3A_101 = tpu.memref_slice %arg2[%mul3A_96] : memref<2097152xf32, #tpu.memory_space<hbm>> -> memref<16384xf32, #tpu.memory_space<hbm>>
        %dma_start3A_102 = tpu.memref_slice %arg10[%sub3A_91, %dma_start3A_99] : memref<2x3x!tpu.dma_semaphore, #tpu.memory_space<semaphore_mem>> -> memref<1x1x!tpu.dma_semaphore, #tpu.memory_space<semaphore_mem>>
        %dma_start3A_103 = tpu.memref_squeeze %dma_start3A_102 : memref<1x1x!tpu.dma_semaphore, #tpu.memory_space<semaphore_mem>> -> memref<!tpu.dma_semaphore, #tpu.memory_space<semaphore_mem>>
        %dma_start3A_104 = tpu.memref_slice %arg6[%mul3A_98] : memref<32768xf32, #tpu.memory_space<vmem>> -> memref<16384xf32, #tpu.memory_space<vmem>>
        %dma_start3A_105 = tpu.memref_slice %arg2[%mul3A_96] : memref<2097152xf32, #tpu.memory_space<hbm>> -> memref<16384xf32, #tpu.memory_space<hbm>>
        tpu.enqueue_dma source(%dma_start3A_105 : memref<16384xf32, #tpu.memory_space<hbm>>) target(%dma_start3A_104 : memref<16384xf32, #tpu.memory_space<vmem>>) target_semaphore(%dma_start3A_103 : memref<!tpu.dma_semaphore, #tpu.memory_space<semaphore_mem>>)
        %dma_start3A_106 = arith.constant 1 : i32
        %dma_start3A_107 = tpu.memref_slice %arg7[%mul3A_98] : memref<32768xf32, #tpu.memory_space<vmem>> -> memref<16384xf32, #tpu.memory_space<vmem>>
        %dma_start3A_108 = tpu.memref_slice %arg3[%mul3A_96] : memref<2097152xf32, #tpu.memory_space<hbm>> -> memref<16384xf32, #tpu.memory_space<hbm>>
        %dma_start3A_109 = tpu.memref_slice %arg10[%sub3A_91, %dma_start3A_106] : memref<2x3x!tpu.dma_semaphore, #tpu.memory_space<semaphore_mem>> -> memref<1x1x!tpu.dma_semaphore, #tpu.memory_space<semaphore_mem>>
        %dma_start3A_110 = tpu.memref_squeeze %dma_start3A_109 : memref<1x1x!tpu.dma_semaphore, #tpu.memory_space<semaphore_mem>> -> memref<!tpu.dma_semaphore, #tpu.memory_space<semaphore_mem>>
        %dma_start3A_111 = tpu.memref_slice %arg7[%mul3A_98] : memref<32768xf32, #tpu.memory_space<vmem>> -> memref<16384xf32, #tpu.memory_space<vmem>>
        %dma_start3A_112 = tpu.memref_slice %arg3[%mul3A_96] : memref<2097152xf32, #tpu.memory_space<hbm>> -> memref<16384xf32, #tpu.memory_space<hbm>>
        tpu.enqueue_dma source(%dma_start3A_112 : memref<16384xf32, #tpu.memory_space<hbm>>) target(%dma_start3A_111 : memref<16384xf32, #tpu.memory_space<vmem>>) target_semaphore(%dma_start3A_110 : memref<!tpu.dma_semaphore, #tpu.memory_space<semaphore_mem>>)
        %dma_start3A_113 = arith.constant 2 : i32
        %dma_start3A_114 = tpu.memref_slice %arg8[%mul3A_98] : memref<32768xf32, #tpu.memory_space<vmem>> -> memref<16384xf32, #tpu.memory_space<vmem>>
        %dma_start3A_115 = tpu.memref_slice %arg4[%mul3A_96] : memref<2097152xf32, #tpu.memory_space<hbm>> -> memref<16384xf32, #tpu.memory_space<hbm>>
        %dma_start3A_116 = tpu.memref_slice %arg10[%sub3A_91, %dma_start3A_113] : memref<2x3x!tpu.dma_semaphore, #tpu.memory_space<semaphore_mem>> -> memref<1x1x!tpu.dma_semaphore, #tpu.memory_space<semaphore_mem>>
        %dma_start3A_117 = tpu.memref_squeeze %dma_start3A_116 : memref<1x1x!tpu.dma_semaphore, #tpu.memory_space<semaphore_mem>> -> memref<!tpu.dma_semaphore, #tpu.memory_space<semaphore_mem>>
        %dma_start3A_118 = tpu.memref_slice %arg8[%mul3A_98] : memref<32768xf32, #tpu.memory_space<vmem>> -> memref<16384xf32, #tpu.memory_space<vmem>>
        %dma_start3A_119 = tpu.memref_slice %arg4[%mul3A_96] : memref<2097152xf32, #tpu.memory_space<hbm>> -> memref<16384xf32, #tpu.memory_space<hbm>>
        tpu.enqueue_dma source(%dma_start3A_119 : memref<16384xf32, #tpu.memory_space<hbm>>) target(%dma_start3A_118 : memref<16384xf32, #tpu.memory_space<vmem>>) target_semaphore(%dma_start3A_117 : memref<!tpu.dma_semaphore, #tpu.memory_space<semaphore_mem>>)
      } else {
      }
      %mul3A_52 = arith.constant 128 : i32
      %mul3A_53 = arith.muli %scan3A_45, %mul3A_52 : i32
      %add3A_54 = arith.addi %mul3A_2, %mul3A_53 : i32
      %mul3A_55 = arith.constant 128 : i32
      %mul3A_56 = arith.muli %add3A_54, %mul3A_55 : i32
      %mul3A_57 = arith.constant 16384 : i32
      %mul3A_58 = arith.muli %rem3A_47, %mul3A_57 : i32
      %dma_wait3A = arith.constant 0 : i32
      %dma_wait3A_59 = tpu.memref_slice %arg6[%mul3A_58] : memref<32768xf32, #tpu.memory_space<vmem>> -> memref<16384xf32, #tpu.memory_space<vmem>>
      %dma_wait3A_60 = tpu.memref_slice %arg2[%mul3A_56] : memref<2097152xf32, #tpu.memory_space<hbm>> -> memref<16384xf32, #tpu.memory_space<hbm>>
      %dma_wait3A_61 = tpu.memref_slice %arg10[%rem3A_47, %dma_wait3A] : memref<2x3x!tpu.dma_semaphore, #tpu.memory_space<semaphore_mem>> -> memref<1x1x!tpu.dma_semaphore, #tpu.memory_space<semaphore_mem>>
      %dma_wait3A_62 = tpu.memref_squeeze %dma_wait3A_61 : memref<1x1x!tpu.dma_semaphore, #tpu.memory_space<semaphore_mem>> -> memref<!tpu.dma_semaphore, #tpu.memory_space<semaphore_mem>>
      %dma_wait3A_63 = tpu.memref_slice %arg6[%mul3A_58] : memref<32768xf32, #tpu.memory_space<vmem>> -> memref<16384xf32, #tpu.memory_space<vmem>>
      %dma_wait3A_64 = tpu.memref_slice %arg2[%mul3A_56] : memref<2097152xf32, #tpu.memory_space<hbm>> -> memref<16384xf32, #tpu.memory_space<hbm>>
      tpu.wait_dma2 semaphore(%dma_wait3A_62 : memref<!tpu.dma_semaphore, #tpu.memory_space<semaphore_mem>>) src(%dma_wait3A_64 : memref<16384xf32, #tpu.memory_space<hbm>>) dst(%dma_wait3A_63 : memref<16384xf32, #tpu.memory_space<vmem>>)
      %dma_wait3A_65 = arith.constant 1 : i32
      %dma_wait3A_66 = tpu.memref_slice %arg7[%mul3A_58] : memref<32768xf32, #tpu.memory_space<vmem>> -> memref<16384xf32, #tpu.memory_space<vmem>>
      %dma_wait3A_67 = tpu.memref_slice %arg3[%mul3A_56] : memref<2097152xf32, #tpu.memory_space<hbm>> -> memref<16384xf32, #tpu.memory_space<hbm>>
      %dma_wait3A_68 = tpu.memref_slice %arg10[%rem3A_47, %dma_wait3A_65] : memref<2x3x!tpu.dma_semaphore, #tpu.memory_space<semaphore_mem>> -> memref<1x1x!tpu.dma_semaphore, #tpu.memory_space<semaphore_mem>>
      %dma_wait3A_69 = tpu.memref_squeeze %dma_wait3A_68 : memref<1x1x!tpu.dma_semaphore, #tpu.memory_space<semaphore_mem>> -> memref<!tpu.dma_semaphore, #tpu.memory_space<semaphore_mem>>
      %dma_wait3A_70 = tpu.memref_slice %arg7[%mul3A_58] : memref<32768xf32, #tpu.memory_space<vmem>> -> memref<16384xf32, #tpu.memory_space<vmem>>
      %dma_wait3A_71 = tpu.memref_slice %arg3[%mul3A_56] : memref<2097152xf32, #tpu.memory_space<hbm>> -> memref<16384xf32, #tpu.memory_space<hbm>>
      tpu.wait_dma2 semaphore(%dma_wait3A_69 : memref<!tpu.dma_semaphore, #tpu.memory_space<semaphore_mem>>) src(%dma_wait3A_71 : memref<16384xf32, #tpu.memory_space<hbm>>) dst(%dma_wait3A_70 : memref<16384xf32, #tpu.memory_space<vmem>>)
      %dma_wait3A_72 = arith.constant 2 : i32
      %dma_wait3A_73 = tpu.memref_slice %arg8[%mul3A_58] : memref<32768xf32, #tpu.memory_space<vmem>> -> memref<16384xf32, #tpu.memory_space<vmem>>
      %dma_wait3A_74 = tpu.memref_slice %arg4[%mul3A_56] : memref<2097152xf32, #tpu.memory_space<hbm>> -> memref<16384xf32, #tpu.memory_space<hbm>>
      %dma_wait3A_75 = tpu.memref_slice %arg10[%rem3A_47, %dma_wait3A_72] : memref<2x3x!tpu.dma_semaphore, #tpu.memory_space<semaphore_mem>> -> memref<1x1x!tpu.dma_semaphore, #tpu.memory_space<semaphore_mem>>
      %dma_wait3A_76 = tpu.memref_squeeze %dma_wait3A_75 : memref<1x1x!tpu.dma_semaphore, #tpu.memory_space<semaphore_mem>> -> memref<!tpu.dma_semaphore, #tpu.memory_space<semaphore_mem>>
      %dma_wait3A_77 = tpu.memref_slice %arg8[%mul3A_58] : memref<32768xf32, #tpu.memory_space<vmem>> -> memref<16384xf32, #tpu.memory_space<vmem>>
      %dma_wait3A_78 = tpu.memref_slice %arg4[%mul3A_56] : memref<2097152xf32, #tpu.memory_space<hbm>> -> memref<16384xf32, #tpu.memory_space<hbm>>
      tpu.wait_dma2 semaphore(%dma_wait3A_76 : memref<!tpu.dma_semaphore, #tpu.memory_space<semaphore_mem>>) src(%dma_wait3A_78 : memref<16384xf32, #tpu.memory_space<hbm>>) dst(%dma_wait3A_77 : memref<16384xf32, #tpu.memory_space<vmem>>)
      %mul3A_79 = arith.constant 16384 : i32
      %mul3A_80 = arith.muli %rem3A_47, %mul3A_79 : i32
      %scan3A_81 = arith.constant 0 : i32
      %scan3A_82 = arith.constant 0 : i32
      %scan3A_83 = arith.constant 8 : i32
      %scan3A_84 = arith.addi %scan3A_82, %scan3A_83 : i32
      %scan3A_85 = arith.constant 1 : i32
      %scan3A_86 = scf.for %scan3A_89 = %scan3A_82 to %scan3A_84 step %scan3A_85 iter_args(%scan3A_90 = %scan3A_81) -> (i32)  : i32 {
        %mul3A_91 = arith.constant 2048 : i32
        %mul3A_92 = arith.muli %scan3A_89, %mul3A_91 : i32
        %add3A_93 = arith.addi %mul3A_80, %mul3A_92 : i32
        %broadcast_in_dim3A = arith.constant 0.000000e+00 : f32
        %broadcast_in_dim3A_94 = vector.broadcast %broadcast_in_dim3A : f32 to vector<16xf32>
        %add3A_95 = arith.constant 0 : i32
        %add3A_96 = arith.addi %add3A_93, %add3A_95 : i32
        %add3A_97 = vector.broadcast %add3A_96 : i32 to vector<16xi32>
        %add3A_98 = arith.addi %mul3A_5, %add3A_97 : vector<16xi32>
        %gather3A = tpu.vector_load_idx %arg6[%add3A_98] : memref<32768xf32, #tpu.memory_space<vmem>>[vector<16xi32>], vector<16xf32>,
        %gather3A_99 = tpu.vector_load_idx %arg7[%add3A_98] : memref<32768xf32, #tpu.memory_space<vmem>>[vector<16xi32>], vector<16xf32>,
        %gather3A_100 = tpu.vector_load_idx %arg8[%add3A_98] : memref<32768xf32, #tpu.memory_space<vmem>>[vector<16xi32>], vector<16xf32>,
        %add3A_101 = arith.addf %gather3A, %gather3A_99 : vector<16xf32>
        %sub3A = arith.subf %add3A_101, %gather3A_100 : vector<16xf32>
        %mul3A_102 = arith.mulf %sub3A, %sub3A : vector<16xf32>
        %add3A_103 = arith.addf %broadcast_in_dim3A_94, %mul3A_102 : vector<16xf32>
        %add3A_104 = arith.constant 1 : i32
        %add3A_105 = arith.addi %add3A_93, %add3A_104 : i32
        %add3A_106 = vector.broadcast %add3A_105 : i32 to vector<16xi32>
        %add3A_107 = arith.addi %mul3A_5, %add3A_106 : vector<16xi32>
        %gather3A_108 = tpu.vector_load_idx %arg6[%add3A_107] : memref<32768xf32, #tpu.memory_space<vmem>>[vector<16xi32>], vector<16xf32>,
        %gather3A_109 = tpu.vector_load_idx %arg7[%add3A_107] : memref<32768xf32, #tpu.memory_space<vmem>>[vector<16xi32>], vector<16xf32>,
        %gather3A_110 = tpu.vector_load_idx %arg8[%add3A_107] : memref<32768xf32, #tpu.memory_space<vmem>>[vector<16xi32>], vector<16xf32>,
        %add3A_111 = arith.addf %gather3A_108, %gather3A_109 : vector<16xf32>
        %sub3A_112 = arith.subf %add3A_111, %gather3A_110 : vector<16xf32>
        %mul3A_113 = arith.mulf %sub3A_112, %sub3A_112 : vector<16xf32>
        %add3A_114 = arith.addf %add3A_103, %mul3A_113 : vector<16xf32>
        %add3A_115 = arith.constant 2 : i32
        %add3A_116 = arith.addi %add3A_93, %add3A_115 : i32
        %add3A_117 = vector.broadcast %add3A_116 : i32 to vector<16xi32>
        %add3A_118 = arith.addi %mul3A_5, %add3A_117 : vector<16xi32>
        %gather3A_119 = tpu.vector_load_idx %arg6[%add3A_118] : memref<32768xf32, #tpu.memory_space<vmem>>[vector<16xi32>], vector<16xf32>,
        %gather3A_120 = tpu.vector_load_idx %arg7[%add3A_118] : memref<32768xf32, #tpu.memory_space<vmem>>[vector<16xi32>], vector<16xf32>,
        %gather3A_121 = tpu.vector_load_idx %arg8[%add3A_118] : memref<32768xf32, #tpu.memory_space<vmem>>[vector<16xi32>], vector<16xf32>,
        %add3A_122 = arith.addf %gather3A_119, %gather3A_120 : vector<16xf32>
        %sub3A_123 = arith.subf %add3A_122, %gather3A_121 : vector<16xf32>
        %mul3A_124 = arith.mulf %sub3A_123, %sub3A_123 : vector<16xf32>
        %add3A_125 = arith.addf %add3A_114, %mul3A_124 : vector<16xf32>
        %add3A_126 = arith.constant 3 : i32
        %add3A_127 = arith.addi %add3A_93, %add3A_126 : i32
        %add3A_128 = vector.broadcast %add3A_127 : i32 to vector<16xi32>
        %add3A_129 = arith.addi %mul3A_5, %add3A_128 : vector<16xi32>
        %gather3A_130 = tpu.vector_load_idx %arg6[%add3A_129] : memref<32768xf32, #tpu.memory_space<vmem>>[vector<16xi32>], vector<16xf32>,
        %gather3A_131 = tpu.vector_load_idx %arg7[%add3A_129] : memref<32768xf32, #tpu.memory_space<vmem>>[vector<16xi32>], vector<16xf32>,
        %gather3A_132 = tpu.vector_load_idx %arg8[%add3A_129] : memref<32768xf32, #tpu.memory_space<vmem>>[vector<16xi32>], vector<16xf32>,
        %add3A_133 = arith.addf %gather3A_130, %gather3A_131 : vector<16xf32>
        %sub3A_134 = arith.subf %add3A_133, %gather3A_132 : vector<16xf32>
        %mul3A_135 = arith.mulf %sub3A_134, %sub3A_134 : vector<16xf32>
        %add3A_136 = arith.addf %add3A_125, %mul3A_135 : vector<16xf32>
        %add3A_137 = arith.constant 4 : i32
        %add3A_138 = arith.addi %add3A_93, %add3A_137 : i32
        %add3A_139 = vector.broadcast %add3A_138 : i32 to vector<16xi32>
        %add3A_140 = arith.addi %mul3A_5, %add3A_139 : vector<16xi32>
        %gather3A_141 = tpu.vector_load_idx %arg6[%add3A_140] : memref<32768xf32, #tpu.memory_space<vmem>>[vector<16xi32>], vector<16xf32>,
        %gather3A_142 = tpu.vector_load_idx %arg7[%add3A_140] : memref<32768xf32, #tpu.memory_space<vmem>>[vector<16xi32>], vector<16xf32>,
        %gather3A_143 = tpu.vector_load_idx %arg8[%add3A_140] : memref<32768xf32, #tpu.memory_space<vmem>>[vector<16xi32>], vector<16xf32>,
        %add3A_144 = arith.addf %gather3A_141, %gather3A_142 : vector<16xf32>
        %sub3A_145 = arith.subf %add3A_144, %gather3A_143 : vector<16xf32>
        %mul3A_146 = arith.mulf %sub3A_145, %sub3A_145 : vector<16xf32>
        %add3A_147 = arith.addf %add3A_136, %mul3A_146 : vector<16xf32>
        %add3A_148 = arith.constant 5 : i32
        %add3A_149 = arith.addi %add3A_93, %add3A_148 : i32
        %add3A_150 = vector.broadcast %add3A_149 : i32 to vector<16xi32>
        %add3A_151 = arith.addi %mul3A_5, %add3A_150 : vector<16xi32>
        %gather3A_152 = tpu.vector_load_idx %arg6[%add3A_151] : memref<32768xf32, #tpu.memory_space<vmem>>[vector<16xi32>], vector<16xf32>,
        %gather3A_153 = tpu.vector_load_idx %arg7[%add3A_151] : memref<32768xf32, #tpu.memory_space<vmem>>[vector<16xi32>], vector<16xf32>,
        %gather3A_154 = tpu.vector_load_idx %arg8[%add3A_151] : memref<32768xf32, #tpu.memory_space<vmem>>[vector<16xi32>], vector<16xf32>,
        %add3A_155 = arith.addf %gather3A_152, %gather3A_153 : vector<16xf32>
        %sub3A_156 = arith.subf %add3A_155, %gather3A_154 : vector<16xf32>
        %mul3A_157 = arith.mulf %sub3A_156, %sub3A_156 : vector<16xf32>
        %add3A_158 = arith.addf %add3A_147, %mul3A_157 : vector<16xf32>
        %add3A_159 = arith.constant 6 : i32
        %add3A_160 = arith.addi %add3A_93, %add3A_159 : i32
        %add3A_161 = vector.broadcast %add3A_160 : i32 to vector<16xi32>
        %add3A_162 = arith.addi %mul3A_5, %add3A_161 : vector<16xi32>
        %gather3A_163 = tpu.vector_load_idx %arg6[%add3A_162] : memref<32768xf32, #tpu.memory_space<vmem>>[vector<16xi32>], vector<16xf32>,
        %gather3A_164 = tpu.vector_load_idx %arg7[%add3A_162] : memref<32768xf32, #tpu.memory_space<vmem>>[vector<16xi32>], vector<16xf32>,
        %gather3A_165 = tpu.vector_load_idx %arg8[%add3A_162] : memref<32768xf32, #tpu.memory_space<vmem>>[vector<16xi32>], vector<16xf32>,
        %add3A_166 = arith.addf %gather3A_163, %gather3A_164 : vector<16xf32>
        %sub3A_167 = arith.subf %add3A_166, %gather3A_165 : vector<16xf32>
        %mul3A_168 = arith.mulf %sub3A_167, %sub3A_167 : vector<16xf32>
        %add3A_169 = arith.addf %add3A_158, %mul3A_168 : vector<16xf32>
        %add3A_170 = arith.constant 7 : i32
        %add3A_171 = arith.addi %add3A_93, %add3A_170 : i32
        %add3A_172 = vector.broadcast %add3A_171 : i32 to vector<16xi32>
        %add3A_173 = arith.addi %mul3A_5, %add3A_172 : vector<16xi32>
        %gather3A_174 = tpu.vector_load_idx %arg6[%add3A_173] : memref<32768xf32, #tpu.memory_space<vmem>>[vector<16xi32>], vector<16xf32>,
        %gather3A_175 = tpu.vector_load_idx %arg7[%add3A_173] : memref<32768xf32, #tpu.memory_space<vmem>>[vector<16xi32>], vector<16xf32>,
        %gather3A_176 = tpu.vector_load_idx %arg8[%add3A_173] : memref<32768xf32, #tpu.memory_space<vmem>>[vector<16xi32>], vector<16xf32>,
        %add3A_177 = arith.addf %gather3A_174, %gather3A_175 : vector<16xf32>
        %sub3A_178 = arith.subf %add3A_177, %gather3A_176 : vector<16xf32>
        %mul3A_179 = arith.mulf %sub3A_178, %sub3A_178 : vector<16xf32>
        %add3A_180 = arith.addf %add3A_169, %mul3A_179 : vector<16xf32>
        %add3A_181 = arith.constant 8 : i32
        %add3A_182 = arith.addi %add3A_93, %add3A_181 : i32
        %add3A_183 = vector.broadcast %add3A_182 : i32 to vector<16xi32>
        %add3A_184 = arith.addi %mul3A_5, %add3A_183 : vector<16xi32>
        %gather3A_185 = tpu.vector_load_idx %arg6[%add3A_184] : memref<32768xf32, #tpu.memory_space<vmem>>[vector<16xi32>], vector<16xf32>,
        %gather3A_186 = tpu.vector_load_idx %arg7[%add3A_184] : memref<32768xf32, #tpu.memory_space<vmem>>[vector<16xi32>], vector<16xf32>,
        %gather3A_187 = tpu.vector_load_idx %arg8[%add3A_184] : memref<32768xf32, #tpu.memory_space<vmem>>[vector<16xi32>], vector<16xf32>,
        %add3A_188 = arith.addf %gather3A_185, %gather3A_186 : vector<16xf32>
        %sub3A_189 = arith.subf %add3A_188, %gather3A_187 : vector<16xf32>
        %mul3A_190 = arith.mulf %sub3A_189, %sub3A_189 : vector<16xf32>
        %add3A_191 = arith.addf %add3A_180, %mul3A_190 : vector<16xf32>
        %add3A_192 = arith.constant 9 : i32
        %add3A_193 = arith.addi %add3A_93, %add3A_192 : i32
        %add3A_194 = vector.broadcast %add3A_193 : i32 to vector<16xi32>
        %add3A_195 = arith.addi %mul3A_5, %add3A_194 : vector<16xi32>
        %gather3A_196 = tpu.vector_load_idx %arg6[%add3A_195] : memref<32768xf32, #tpu.memory_space<vmem>>[vector<16xi32>], vector<16xf32>,
        %gather3A_197 = tpu.vector_load_idx %arg7[%add3A_195] : memref<32768xf32, #tpu.memory_space<vmem>>[vector<16xi32>], vector<16xf32>,
        %gather3A_198 = tpu.vector_load_idx %arg8[%add3A_195] : memref<32768xf32, #tpu.memory_space<vmem>>[vector<16xi32>], vector<16xf32>,
        %add3A_199 = arith.addf %gather3A_196, %gather3A_197 : vector<16xf32>
        %sub3A_200 = arith.subf %add3A_199, %gather3A_198 : vector<16xf32>
        %mul3A_201 = arith.mulf %sub3A_200, %sub3A_200 : vector<16xf32>
        %add3A_202 = arith.addf %add3A_191, %mul3A_201 : vector<16xf32>
        %add3A_203 = arith.constant 10 : i32
        %add3A_204 = arith.addi %add3A_93, %add3A_203 : i32
        %add3A_205 = vector.broadcast %add3A_204 : i32 to vector<16xi32>
        %add3A_206 = arith.addi %mul3A_5, %add3A_205 : vector<16xi32>
        %gather3A_207 = tpu.vector_load_idx %arg6[%add3A_206] : memref<32768xf32, #tpu.memory_space<vmem>>[vector<16xi32>], vector<16xf32>,
        %gather3A_208 = tpu.vector_load_idx %arg7[%add3A_206] : memref<32768xf32, #tpu.memory_space<vmem>>[vector<16xi32>], vector<16xf32>,
        %gather3A_209 = tpu.vector_load_idx %arg8[%add3A_206] : memref<32768xf32, #tpu.memory_space<vmem>>[vector<16xi32>], vector<16xf32>,
        %add3A_210 = arith.addf %gather3A_207, %gather3A_208 : vector<16xf32>
        %sub3A_211 = arith.subf %add3A_210, %gather3A_209 : vector<16xf32>
        %mul3A_212 = arith.mulf %sub3A_211, %sub3A_211 : vector<16xf32>
        %add3A_213 = arith.addf %add3A_202, %mul3A_212 : vector<16xf32>
        %add3A_214 = arith.constant 11 : i32
        %add3A_215 = arith.addi %add3A_93, %add3A_214 : i32
        %add3A_216 = vector.broadcast %add3A_215 : i32 to vector<16xi32>
        %add3A_217 = arith.addi %mul3A_5, %add3A_216 : vector<16xi32>
        %gather3A_218 = tpu.vector_load_idx %arg6[%add3A_217] : memref<32768xf32, #tpu.memory_space<vmem>>[vector<16xi32>], vector<16xf32>,
        %gather3A_219 = tpu.vector_load_idx %arg7[%add3A_217] : memref<32768xf32, #tpu.memory_space<vmem>>[vector<16xi32>], vector<16xf32>,
        %gather3A_220 = tpu.vector_load_idx %arg8[%add3A_217] : memref<32768xf32, #tpu.memory_space<vmem>>[vector<16xi32>], vector<16xf32>,
        %add3A_221 = arith.addf %gather3A_218, %gather3A_219 : vector<16xf32>
        %sub3A_222 = arith.subf %add3A_221, %gather3A_220 : vector<16xf32>
        %mul3A_223 = arith.mulf %sub3A_222, %sub3A_222 : vector<16xf32>
        %add3A_224 = arith.addf %add3A_213, %mul3A_223 : vector<16xf32>
        %add3A_225 = arith.constant 12 : i32
        %add3A_226 = arith.addi %add3A_93, %add3A_225 : i32
        %add3A_227 = vector.broadcast %add3A_226 : i32 to vector<16xi32>
        %add3A_228 = arith.addi %mul3A_5, %add3A_227 : vector<16xi32>
        %gather3A_229 = tpu.vector_load_idx %arg6[%add3A_228] : memref<32768xf32, #tpu.memory_space<vmem>>[vector<16xi32>], vector<16xf32>,
        %gather3A_230 = tpu.vector_load_idx %arg7[%add3A_228] : memref<32768xf32, #tpu.memory_space<vmem>>[vector<16xi32>], vector<16xf32>,
        %gather3A_231 = tpu.vector_load_idx %arg8[%add3A_228] : memref<32768xf32, #tpu.memory_space<vmem>>[vector<16xi32>], vector<16xf32>,
        %add3A_232 = arith.addf %gather3A_229, %gather3A_230 : vector<16xf32>
        %sub3A_233 = arith.subf %add3A_232, %gather3A_231 : vector<16xf32>
        %mul3A_234 = arith.mulf %sub3A_233, %sub3A_233 : vector<16xf32>
        %add3A_235 = arith.addf %add3A_224, %mul3A_234 : vector<16xf32>
        %add3A_236 = arith.constant 13 : i32
        %add3A_237 = arith.addi %add3A_93, %add3A_236 : i32
        %add3A_238 = vector.broadcast %add3A_237 : i32 to vector<16xi32>
        %add3A_239 = arith.addi %mul3A_5, %add3A_238 : vector<16xi32>
        %gather3A_240 = tpu.vector_load_idx %arg6[%add3A_239] : memref<32768xf32, #tpu.memory_space<vmem>>[vector<16xi32>], vector<16xf32>,
        %gather3A_241 = tpu.vector_load_idx %arg7[%add3A_239] : memref<32768xf32, #tpu.memory_space<vmem>>[vector<16xi32>], vector<16xf32>,
        %gather3A_242 = tpu.vector_load_idx %arg8[%add3A_239] : memref<32768xf32, #tpu.memory_space<vmem>>[vector<16xi32>], vector<16xf32>,
        %add3A_243 = arith.addf %gather3A_240, %gather3A_241 : vector<16xf32>
        %sub3A_244 = arith.subf %add3A_243, %gather3A_242 : vector<16xf32>
        %mul3A_245 = arith.mulf %sub3A_244, %sub3A_244 : vector<16xf32>
        %add3A_246 = arith.addf %add3A_235, %mul3A_245 : vector<16xf32>
        %add3A_247 = arith.constant 14 : i32
        %add3A_248 = arith.addi %add3A_93, %add3A_247 : i32
        %add3A_249 = vector.broadcast %add3A_248 : i32 to vector<16xi32>
        %add3A_250 = arith.addi %mul3A_5, %add3A_249 : vector<16xi32>
        %gather3A_251 = tpu.vector_load_idx %arg6[%add3A_250] : memref<32768xf32, #tpu.memory_space<vmem>>[vector<16xi32>], vector<16xf32>,
        %gather3A_252 = tpu.vector_load_idx %arg7[%add3A_250] : memref<32768xf32, #tpu.memory_space<vmem>>[vector<16xi32>], vector<16xf32>,
        %gather3A_253 = tpu.vector_load_idx %arg8[%add3A_250] : memref<32768xf32, #tpu.memory_space<vmem>>[vector<16xi32>], vector<16xf32>,
        %add3A_254 = arith.addf %gather3A_251, %gather3A_252 : vector<16xf32>
        %sub3A_255 = arith.subf %add3A_254, %gather3A_253 : vector<16xf32>
        %mul3A_256 = arith.mulf %sub3A_255, %sub3A_255 : vector<16xf32>
        %add3A_257 = arith.addf %add3A_246, %mul3A_256 : vector<16xf32>
        %add3A_258 = arith.constant 15 : i32
        %add3A_259 = arith.addi %add3A_93, %add3A_258 : i32
        %add3A_260 = vector.broadcast %add3A_259 : i32 to vector<16xi32>
        %add3A_261 = arith.addi %mul3A_5, %add3A_260 : vector<16xi32>
        %gather3A_262 = tpu.vector_load_idx %arg6[%add3A_261] : memref<32768xf32, #tpu.memory_space<vmem>>[vector<16xi32>], vector<16xf32>,
        %gather3A_263 = tpu.vector_load_idx %arg7[%add3A_261] : memref<32768xf32, #tpu.memory_space<vmem>>[vector<16xi32>], vector<16xf32>,
        %gather3A_264 = tpu.vector_load_idx %arg8[%add3A_261] : memref<32768xf32, #tpu.memory_space<vmem>>[vector<16xi32>], vector<16xf32>,
        %add3A_265 = arith.addf %gather3A_262, %gather3A_263 : vector<16xf32>
        %sub3A_266 = arith.subf %add3A_265, %gather3A_264 : vector<16xf32>
        %mul3A_267 = arith.mulf %sub3A_266, %sub3A_266 : vector<16xf32>
        %add3A_268 = arith.addf %add3A_257, %mul3A_267 : vector<16xf32>
        %add3A_269 = arith.constant 16 : i32
        %add3A_270 = arith.addi %add3A_93, %add3A_269 : i32
        %add3A_271 = vector.broadcast %add3A_270 : i32 to vector<16xi32>
        %add3A_272 = arith.addi %mul3A_5, %add3A_271 : vector<16xi32>
        %gather3A_273 = tpu.vector_load_idx %arg6[%add3A_272] : memref<32768xf32, #tpu.memory_space<vmem>>[vector<16xi32>], vector<16xf32>,
        %gather3A_274 = tpu.vector_load_idx %arg7[%add3A_272] : memref<32768xf32, #tpu.memory_space<vmem>>[vector<16xi32>], vector<16xf32>,
        %gather3A_275 = tpu.vector_load_idx %arg8[%add3A_272] : memref<32768xf32, #tpu.memory_space<vmem>>[vector<16xi32>], vector<16xf32>,
        %add3A_276 = arith.addf %gather3A_273, %gather3A_274 : vector<16xf32>
        %sub3A_277 = arith.subf %add3A_276, %gather3A_275 : vector<16xf32>
        %mul3A_278 = arith.mulf %sub3A_277, %sub3A_277 : vector<16xf32>
        %add3A_279 = arith.addf %add3A_268, %mul3A_278 : vector<16xf32>
        %add3A_280 = arith.constant 17 : i32
        %add3A_281 = arith.addi %add3A_93, %add3A_280 : i32
        %add3A_282 = vector.broadcast %add3A_281 : i32 to vector<16xi32>
        %add3A_283 = arith.addi %mul3A_5, %add3A_282 : vector<16xi32>
        %gather3A_284 = tpu.vector_load_idx %arg6[%add3A_283] : memref<32768xf32, #tpu.memory_space<vmem>>[vector<16xi32>], vector<16xf32>,
        %gather3A_285 = tpu.vector_load_idx %arg7[%add3A_283] : memref<32768xf32, #tpu.memory_space<vmem>>[vector<16xi32>], vector<16xf32>,
        %gather3A_286 = tpu.vector_load_idx %arg8[%add3A_283] : memref<32768xf32, #tpu.memory_space<vmem>>[vector<16xi32>], vector<16xf32>,
        %add3A_287 = arith.addf %gather3A_284, %gather3A_285 : vector<16xf32>
        %sub3A_288 = arith.subf %add3A_287, %gather3A_286 : vector<16xf32>
        %mul3A_289 = arith.mulf %sub3A_288, %sub3A_288 : vector<16xf32>
        %add3A_290 = arith.addf %add3A_279, %mul3A_289 : vector<16xf32>
        %add3A_291 = arith.constant 18 : i32
        %add3A_292 = arith.addi %add3A_93, %add3A_291 : i32
        %add3A_293 = vector.broadcast %add3A_292 : i32 to vector<16xi32>
        %add3A_294 = arith.addi %mul3A_5, %add3A_293 : vector<16xi32>
        %gather3A_295 = tpu.vector_load_idx %arg6[%add3A_294] : memref<32768xf32, #tpu.memory_space<vmem>>[vector<16xi32>], vector<16xf32>,
        %gather3A_296 = tpu.vector_load_idx %arg7[%add3A_294] : memref<32768xf32, #tpu.memory_space<vmem>>[vector<16xi32>], vector<16xf32>,
        %gather3A_297 = tpu.vector_load_idx %arg8[%add3A_294] : memref<32768xf32, #tpu.memory_space<vmem>>[vector<16xi32>], vector<16xf32>,
        %add3A_298 = arith.addf %gather3A_295, %gather3A_296 : vector<16xf32>
        %sub3A_299 = arith.subf %add3A_298, %gather3A_297 : vector<16xf32>
        %mul3A_300 = arith.mulf %sub3A_299, %sub3A_299 : vector<16xf32>
        %add3A_301 = arith.addf %add3A_290, %mul3A_300 : vector<16xf32>
        %add3A_302 = arith.constant 19 : i32
        %add3A_303 = arith.addi %add3A_93, %add3A_302 : i32
        %add3A_304 = vector.broadcast %add3A_303 : i32 to vector<16xi32>
        %add3A_305 = arith.addi %mul3A_5, %add3A_304 : vector<16xi32>
        %gather3A_306 = tpu.vector_load_idx %arg6[%add3A_305] : memref<32768xf32, #tpu.memory_space<vmem>>[vector<16xi32>], vector<16xf32>,
        %gather3A_307 = tpu.vector_load_idx %arg7[%add3A_305] : memref<32768xf32, #tpu.memory_space<vmem>>[vector<16xi32>], vector<16xf32>,
        %gather3A_308 = tpu.vector_load_idx %arg8[%add3A_305] : memref<32768xf32, #tpu.memory_space<vmem>>[vector<16xi32>], vector<16xf32>,
        %add3A_309 = arith.addf %gather3A_306, %gather3A_307 : vector<16xf32>
        %sub3A_310 = arith.subf %add3A_309, %gather3A_308 : vector<16xf32>
        %mul3A_311 = arith.mulf %sub3A_310, %sub3A_310 : vector<16xf32>
        %add3A_312 = arith.addf %add3A_301, %mul3A_311 : vector<16xf32>
        %add3A_313 = arith.constant 20 : i32
        %add3A_314 = arith.addi %add3A_93, %add3A_313 : i32
        %add3A_315 = vector.broadcast %add3A_314 : i32 to vector<16xi32>
        %add3A_316 = arith.addi %mul3A_5, %add3A_315 : vector<16xi32>
        %gather3A_317 = tpu.vector_load_idx %arg6[%add3A_316] : memref<32768xf32, #tpu.memory_space<vmem>>[vector<16xi32>], vector<16xf32>,
        %gather3A_318 = tpu.vector_load_idx %arg7[%add3A_316] : memref<32768xf32, #tpu.memory_space<vmem>>[vector<16xi32>], vector<16xf32>,
        %gather3A_319 = tpu.vector_load_idx %arg8[%add3A_316] : memref<32768xf32, #tpu.memory_space<vmem>>[vector<16xi32>], vector<16xf32>,
        %add3A_320 = arith.addf %gather3A_317, %gather3A_318 : vector<16xf32>
        %sub3A_321 = arith.subf %add3A_320, %gather3A_319 : vector<16xf32>
        %mul3A_322 = arith.mulf %sub3A_321, %sub3A_321 : vector<16xf32>
        %add3A_323 = arith.addf %add3A_312, %mul3A_322 : vector<16xf32>
        %add3A_324 = arith.constant 21 : i32
        %add3A_325 = arith.addi %add3A_93, %add3A_324 : i32
        %add3A_326 = vector.broadcast %add3A_325 : i32 to vector<16xi32>
        %add3A_327 = arith.addi %mul3A_5, %add3A_326 : vector<16xi32>
        %gather3A_328 = tpu.vector_load_idx %arg6[%add3A_327] : memref<32768xf32, #tpu.memory_space<vmem>>[vector<16xi32>], vector<16xf32>,
        %gather3A_329 = tpu.vector_load_idx %arg7[%add3A_327] : memref<32768xf32, #tpu.memory_space<vmem>>[vector<16xi32>], vector<16xf32>,
        %gather3A_330 = tpu.vector_load_idx %arg8[%add3A_327] : memref<32768xf32, #tpu.memory_space<vmem>>[vector<16xi32>], vector<16xf32>,
        %add3A_331 = arith.addf %gather3A_328, %gather3A_329 : vector<16xf32>
        %sub3A_332 = arith.subf %add3A_331, %gather3A_330 : vector<16xf32>
        %mul3A_333 = arith.mulf %sub3A_332, %sub3A_332 : vector<16xf32>
        %add3A_334 = arith.addf %add3A_323, %mul3A_333 : vector<16xf32>
        %add3A_335 = arith.constant 22 : i32
        %add3A_336 = arith.addi %add3A_93, %add3A_335 : i32
        %add3A_337 = vector.broadcast %add3A_336 : i32 to vector<16xi32>
        %add3A_338 = arith.addi %mul3A_5, %add3A_337 : vector<16xi32>
        %gather3A_339 = tpu.vector_load_idx %arg6[%add3A_338] : memref<32768xf32, #tpu.memory_space<vmem>>[vector<16xi32>], vector<16xf32>,
        %gather3A_340 = tpu.vector_load_idx %arg7[%add3A_338] : memref<32768xf32, #tpu.memory_space<vmem>>[vector<16xi32>], vector<16xf32>,
        %gather3A_341 = tpu.vector_load_idx %arg8[%add3A_338] : memref<32768xf32, #tpu.memory_space<vmem>>[vector<16xi32>], vector<16xf32>,
        %add3A_342 = arith.addf %gather3A_339, %gather3A_340 : vector<16xf32>
        %sub3A_343 = arith.subf %add3A_342, %gather3A_341 : vector<16xf32>
        %mul3A_344 = arith.mulf %sub3A_343, %sub3A_343 : vector<16xf32>
        %add3A_345 = arith.addf %add3A_334, %mul3A_344 : vector<16xf32>
        %add3A_346 = arith.constant 23 : i32
        %add3A_347 = arith.addi %add3A_93, %add3A_346 : i32
        %add3A_348 = vector.broadcast %add3A_347 : i32 to vector<16xi32>
        %add3A_349 = arith.addi %mul3A_5, %add3A_348 : vector<16xi32>
        %gather3A_350 = tpu.vector_load_idx %arg6[%add3A_349] : memref<32768xf32, #tpu.memory_space<vmem>>[vector<16xi32>], vector<16xf32>,
        %gather3A_351 = tpu.vector_load_idx %arg7[%add3A_349] : memref<32768xf32, #tpu.memory_space<vmem>>[vector<16xi32>], vector<16xf32>,
        %gather3A_352 = tpu.vector_load_idx %arg8[%add3A_349] : memref<32768xf32, #tpu.memory_space<vmem>>[vector<16xi32>], vector<16xf32>,
        %add3A_353 = arith.addf %gather3A_350, %gather3A_351 : vector<16xf32>
        %sub3A_354 = arith.subf %add3A_353, %gather3A_352 : vector<16xf32>
        %mul3A_355 = arith.mulf %sub3A_354, %sub3A_354 : vector<16xf32>
        %add3A_356 = arith.addf %add3A_345, %mul3A_355 : vector<16xf32>
        %add3A_357 = arith.constant 24 : i32
        %add3A_358 = arith.addi %add3A_93, %add3A_357 : i32
        %add3A_359 = vector.broadcast %add3A_358 : i32 to vector<16xi32>
        %add3A_360 = arith.addi %mul3A_5, %add3A_359 : vector<16xi32>
        %gather3A_361 = tpu.vector_load_idx %arg6[%add3A_360] : memref<32768xf32, #tpu.memory_space<vmem>>[vector<16xi32>], vector<16xf32>,
        %gather3A_362 = tpu.vector_load_idx %arg7[%add3A_360] : memref<32768xf32, #tpu.memory_space<vmem>>[vector<16xi32>], vector<16xf32>,
        %gather3A_363 = tpu.vector_load_idx %arg8[%add3A_360] : memref<32768xf32, #tpu.memory_space<vmem>>[vector<16xi32>], vector<16xf32>,
        %add3A_364 = arith.addf %gather3A_361, %gather3A_362 : vector<16xf32>
        %sub3A_365 = arith.subf %add3A_364, %gather3A_363 : vector<16xf32>
        %mul3A_366 = arith.mulf %sub3A_365, %sub3A_365 : vector<16xf32>
        %add3A_367 = arith.addf %add3A_356, %mul3A_366 : vector<16xf32>
        %add3A_368 = arith.constant 25 : i32
        %add3A_369 = arith.addi %add3A_93, %add3A_368 : i32
        %add3A_370 = vector.broadcast %add3A_369 : i32 to vector<16xi32>
        %add3A_371 = arith.addi %mul3A_5, %add3A_370 : vector<16xi32>
        %gather3A_372 = tpu.vector_load_idx %arg6[%add3A_371] : memref<32768xf32, #tpu.memory_space<vmem>>[vector<16xi32>], vector<16xf32>,
        %gather3A_373 = tpu.vector_load_idx %arg7[%add3A_371] : memref<32768xf32, #tpu.memory_space<vmem>>[vector<16xi32>], vector<16xf32>,
        %gather3A_374 = tpu.vector_load_idx %arg8[%add3A_371] : memref<32768xf32, #tpu.memory_space<vmem>>[vector<16xi32>], vector<16xf32>,
        %add3A_375 = arith.addf %gather3A_372, %gather3A_373 : vector<16xf32>
        %sub3A_376 = arith.subf %add3A_375, %gather3A_374 : vector<16xf32>
        %mul3A_377 = arith.mulf %sub3A_376, %sub3A_376 : vector<16xf32>
        %add3A_378 = arith.addf %add3A_367, %mul3A_377 : vector<16xf32>
        %add3A_379 = arith.constant 26 : i32
        %add3A_380 = arith.addi %add3A_93, %add3A_379 : i32
        %add3A_381 = vector.broadcast %add3A_380 : i32 to vector<16xi32>
        %add3A_382 = arith.addi %mul3A_5, %add3A_381 : vector<16xi32>
        %gather3A_383 = tpu.vector_load_idx %arg6[%add3A_382] : memref<32768xf32, #tpu.memory_space<vmem>>[vector<16xi32>], vector<16xf32>,
        %gather3A_384 = tpu.vector_load_idx %arg7[%add3A_382] : memref<32768xf32, #tpu.memory_space<vmem>>[vector<16xi32>], vector<16xf32>,
        %gather3A_385 = tpu.vector_load_idx %arg8[%add3A_382] : memref<32768xf32, #tpu.memory_space<vmem>>[vector<16xi32>], vector<16xf32>,
        %add3A_386 = arith.addf %gather3A_383, %gather3A_384 : vector<16xf32>
        %sub3A_387 = arith.subf %add3A_386, %gather3A_385 : vector<16xf32>
        %mul3A_388 = arith.mulf %sub3A_387, %sub3A_387 : vector<16xf32>
        %add3A_389 = arith.addf %add3A_378, %mul3A_388 : vector<16xf32>
        %add3A_390 = arith.constant 27 : i32
        %add3A_391 = arith.addi %add3A_93, %add3A_390 : i32
        %add3A_392 = vector.broadcast %add3A_391 : i32 to vector<16xi32>
        %add3A_393 = arith.addi %mul3A_5, %add3A_392 : vector<16xi32>
        %gather3A_394 = tpu.vector_load_idx %arg6[%add3A_393] : memref<32768xf32, #tpu.memory_space<vmem>>[vector<16xi32>], vector<16xf32>,
        %gather3A_395 = tpu.vector_load_idx %arg7[%add3A_393] : memref<32768xf32, #tpu.memory_space<vmem>>[vector<16xi32>], vector<16xf32>,
        %gather3A_396 = tpu.vector_load_idx %arg8[%add3A_393] : memref<32768xf32, #tpu.memory_space<vmem>>[vector<16xi32>], vector<16xf32>,
        %add3A_397 = arith.addf %gather3A_394, %gather3A_395 : vector<16xf32>
        %sub3A_398 = arith.subf %add3A_397, %gather3A_396 : vector<16xf32>
        %mul3A_399 = arith.mulf %sub3A_398, %sub3A_398 : vector<16xf32>
        %add3A_400 = arith.addf %add3A_389, %mul3A_399 : vector<16xf32>
        %add3A_401 = arith.constant 28 : i32
        %add3A_402 = arith.addi %add3A_93, %add3A_401 : i32
        %add3A_403 = vector.broadcast %add3A_402 : i32 to vector<16xi32>
        %add3A_404 = arith.addi %mul3A_5, %add3A_403 : vector<16xi32>
        %gather3A_405 = tpu.vector_load_idx %arg6[%add3A_404] : memref<32768xf32, #tpu.memory_space<vmem>>[vector<16xi32>], vector<16xf32>,
        %gather3A_406 = tpu.vector_load_idx %arg7[%add3A_404] : memref<32768xf32, #tpu.memory_space<vmem>>[vector<16xi32>], vector<16xf32>,
        %gather3A_407 = tpu.vector_load_idx %arg8[%add3A_404] : memref<32768xf32, #tpu.memory_space<vmem>>[vector<16xi32>], vector<16xf32>,
        %add3A_408 = arith.addf %gather3A_405, %gather3A_406 : vector<16xf32>
        %sub3A_409 = arith.subf %add3A_408, %gather3A_407 : vector<16xf32>
        %mul3A_410 = arith.mulf %sub3A_409, %sub3A_409 : vector<16xf32>
        %add3A_411 = arith.addf %add3A_400, %mul3A_410 : vector<16xf32>
        %add3A_412 = arith.constant 29 : i32
        %add3A_413 = arith.addi %add3A_93, %add3A_412 : i32
        %add3A_414 = vector.broadcast %add3A_413 : i32 to vector<16xi32>
        %add3A_415 = arith.addi %mul3A_5, %add3A_414 : vector<16xi32>
        %gather3A_416 = tpu.vector_load_idx %arg6[%add3A_415] : memref<32768xf32, #tpu.memory_space<vmem>>[vector<16xi32>], vector<16xf32>,
        %gather3A_417 = tpu.vector_load_idx %arg7[%add3A_415] : memref<32768xf32, #tpu.memory_space<vmem>>[vector<16xi32>], vector<16xf32>,
        %gather3A_418 = tpu.vector_load_idx %arg8[%add3A_415] : memref<32768xf32, #tpu.memory_space<vmem>>[vector<16xi32>], vector<16xf32>,
        %add3A_419 = arith.addf %gather3A_416, %gather3A_417 : vector<16xf32>
        %sub3A_420 = arith.subf %add3A_419, %gather3A_418 : vector<16xf32>
        %mul3A_421 = arith.mulf %sub3A_420, %sub3A_420 : vector<16xf32>
        %add3A_422 = arith.addf %add3A_411, %mul3A_421 : vector<16xf32>
        %add3A_423 = arith.constant 30 : i32
        %add3A_424 = arith.addi %add3A_93, %add3A_423 : i32
        %add3A_425 = vector.broadcast %add3A_424 : i32 to vector<16xi32>
        %add3A_426 = arith.addi %mul3A_5, %add3A_425 : vector<16xi32>
        %gather3A_427 = tpu.vector_load_idx %arg6[%add3A_426] : memref<32768xf32, #tpu.memory_space<vmem>>[vector<16xi32>], vector<16xf32>,
        %gather3A_428 = tpu.vector_load_idx %arg7[%add3A_426] : memref<32768xf32, #tpu.memory_space<vmem>>[vector<16xi32>], vector<16xf32>,
        %gather3A_429 = tpu.vector_load_idx %arg8[%add3A_426] : memref<32768xf32, #tpu.memory_space<vmem>>[vector<16xi32>], vector<16xf32>,
        %add3A_430 = arith.addf %gather3A_427, %gather3A_428 : vector<16xf32>
        %sub3A_431 = arith.subf %add3A_430, %gather3A_429 : vector<16xf32>
        %mul3A_432 = arith.mulf %sub3A_431, %sub3A_431 : vector<16xf32>
        %add3A_433 = arith.addf %add3A_422, %mul3A_432 : vector<16xf32>
        %add3A_434 = arith.constant 31 : i32
        %add3A_435 = arith.addi %add3A_93, %add3A_434 : i32
        %add3A_436 = vector.broadcast %add3A_435 : i32 to vector<16xi32>
        %add3A_437 = arith.addi %mul3A_5, %add3A_436 : vector<16xi32>
        %gather3A_438 = tpu.vector_load_idx %arg6[%add3A_437] : memref<32768xf32, #tpu.memory_space<vmem>>[vector<16xi32>], vector<16xf32>,
        %gather3A_439 = tpu.vector_load_idx %arg7[%add3A_437] : memref<32768xf32, #tpu.memory_space<vmem>>[vector<16xi32>], vector<16xf32>,
        %gather3A_440 = tpu.vector_load_idx %arg8[%add3A_437] : memref<32768xf32, #tpu.memory_space<vmem>>[vector<16xi32>], vector<16xf32>,
        %add3A_441 = arith.addf %gather3A_438, %gather3A_439 : vector<16xf32>
        %sub3A_442 = arith.subf %add3A_441, %gather3A_440 : vector<16xf32>
        %mul3A_443 = arith.mulf %sub3A_442, %sub3A_442 : vector<16xf32>
        %add3A_444 = arith.addf %add3A_433, %mul3A_443 : vector<16xf32>
        %add3A_445 = arith.constant 32 : i32
        %add3A_446 = arith.addi %add3A_93, %add3A_445 : i32
        %add3A_447 = vector.broadcast %add3A_446 : i32 to vector<16xi32>
        %add3A_448 = arith.addi %mul3A_5, %add3A_447 : vector<16xi32>
        %gather3A_449 = tpu.vector_load_idx %arg6[%add3A_448] : memref<32768xf32, #tpu.memory_space<vmem>>[vector<16xi32>], vector<16xf32>,
        %gather3A_450 = tpu.vector_load_idx %arg7[%add3A_448] : memref<32768xf32, #tpu.memory_space<vmem>>[vector<16xi32>], vector<16xf32>,
        %gather3A_451 = tpu.vector_load_idx %arg8[%add3A_448] : memref<32768xf32, #tpu.memory_space<vmem>>[vector<16xi32>], vector<16xf32>,
        %add3A_452 = arith.addf %gather3A_449, %gather3A_450 : vector<16xf32>
        %sub3A_453 = arith.subf %add3A_452, %gather3A_451 : vector<16xf32>
        %mul3A_454 = arith.mulf %sub3A_453, %sub3A_453 : vector<16xf32>
        %add3A_455 = arith.addf %add3A_444, %mul3A_454 : vector<16xf32>
        %add3A_456 = arith.constant 33 : i32
        %add3A_457 = arith.addi %add3A_93, %add3A_456 : i32
        %add3A_458 = vector.broadcast %add3A_457 : i32 to vector<16xi32>
        %add3A_459 = arith.addi %mul3A_5, %add3A_458 : vector<16xi32>
        %gather3A_460 = tpu.vector_load_idx %arg6[%add3A_459] : memref<32768xf32, #tpu.memory_space<vmem>>[vector<16xi32>], vector<16xf32>,
        %gather3A_461 = tpu.vector_load_idx %arg7[%add3A_459] : memref<32768xf32, #tpu.memory_space<vmem>>[vector<16xi32>], vector<16xf32>,
        %gather3A_462 = tpu.vector_load_idx %arg8[%add3A_459] : memref<32768xf32, #tpu.memory_space<vmem>>[vector<16xi32>], vector<16xf32>,
        %add3A_463 = arith.addf %gather3A_460, %gather3A_461 : vector<16xf32>
        %sub3A_464 = arith.subf %add3A_463, %gather3A_462 : vector<16xf32>
        %mul3A_465 = arith.mulf %sub3A_464, %sub3A_464 : vector<16xf32>
        %add3A_466 = arith.addf %add3A_455, %mul3A_465 : vector<16xf32>
        %add3A_467 = arith.constant 34 : i32
        %add3A_468 = arith.addi %add3A_93, %add3A_467 : i32
        %add3A_469 = vector.broadcast %add3A_468 : i32 to vector<16xi32>
        %add3A_470 = arith.addi %mul3A_5, %add3A_469 : vector<16xi32>
        %gather3A_471 = tpu.vector_load_idx %arg6[%add3A_470] : memref<32768xf32, #tpu.memory_space<vmem>>[vector<16xi32>], vector<16xf32>,
        %gather3A_472 = tpu.vector_load_idx %arg7[%add3A_470] : memref<32768xf32, #tpu.memory_space<vmem>>[vector<16xi32>], vector<16xf32>,
        %gather3A_473 = tpu.vector_load_idx %arg8[%add3A_470] : memref<32768xf32, #tpu.memory_space<vmem>>[vector<16xi32>], vector<16xf32>,
        %add3A_474 = arith.addf %gather3A_471, %gather3A_472 : vector<16xf32>
        %sub3A_475 = arith.subf %add3A_474, %gather3A_473 : vector<16xf32>
        %mul3A_476 = arith.mulf %sub3A_475, %sub3A_475 : vector<16xf32>
        %add3A_477 = arith.addf %add3A_466, %mul3A_476 : vector<16xf32>
        %add3A_478 = arith.constant 35 : i32
        %add3A_479 = arith.addi %add3A_93, %add3A_478 : i32
        %add3A_480 = vector.broadcast %add3A_479 : i32 to vector<16xi32>
        %add3A_481 = arith.addi %mul3A_5, %add3A_480 : vector<16xi32>
        %gather3A_482 = tpu.vector_load_idx %arg6[%add3A_481] : memref<32768xf32, #tpu.memory_space<vmem>>[vector<16xi32>], vector<16xf32>,
        %gather3A_483 = tpu.vector_load_idx %arg7[%add3A_481] : memref<32768xf32, #tpu.memory_space<vmem>>[vector<16xi32>], vector<16xf32>,
        %gather3A_484 = tpu.vector_load_idx %arg8[%add3A_481] : memref<32768xf32, #tpu.memory_space<vmem>>[vector<16xi32>], vector<16xf32>,
        %add3A_485 = arith.addf %gather3A_482, %gather3A_483 : vector<16xf32>
        %sub3A_486 = arith.subf %add3A_485, %gather3A_484 : vector<16xf32>
        %mul3A_487 = arith.mulf %sub3A_486, %sub3A_486 : vector<16xf32>
        %add3A_488 = arith.addf %add3A_477, %mul3A_487 : vector<16xf32>
        %add3A_489 = arith.constant 36 : i32
        %add3A_490 = arith.addi %add3A_93, %add3A_489 : i32
        %add3A_491 = vector.broadcast %add3A_490 : i32 to vector<16xi32>
        %add3A_492 = arith.addi %mul3A_5, %add3A_491 : vector<16xi32>
        %gather3A_493 = tpu.vector_load_idx %arg6[%add3A_492] : memref<32768xf32, #tpu.memory_space<vmem>>[vector<16xi32>], vector<16xf32>,
        %gather3A_494 = tpu.vector_load_idx %arg7[%add3A_492] : memref<32768xf32, #tpu.memory_space<vmem>>[vector<16xi32>], vector<16xf32>,
        %gather3A_495 = tpu.vector_load_idx %arg8[%add3A_492] : memref<32768xf32, #tpu.memory_space<vmem>>[vector<16xi32>], vector<16xf32>,
        %add3A_496 = arith.addf %gather3A_493, %gather3A_494 : vector<16xf32>
        %sub3A_497 = arith.subf %add3A_496, %gather3A_495 : vector<16xf32>
        %mul3A_498 = arith.mulf %sub3A_497, %sub3A_497 : vector<16xf32>
        %add3A_499 = arith.addf %add3A_488, %mul3A_498 : vector<16xf32>
        %add3A_500 = arith.constant 37 : i32
        %add3A_501 = arith.addi %add3A_93, %add3A_500 : i32
        %add3A_502 = vector.broadcast %add3A_501 : i32 to vector<16xi32>
        %add3A_503 = arith.addi %mul3A_5, %add3A_502 : vector<16xi32>
        %gather3A_504 = tpu.vector_load_idx %arg6[%add3A_503] : memref<32768xf32, #tpu.memory_space<vmem>>[vector<16xi32>], vector<16xf32>,
        %gather3A_505 = tpu.vector_load_idx %arg7[%add3A_503] : memref<32768xf32, #tpu.memory_space<vmem>>[vector<16xi32>], vector<16xf32>,
        %gather3A_506 = tpu.vector_load_idx %arg8[%add3A_503] : memref<32768xf32, #tpu.memory_space<vmem>>[vector<16xi32>], vector<16xf32>,
        %add3A_507 = arith.addf %gather3A_504, %gather3A_505 : vector<16xf32>
        %sub3A_508 = arith.subf %add3A_507, %gather3A_506 : vector<16xf32>
        %mul3A_509 = arith.mulf %sub3A_508, %sub3A_508 : vector<16xf32>
        %add3A_510 = arith.addf %add3A_499, %mul3A_509 : vector<16xf32>
        %add3A_511 = arith.constant 38 : i32
        %add3A_512 = arith.addi %add3A_93, %add3A_511 : i32
        %add3A_513 = vector.broadcast %add3A_512 : i32 to vector<16xi32>
        %add3A_514 = arith.addi %mul3A_5, %add3A_513 : vector<16xi32>
        %gather3A_515 = tpu.vector_load_idx %arg6[%add3A_514] : memref<32768xf32, #tpu.memory_space<vmem>>[vector<16xi32>], vector<16xf32>,
        %gather3A_516 = tpu.vector_load_idx %arg7[%add3A_514] : memref<32768xf32, #tpu.memory_space<vmem>>[vector<16xi32>], vector<16xf32>,
        %gather3A_517 = tpu.vector_load_idx %arg8[%add3A_514] : memref<32768xf32, #tpu.memory_space<vmem>>[vector<16xi32>], vector<16xf32>,
        %add3A_518 = arith.addf %gather3A_515, %gather3A_516 : vector<16xf32>
        %sub3A_519 = arith.subf %add3A_518, %gather3A_517 : vector<16xf32>
        %mul3A_520 = arith.mulf %sub3A_519, %sub3A_519 : vector<16xf32>
        %add3A_521 = arith.addf %add3A_510, %mul3A_520 : vector<16xf32>
        %add3A_522 = arith.constant 39 : i32
        %add3A_523 = arith.addi %add3A_93, %add3A_522 : i32
        %add3A_524 = vector.broadcast %add3A_523 : i32 to vector<16xi32>
        %add3A_525 = arith.addi %mul3A_5, %add3A_524 : vector<16xi32>
        %gather3A_526 = tpu.vector_load_idx %arg6[%add3A_525] : memref<32768xf32, #tpu.memory_space<vmem>>[vector<16xi32>], vector<16xf32>,
        %gather3A_527 = tpu.vector_load_idx %arg7[%add3A_525] : memref<32768xf32, #tpu.memory_space<vmem>>[vector<16xi32>], vector<16xf32>,
        %gather3A_528 = tpu.vector_load_idx %arg8[%add3A_525] : memref<32768xf32, #tpu.memory_space<vmem>>[vector<16xi32>], vector<16xf32>,
        %add3A_529 = arith.addf %gather3A_526, %gather3A_527 : vector<16xf32>
        %sub3A_530 = arith.subf %add3A_529, %gather3A_528 : vector<16xf32>
        %mul3A_531 = arith.mulf %sub3A_530, %sub3A_530 : vector<16xf32>
        %add3A_532 = arith.addf %add3A_521, %mul3A_531 : vector<16xf32>
        %add3A_533 = arith.constant 40 : i32
        %add3A_534 = arith.addi %add3A_93, %add3A_533 : i32
        %add3A_535 = vector.broadcast %add3A_534 : i32 to vector<16xi32>
        %add3A_536 = arith.addi %mul3A_5, %add3A_535 : vector<16xi32>
        %gather3A_537 = tpu.vector_load_idx %arg6[%add3A_536] : memref<32768xf32, #tpu.memory_space<vmem>>[vector<16xi32>], vector<16xf32>,
        %gather3A_538 = tpu.vector_load_idx %arg7[%add3A_536] : memref<32768xf32, #tpu.memory_space<vmem>>[vector<16xi32>], vector<16xf32>,
        %gather3A_539 = tpu.vector_load_idx %arg8[%add3A_536] : memref<32768xf32, #tpu.memory_space<vmem>>[vector<16xi32>], vector<16xf32>,
        %add3A_540 = arith.addf %gather3A_537, %gather3A_538 : vector<16xf32>
        %sub3A_541 = arith.subf %add3A_540, %gather3A_539 : vector<16xf32>
        %mul3A_542 = arith.mulf %sub3A_541, %sub3A_541 : vector<16xf32>
        %add3A_543 = arith.addf %add3A_532, %mul3A_542 : vector<16xf32>
        %add3A_544 = arith.constant 41 : i32
        %add3A_545 = arith.addi %add3A_93, %add3A_544 : i32
        %add3A_546 = vector.broadcast %add3A_545 : i32 to vector<16xi32>
        %add3A_547 = arith.addi %mul3A_5, %add3A_546 : vector<16xi32>
        %gather3A_548 = tpu.vector_load_idx %arg6[%add3A_547] : memref<32768xf32, #tpu.memory_space<vmem>>[vector<16xi32>], vector<16xf32>,
        %gather3A_549 = tpu.vector_load_idx %arg7[%add3A_547] : memref<32768xf32, #tpu.memory_space<vmem>>[vector<16xi32>], vector<16xf32>,
        %gather3A_550 = tpu.vector_load_idx %arg8[%add3A_547] : memref<32768xf32, #tpu.memory_space<vmem>>[vector<16xi32>], vector<16xf32>,
        %add3A_551 = arith.addf %gather3A_548, %gather3A_549 : vector<16xf32>
        %sub3A_552 = arith.subf %add3A_551, %gather3A_550 : vector<16xf32>
        %mul3A_553 = arith.mulf %sub3A_552, %sub3A_552 : vector<16xf32>
        %add3A_554 = arith.addf %add3A_543, %mul3A_553 : vector<16xf32>
        %add3A_555 = arith.constant 42 : i32
        %add3A_556 = arith.addi %add3A_93, %add3A_555 : i32
        %add3A_557 = vector.broadcast %add3A_556 : i32 to vector<16xi32>
        %add3A_558 = arith.addi %mul3A_5, %add3A_557 : vector<16xi32>
        %gather3A_559 = tpu.vector_load_idx %arg6[%add3A_558] : memref<32768xf32, #tpu.memory_space<vmem>>[vector<16xi32>], vector<16xf32>,
        %gather3A_560 = tpu.vector_load_idx %arg7[%add3A_558] : memref<32768xf32, #tpu.memory_space<vmem>>[vector<16xi32>], vector<16xf32>,
        %gather3A_561 = tpu.vector_load_idx %arg8[%add3A_558] : memref<32768xf32, #tpu.memory_space<vmem>>[vector<16xi32>], vector<16xf32>,
        %add3A_562 = arith.addf %gather3A_559, %gather3A_560 : vector<16xf32>
        %sub3A_563 = arith.subf %add3A_562, %gather3A_561 : vector<16xf32>
        %mul3A_564 = arith.mulf %sub3A_563, %sub3A_563 : vector<16xf32>
        %add3A_565 = arith.addf %add3A_554, %mul3A_564 : vector<16xf32>
        %add3A_566 = arith.constant 43 : i32
        %add3A_567 = arith.addi %add3A_93, %add3A_566 : i32
        %add3A_568 = vector.broadcast %add3A_567 : i32 to vector<16xi32>
        %add3A_569 = arith.addi %mul3A_5, %add3A_568 : vector<16xi32>
        %gather3A_570 = tpu.vector_load_idx %arg6[%add3A_569] : memref<32768xf32, #tpu.memory_space<vmem>>[vector<16xi32>], vector<16xf32>,
        %gather3A_571 = tpu.vector_load_idx %arg7[%add3A_569] : memref<32768xf32, #tpu.memory_space<vmem>>[vector<16xi32>], vector<16xf32>,
        %gather3A_572 = tpu.vector_load_idx %arg8[%add3A_569] : memref<32768xf32, #tpu.memory_space<vmem>>[vector<16xi32>], vector<16xf32>,
        %add3A_573 = arith.addf %gather3A_570, %gather3A_571 : vector<16xf32>
        %sub3A_574 = arith.subf %add3A_573, %gather3A_572 : vector<16xf32>
        %mul3A_575 = arith.mulf %sub3A_574, %sub3A_574 : vector<16xf32>
        %add3A_576 = arith.addf %add3A_565, %mul3A_575 : vector<16xf32>
        %add3A_577 = arith.constant 44 : i32
        %add3A_578 = arith.addi %add3A_93, %add3A_577 : i32
        %add3A_579 = vector.broadcast %add3A_578 : i32 to vector<16xi32>
        %add3A_580 = arith.addi %mul3A_5, %add3A_579 : vector<16xi32>
        %gather3A_581 = tpu.vector_load_idx %arg6[%add3A_580] : memref<32768xf32, #tpu.memory_space<vmem>>[vector<16xi32>], vector<16xf32>,
        %gather3A_582 = tpu.vector_load_idx %arg7[%add3A_580] : memref<32768xf32, #tpu.memory_space<vmem>>[vector<16xi32>], vector<16xf32>,
        %gather3A_583 = tpu.vector_load_idx %arg8[%add3A_580] : memref<32768xf32, #tpu.memory_space<vmem>>[vector<16xi32>], vector<16xf32>,
        %add3A_584 = arith.addf %gather3A_581, %gather3A_582 : vector<16xf32>
        %sub3A_585 = arith.subf %add3A_584, %gather3A_583 : vector<16xf32>
        %mul3A_586 = arith.mulf %sub3A_585, %sub3A_585 : vector<16xf32>
        %add3A_587 = arith.addf %add3A_576, %mul3A_586 : vector<16xf32>
        %add3A_588 = arith.constant 45 : i32
        %add3A_589 = arith.addi %add3A_93, %add3A_588 : i32
        %add3A_590 = vector.broadcast %add3A_589 : i32 to vector<16xi32>
        %add3A_591 = arith.addi %mul3A_5, %add3A_590 : vector<16xi32>
        %gather3A_592 = tpu.vector_load_idx %arg6[%add3A_591] : memref<32768xf32, #tpu.memory_space<vmem>>[vector<16xi32>], vector<16xf32>,
        %gather3A_593 = tpu.vector_load_idx %arg7[%add3A_591] : memref<32768xf32, #tpu.memory_space<vmem>>[vector<16xi32>], vector<16xf32>,
        %gather3A_594 = tpu.vector_load_idx %arg8[%add3A_591] : memref<32768xf32, #tpu.memory_space<vmem>>[vector<16xi32>], vector<16xf32>,
        %add3A_595 = arith.addf %gather3A_592, %gather3A_593 : vector<16xf32>
        %sub3A_596 = arith.subf %add3A_595, %gather3A_594 : vector<16xf32>
        %mul3A_597 = arith.mulf %sub3A_596, %sub3A_596 : vector<16xf32>
        %add3A_598 = arith.addf %add3A_587, %mul3A_597 : vector<16xf32>
        %add3A_599 = arith.constant 46 : i32
        %add3A_600 = arith.addi %add3A_93, %add3A_599 : i32
        %add3A_601 = vector.broadcast %add3A_600 : i32 to vector<16xi32>
        %add3A_602 = arith.addi %mul3A_5, %add3A_601 : vector<16xi32>
        %gather3A_603 = tpu.vector_load_idx %arg6[%add3A_602] : memref<32768xf32, #tpu.memory_space<vmem>>[vector<16xi32>], vector<16xf32>,
        %gather3A_604 = tpu.vector_load_idx %arg7[%add3A_602] : memref<32768xf32, #tpu.memory_space<vmem>>[vector<16xi32>], vector<16xf32>,
        %gather3A_605 = tpu.vector_load_idx %arg8[%add3A_602] : memref<32768xf32, #tpu.memory_space<vmem>>[vector<16xi32>], vector<16xf32>,
        %add3A_606 = arith.addf %gather3A_603, %gather3A_604 : vector<16xf32>
        %sub3A_607 = arith.subf %add3A_606, %gather3A_605 : vector<16xf32>
        %mul3A_608 = arith.mulf %sub3A_607, %sub3A_607 : vector<16xf32>
        %add3A_609 = arith.addf %add3A_598, %mul3A_608 : vector<16xf32>
        %add3A_610 = arith.constant 47 : i32
        %add3A_611 = arith.addi %add3A_93, %add3A_610 : i32
        %add3A_612 = vector.broadcast %add3A_611 : i32 to vector<16xi32>
        %add3A_613 = arith.addi %mul3A_5, %add3A_612 : vector<16xi32>
        %gather3A_614 = tpu.vector_load_idx %arg6[%add3A_613] : memref<32768xf32, #tpu.memory_space<vmem>>[vector<16xi32>], vector<16xf32>,
        %gather3A_615 = tpu.vector_load_idx %arg7[%add3A_613] : memref<32768xf32, #tpu.memory_space<vmem>>[vector<16xi32>], vector<16xf32>,
        %gather3A_616 = tpu.vector_load_idx %arg8[%add3A_613] : memref<32768xf32, #tpu.memory_space<vmem>>[vector<16xi32>], vector<16xf32>,
        %add3A_617 = arith.addf %gather3A_614, %gather3A_615 : vector<16xf32>
        %sub3A_618 = arith.subf %add3A_617, %gather3A_616 : vector<16xf32>
        %mul3A_619 = arith.mulf %sub3A_618, %sub3A_618 : vector<16xf32>
        %add3A_620 = arith.addf %add3A_609, %mul3A_619 : vector<16xf32>
        %add3A_621 = arith.constant 48 : i32
        %add3A_622 = arith.addi %add3A_93, %add3A_621 : i32
        %add3A_623 = vector.broadcast %add3A_622 : i32 to vector<16xi32>
        %add3A_624 = arith.addi %mul3A_5, %add3A_623 : vector<16xi32>
        %gather3A_625 = tpu.vector_load_idx %arg6[%add3A_624] : memref<32768xf32, #tpu.memory_space<vmem>>[vector<16xi32>], vector<16xf32>,
        %gather3A_626 = tpu.vector_load_idx %arg7[%add3A_624] : memref<32768xf32, #tpu.memory_space<vmem>>[vector<16xi32>], vector<16xf32>,
        %gather3A_627 = tpu.vector_load_idx %arg8[%add3A_624] : memref<32768xf32, #tpu.memory_space<vmem>>[vector<16xi32>], vector<16xf32>,
        %add3A_628 = arith.addf %gather3A_625, %gather3A_626 : vector<16xf32>
        %sub3A_629 = arith.subf %add3A_628, %gather3A_627 : vector<16xf32>
        %mul3A_630 = arith.mulf %sub3A_629, %sub3A_629 : vector<16xf32>
        %add3A_631 = arith.addf %add3A_620, %mul3A_630 : vector<16xf32>
        %add3A_632 = arith.constant 49 : i32
        %add3A_633 = arith.addi %add3A_93, %add3A_632 : i32
        %add3A_634 = vector.broadcast %add3A_633 : i32 to vector<16xi32>
        %add3A_635 = arith.addi %mul3A_5, %add3A_634 : vector<16xi32>
        %gather3A_636 = tpu.vector_load_idx %arg6[%add3A_635] : memref<32768xf32, #tpu.memory_space<vmem>>[vector<16xi32>], vector<16xf32>,
        %gather3A_637 = tpu.vector_load_idx %arg7[%add3A_635] : memref<32768xf32, #tpu.memory_space<vmem>>[vector<16xi32>], vector<16xf32>,
        %gather3A_638 = tpu.vector_load_idx %arg8[%add3A_635] : memref<32768xf32, #tpu.memory_space<vmem>>[vector<16xi32>], vector<16xf32>,
        %add3A_639 = arith.addf %gather3A_636, %gather3A_637 : vector<16xf32>
        %sub3A_640 = arith.subf %add3A_639, %gather3A_638 : vector<16xf32>
        %mul3A_641 = arith.mulf %sub3A_640, %sub3A_640 : vector<16xf32>
        %add3A_642 = arith.addf %add3A_631, %mul3A_641 : vector<16xf32>
        %add3A_643 = arith.constant 50 : i32
        %add3A_644 = arith.addi %add3A_93, %add3A_643 : i32
        %add3A_645 = vector.broadcast %add3A_644 : i32 to vector<16xi32>
        %add3A_646 = arith.addi %mul3A_5, %add3A_645 : vector<16xi32>
        %gather3A_647 = tpu.vector_load_idx %arg6[%add3A_646] : memref<32768xf32, #tpu.memory_space<vmem>>[vector<16xi32>], vector<16xf32>,
        %gather3A_648 = tpu.vector_load_idx %arg7[%add3A_646] : memref<32768xf32, #tpu.memory_space<vmem>>[vector<16xi32>], vector<16xf32>,
        %gather3A_649 = tpu.vector_load_idx %arg8[%add3A_646] : memref<32768xf32, #tpu.memory_space<vmem>>[vector<16xi32>], vector<16xf32>,
        %add3A_650 = arith.addf %gather3A_647, %gather3A_648 : vector<16xf32>
        %sub3A_651 = arith.subf %add3A_650, %gather3A_649 : vector<16xf32>
        %mul3A_652 = arith.mulf %sub3A_651, %sub3A_651 : vector<16xf32>
        %add3A_653 = arith.addf %add3A_642, %mul3A_652 : vector<16xf32>
        %add3A_654 = arith.constant 51 : i32
        %add3A_655 = arith.addi %add3A_93, %add3A_654 : i32
        %add3A_656 = vector.broadcast %add3A_655 : i32 to vector<16xi32>
        %add3A_657 = arith.addi %mul3A_5, %add3A_656 : vector<16xi32>
        %gather3A_658 = tpu.vector_load_idx %arg6[%add3A_657] : memref<32768xf32, #tpu.memory_space<vmem>>[vector<16xi32>], vector<16xf32>,
        %gather3A_659 = tpu.vector_load_idx %arg7[%add3A_657] : memref<32768xf32, #tpu.memory_space<vmem>>[vector<16xi32>], vector<16xf32>,
        %gather3A_660 = tpu.vector_load_idx %arg8[%add3A_657] : memref<32768xf32, #tpu.memory_space<vmem>>[vector<16xi32>], vector<16xf32>,
        %add3A_661 = arith.addf %gather3A_658, %gather3A_659 : vector<16xf32>
        %sub3A_662 = arith.subf %add3A_661, %gather3A_660 : vector<16xf32>
        %mul3A_663 = arith.mulf %sub3A_662, %sub3A_662 : vector<16xf32>
        %add3A_664 = arith.addf %add3A_653, %mul3A_663 : vector<16xf32>
        %add3A_665 = arith.constant 52 : i32
        %add3A_666 = arith.addi %add3A_93, %add3A_665 : i32
        %add3A_667 = vector.broadcast %add3A_666 : i32 to vector<16xi32>
        %add3A_668 = arith.addi %mul3A_5, %add3A_667 : vector<16xi32>
        %gather3A_669 = tpu.vector_load_idx %arg6[%add3A_668] : memref<32768xf32, #tpu.memory_space<vmem>>[vector<16xi32>], vector<16xf32>,
        %gather3A_670 = tpu.vector_load_idx %arg7[%add3A_668] : memref<32768xf32, #tpu.memory_space<vmem>>[vector<16xi32>], vector<16xf32>,
        %gather3A_671 = tpu.vector_load_idx %arg8[%add3A_668] : memref<32768xf32, #tpu.memory_space<vmem>>[vector<16xi32>], vector<16xf32>,
        %add3A_672 = arith.addf %gather3A_669, %gather3A_670 : vector<16xf32>
        %sub3A_673 = arith.subf %add3A_672, %gather3A_671 : vector<16xf32>
        %mul3A_674 = arith.mulf %sub3A_673, %sub3A_673 : vector<16xf32>
        %add3A_675 = arith.addf %add3A_664, %mul3A_674 : vector<16xf32>
        %add3A_676 = arith.constant 53 : i32
        %add3A_677 = arith.addi %add3A_93, %add3A_676 : i32
        %add3A_678 = vector.broadcast %add3A_677 : i32 to vector<16xi32>
        %add3A_679 = arith.addi %mul3A_5, %add3A_678 : vector<16xi32>
        %gather3A_680 = tpu.vector_load_idx %arg6[%add3A_679] : memref<32768xf32, #tpu.memory_space<vmem>>[vector<16xi32>], vector<16xf32>,
        %gather3A_681 = tpu.vector_load_idx %arg7[%add3A_679] : memref<32768xf32, #tpu.memory_space<vmem>>[vector<16xi32>], vector<16xf32>,
        %gather3A_682 = tpu.vector_load_idx %arg8[%add3A_679] : memref<32768xf32, #tpu.memory_space<vmem>>[vector<16xi32>], vector<16xf32>,
        %add3A_683 = arith.addf %gather3A_680, %gather3A_681 : vector<16xf32>
        %sub3A_684 = arith.subf %add3A_683, %gather3A_682 : vector<16xf32>
        %mul3A_685 = arith.mulf %sub3A_684, %sub3A_684 : vector<16xf32>
        %add3A_686 = arith.addf %add3A_675, %mul3A_685 : vector<16xf32>
        %add3A_687 = arith.constant 54 : i32
        %add3A_688 = arith.addi %add3A_93, %add3A_687 : i32
        %add3A_689 = vector.broadcast %add3A_688 : i32 to vector<16xi32>
        %add3A_690 = arith.addi %mul3A_5, %add3A_689 : vector<16xi32>
        %gather3A_691 = tpu.vector_load_idx %arg6[%add3A_690] : memref<32768xf32, #tpu.memory_space<vmem>>[vector<16xi32>], vector<16xf32>,
        %gather3A_692 = tpu.vector_load_idx %arg7[%add3A_690] : memref<32768xf32, #tpu.memory_space<vmem>>[vector<16xi32>], vector<16xf32>,
        %gather3A_693 = tpu.vector_load_idx %arg8[%add3A_690] : memref<32768xf32, #tpu.memory_space<vmem>>[vector<16xi32>], vector<16xf32>,
        %add3A_694 = arith.addf %gather3A_691, %gather3A_692 : vector<16xf32>
        %sub3A_695 = arith.subf %add3A_694, %gather3A_693 : vector<16xf32>
        %mul3A_696 = arith.mulf %sub3A_695, %sub3A_695 : vector<16xf32>
        %add3A_697 = arith.addf %add3A_686, %mul3A_696 : vector<16xf32>
        %add3A_698 = arith.constant 55 : i32
        %add3A_699 = arith.addi %add3A_93, %add3A_698 : i32
        %add3A_700 = vector.broadcast %add3A_699 : i32 to vector<16xi32>
        %add3A_701 = arith.addi %mul3A_5, %add3A_700 : vector<16xi32>
        %gather3A_702 = tpu.vector_load_idx %arg6[%add3A_701] : memref<32768xf32, #tpu.memory_space<vmem>>[vector<16xi32>], vector<16xf32>,
        %gather3A_703 = tpu.vector_load_idx %arg7[%add3A_701] : memref<32768xf32, #tpu.memory_space<vmem>>[vector<16xi32>], vector<16xf32>,
        %gather3A_704 = tpu.vector_load_idx %arg8[%add3A_701] : memref<32768xf32, #tpu.memory_space<vmem>>[vector<16xi32>], vector<16xf32>,
        %add3A_705 = arith.addf %gather3A_702, %gather3A_703 : vector<16xf32>
        %sub3A_706 = arith.subf %add3A_705, %gather3A_704 : vector<16xf32>
        %mul3A_707 = arith.mulf %sub3A_706, %sub3A_706 : vector<16xf32>
        %add3A_708 = arith.addf %add3A_697, %mul3A_707 : vector<16xf32>
        %add3A_709 = arith.constant 56 : i32
        %add3A_710 = arith.addi %add3A_93, %add3A_709 : i32
        %add3A_711 = vector.broadcast %add3A_710 : i32 to vector<16xi32>
        %add3A_712 = arith.addi %mul3A_5, %add3A_711 : vector<16xi32>
        %gather3A_713 = tpu.vector_load_idx %arg6[%add3A_712] : memref<32768xf32, #tpu.memory_space<vmem>>[vector<16xi32>], vector<16xf32>,
        %gather3A_714 = tpu.vector_load_idx %arg7[%add3A_712] : memref<32768xf32, #tpu.memory_space<vmem>>[vector<16xi32>], vector<16xf32>,
        %gather3A_715 = tpu.vector_load_idx %arg8[%add3A_712] : memref<32768xf32, #tpu.memory_space<vmem>>[vector<16xi32>], vector<16xf32>,
        %add3A_716 = arith.addf %gather3A_713, %gather3A_714 : vector<16xf32>
        %sub3A_717 = arith.subf %add3A_716, %gather3A_715 : vector<16xf32>
        %mul3A_718 = arith.mulf %sub3A_717, %sub3A_717 : vector<16xf32>
        %add3A_719 = arith.addf %add3A_708, %mul3A_718 : vector<16xf32>
        %add3A_720 = arith.constant 57 : i32
        %add3A_721 = arith.addi %add3A_93, %add3A_720 : i32
        %add3A_722 = vector.broadcast %add3A_721 : i32 to vector<16xi32>
        %add3A_723 = arith.addi %mul3A_5, %add3A_722 : vector<16xi32>
        %gather3A_724 = tpu.vector_load_idx %arg6[%add3A_723] : memref<32768xf32, #tpu.memory_space<vmem>>[vector<16xi32>], vector<16xf32>,
        %gather3A_725 = tpu.vector_load_idx %arg7[%add3A_723] : memref<32768xf32, #tpu.memory_space<vmem>>[vector<16xi32>], vector<16xf32>,
        %gather3A_726 = tpu.vector_load_idx %arg8[%add3A_723] : memref<32768xf32, #tpu.memory_space<vmem>>[vector<16xi32>], vector<16xf32>,
        %add3A_727 = arith.addf %gather3A_724, %gather3A_725 : vector<16xf32>
        %sub3A_728 = arith.subf %add3A_727, %gather3A_726 : vector<16xf32>
        %mul3A_729 = arith.mulf %sub3A_728, %sub3A_728 : vector<16xf32>
        %add3A_730 = arith.addf %add3A_719, %mul3A_729 : vector<16xf32>
        %add3A_731 = arith.constant 58 : i32
        %add3A_732 = arith.addi %add3A_93, %add3A_731 : i32
        %add3A_733 = vector.broadcast %add3A_732 : i32 to vector<16xi32>
        %add3A_734 = arith.addi %mul3A_5, %add3A_733 : vector<16xi32>
        %gather3A_735 = tpu.vector_load_idx %arg6[%add3A_734] : memref<32768xf32, #tpu.memory_space<vmem>>[vector<16xi32>], vector<16xf32>,
        %gather3A_736 = tpu.vector_load_idx %arg7[%add3A_734] : memref<32768xf32, #tpu.memory_space<vmem>>[vector<16xi32>], vector<16xf32>,
        %gather3A_737 = tpu.vector_load_idx %arg8[%add3A_734] : memref<32768xf32, #tpu.memory_space<vmem>>[vector<16xi32>], vector<16xf32>,
        %add3A_738 = arith.addf %gather3A_735, %gather3A_736 : vector<16xf32>
        %sub3A_739 = arith.subf %add3A_738, %gather3A_737 : vector<16xf32>
        %mul3A_740 = arith.mulf %sub3A_739, %sub3A_739 : vector<16xf32>
        %add3A_741 = arith.addf %add3A_730, %mul3A_740 : vector<16xf32>
        %add3A_742 = arith.constant 59 : i32
        %add3A_743 = arith.addi %add3A_93, %add3A_742 : i32
        %add3A_744 = vector.broadcast %add3A_743 : i32 to vector<16xi32>
        %add3A_745 = arith.addi %mul3A_5, %add3A_744 : vector<16xi32>
        %gather3A_746 = tpu.vector_load_idx %arg6[%add3A_745] : memref<32768xf32, #tpu.memory_space<vmem>>[vector<16xi32>], vector<16xf32>,
        %gather3A_747 = tpu.vector_load_idx %arg7[%add3A_745] : memref<32768xf32, #tpu.memory_space<vmem>>[vector<16xi32>], vector<16xf32>,
        %gather3A_748 = tpu.vector_load_idx %arg8[%add3A_745] : memref<32768xf32, #tpu.memory_space<vmem>>[vector<16xi32>], vector<16xf32>,
        %add3A_749 = arith.addf %gather3A_746, %gather3A_747 : vector<16xf32>
        %sub3A_750 = arith.subf %add3A_749, %gather3A_748 : vector<16xf32>
        %mul3A_751 = arith.mulf %sub3A_750, %sub3A_750 : vector<16xf32>
        %add3A_752 = arith.addf %add3A_741, %mul3A_751 : vector<16xf32>
        %add3A_753 = arith.constant 60 : i32
        %add3A_754 = arith.addi %add3A_93, %add3A_753 : i32
        %add3A_755 = vector.broadcast %add3A_754 : i32 to vector<16xi32>
        %add3A_756 = arith.addi %mul3A_5, %add3A_755 : vector<16xi32>
        %gather3A_757 = tpu.vector_load_idx %arg6[%add3A_756] : memref<32768xf32, #tpu.memory_space<vmem>>[vector<16xi32>], vector<16xf32>,
        %gather3A_758 = tpu.vector_load_idx %arg7[%add3A_756] : memref<32768xf32, #tpu.memory_space<vmem>>[vector<16xi32>], vector<16xf32>,
        %gather3A_759 = tpu.vector_load_idx %arg8[%add3A_756] : memref<32768xf32, #tpu.memory_space<vmem>>[vector<16xi32>], vector<16xf32>,
        %add3A_760 = arith.addf %gather3A_757, %gather3A_758 : vector<16xf32>
        %sub3A_761 = arith.subf %add3A_760, %gather3A_759 : vector<16xf32>
        %mul3A_762 = arith.mulf %sub3A_761, %sub3A_761 : vector<16xf32>
        %add3A_763 = arith.addf %add3A_752, %mul3A_762 : vector<16xf32>
        %add3A_764 = arith.constant 61 : i32
        %add3A_765 = arith.addi %add3A_93, %add3A_764 : i32
        %add3A_766 = vector.broadcast %add3A_765 : i32 to vector<16xi32>
        %add3A_767 = arith.addi %mul3A_5, %add3A_766 : vector<16xi32>
        %gather3A_768 = tpu.vector_load_idx %arg6[%add3A_767] : memref<32768xf32, #tpu.memory_space<vmem>>[vector<16xi32>], vector<16xf32>,
        %gather3A_769 = tpu.vector_load_idx %arg7[%add3A_767] : memref<32768xf32, #tpu.memory_space<vmem>>[vector<16xi32>], vector<16xf32>,
        %gather3A_770 = tpu.vector_load_idx %arg8[%add3A_767] : memref<32768xf32, #tpu.memory_space<vmem>>[vector<16xi32>], vector<16xf32>,
        %add3A_771 = arith.addf %gather3A_768, %gather3A_769 : vector<16xf32>
        %sub3A_772 = arith.subf %add3A_771, %gather3A_770 : vector<16xf32>
        %mul3A_773 = arith.mulf %sub3A_772, %sub3A_772 : vector<16xf32>
        %add3A_774 = arith.addf %add3A_763, %mul3A_773 : vector<16xf32>
        %add3A_775 = arith.constant 62 : i32
        %add3A_776 = arith.addi %add3A_93, %add3A_775 : i32
        %add3A_777 = vector.broadcast %add3A_776 : i32 to vector<16xi32>
        %add3A_778 = arith.addi %mul3A_5, %add3A_777 : vector<16xi32>
        %gather3A_779 = tpu.vector_load_idx %arg6[%add3A_778] : memref<32768xf32, #tpu.memory_space<vmem>>[vector<16xi32>], vector<16xf32>,
        %gather3A_780 = tpu.vector_load_idx %arg7[%add3A_778] : memref<32768xf32, #tpu.memory_space<vmem>>[vector<16xi32>], vector<16xf32>,
        %gather3A_781 = tpu.vector_load_idx %arg8[%add3A_778] : memref<32768xf32, #tpu.memory_space<vmem>>[vector<16xi32>], vector<16xf32>,
        %add3A_782 = arith.addf %gather3A_779, %gather3A_780 : vector<16xf32>
        %sub3A_783 = arith.subf %add3A_782, %gather3A_781 : vector<16xf32>
        %mul3A_784 = arith.mulf %sub3A_783, %sub3A_783 : vector<16xf32>
        %add3A_785 = arith.addf %add3A_774, %mul3A_784 : vector<16xf32>
        %add3A_786 = arith.constant 63 : i32
        %add3A_787 = arith.addi %add3A_93, %add3A_786 : i32
        %add3A_788 = vector.broadcast %add3A_787 : i32 to vector<16xi32>
        %add3A_789 = arith.addi %mul3A_5, %add3A_788 : vector<16xi32>
        %gather3A_790 = tpu.vector_load_idx %arg6[%add3A_789] : memref<32768xf32, #tpu.memory_space<vmem>>[vector<16xi32>], vector<16xf32>,
        %gather3A_791 = tpu.vector_load_idx %arg7[%add3A_789] : memref<32768xf32, #tpu.memory_space<vmem>>[vector<16xi32>], vector<16xf32>,
        %gather3A_792 = tpu.vector_load_idx %arg8[%add3A_789] : memref<32768xf32, #tpu.memory_space<vmem>>[vector<16xi32>], vector<16xf32>,
        %add3A_793 = arith.addf %gather3A_790, %gather3A_791 : vector<16xf32>
        %sub3A_794 = arith.subf %add3A_793, %gather3A_792 : vector<16xf32>
        %mul3A_795 = arith.mulf %sub3A_794, %sub3A_794 : vector<16xf32>
        %add3A_796 = arith.addf %add3A_785, %mul3A_795 : vector<16xf32>
        %add3A_797 = arith.constant 64 : i32
        %add3A_798 = arith.addi %add3A_93, %add3A_797 : i32
        %add3A_799 = vector.broadcast %add3A_798 : i32 to vector<16xi32>
        %add3A_800 = arith.addi %mul3A_5, %add3A_799 : vector<16xi32>
        %gather3A_801 = tpu.vector_load_idx %arg6[%add3A_800] : memref<32768xf32, #tpu.memory_space<vmem>>[vector<16xi32>], vector<16xf32>,
        %gather3A_802 = tpu.vector_load_idx %arg7[%add3A_800] : memref<32768xf32, #tpu.memory_space<vmem>>[vector<16xi32>], vector<16xf32>,
        %gather3A_803 = tpu.vector_load_idx %arg8[%add3A_800] : memref<32768xf32, #tpu.memory_space<vmem>>[vector<16xi32>], vector<16xf32>,
        %add3A_804 = arith.addf %gather3A_801, %gather3A_802 : vector<16xf32>
        %sub3A_805 = arith.subf %add3A_804, %gather3A_803 : vector<16xf32>
        %mul3A_806 = arith.mulf %sub3A_805, %sub3A_805 : vector<16xf32>
        %add3A_807 = arith.addf %add3A_796, %mul3A_806 : vector<16xf32>
        %add3A_808 = arith.constant 65 : i32
        %add3A_809 = arith.addi %add3A_93, %add3A_808 : i32
        %add3A_810 = vector.broadcast %add3A_809 : i32 to vector<16xi32>
        %add3A_811 = arith.addi %mul3A_5, %add3A_810 : vector<16xi32>
        %gather3A_812 = tpu.vector_load_idx %arg6[%add3A_811] : memref<32768xf32, #tpu.memory_space<vmem>>[vector<16xi32>], vector<16xf32>,
        %gather3A_813 = tpu.vector_load_idx %arg7[%add3A_811] : memref<32768xf32, #tpu.memory_space<vmem>>[vector<16xi32>], vector<16xf32>,
        %gather3A_814 = tpu.vector_load_idx %arg8[%add3A_811] : memref<32768xf32, #tpu.memory_space<vmem>>[vector<16xi32>], vector<16xf32>,
        %add3A_815 = arith.addf %gather3A_812, %gather3A_813 : vector<16xf32>
        %sub3A_816 = arith.subf %add3A_815, %gather3A_814 : vector<16xf32>
        %mul3A_817 = arith.mulf %sub3A_816, %sub3A_816 : vector<16xf32>
        %add3A_818 = arith.addf %add3A_807, %mul3A_817 : vector<16xf32>
        %add3A_819 = arith.constant 66 : i32
        %add3A_820 = arith.addi %add3A_93, %add3A_819 : i32
        %add3A_821 = vector.broadcast %add3A_820 : i32 to vector<16xi32>
        %add3A_822 = arith.addi %mul3A_5, %add3A_821 : vector<16xi32>
        %gather3A_823 = tpu.vector_load_idx %arg6[%add3A_822] : memref<32768xf32, #tpu.memory_space<vmem>>[vector<16xi32>], vector<16xf32>,
        %gather3A_824 = tpu.vector_load_idx %arg7[%add3A_822] : memref<32768xf32, #tpu.memory_space<vmem>>[vector<16xi32>], vector<16xf32>,
        %gather3A_825 = tpu.vector_load_idx %arg8[%add3A_822] : memref<32768xf32, #tpu.memory_space<vmem>>[vector<16xi32>], vector<16xf32>,
        %add3A_826 = arith.addf %gather3A_823, %gather3A_824 : vector<16xf32>
        %sub3A_827 = arith.subf %add3A_826, %gather3A_825 : vector<16xf32>
        %mul3A_828 = arith.mulf %sub3A_827, %sub3A_827 : vector<16xf32>
        %add3A_829 = arith.addf %add3A_818, %mul3A_828 : vector<16xf32>
        %add3A_830 = arith.constant 67 : i32
        %add3A_831 = arith.addi %add3A_93, %add3A_830 : i32
        %add3A_832 = vector.broadcast %add3A_831 : i32 to vector<16xi32>
        %add3A_833 = arith.addi %mul3A_5, %add3A_832 : vector<16xi32>
        %gather3A_834 = tpu.vector_load_idx %arg6[%add3A_833] : memref<32768xf32, #tpu.memory_space<vmem>>[vector<16xi32>], vector<16xf32>,
        %gather3A_835 = tpu.vector_load_idx %arg7[%add3A_833] : memref<32768xf32, #tpu.memory_space<vmem>>[vector<16xi32>], vector<16xf32>,
        %gather3A_836 = tpu.vector_load_idx %arg8[%add3A_833] : memref<32768xf32, #tpu.memory_space<vmem>>[vector<16xi32>], vector<16xf32>,
        %add3A_837 = arith.addf %gather3A_834, %gather3A_835 : vector<16xf32>
        %sub3A_838 = arith.subf %add3A_837, %gather3A_836 : vector<16xf32>
        %mul3A_839 = arith.mulf %sub3A_838, %sub3A_838 : vector<16xf32>
        %add3A_840 = arith.addf %add3A_829, %mul3A_839 : vector<16xf32>
        %add3A_841 = arith.constant 68 : i32
        %add3A_842 = arith.addi %add3A_93, %add3A_841 : i32
        %add3A_843 = vector.broadcast %add3A_842 : i32 to vector<16xi32>
        %add3A_844 = arith.addi %mul3A_5, %add3A_843 : vector<16xi32>
        %gather3A_845 = tpu.vector_load_idx %arg6[%add3A_844] : memref<32768xf32, #tpu.memory_space<vmem>>[vector<16xi32>], vector<16xf32>,
        %gather3A_846 = tpu.vector_load_idx %arg7[%add3A_844] : memref<32768xf32, #tpu.memory_space<vmem>>[vector<16xi32>], vector<16xf32>,
        %gather3A_847 = tpu.vector_load_idx %arg8[%add3A_844] : memref<32768xf32, #tpu.memory_space<vmem>>[vector<16xi32>], vector<16xf32>,
        %add3A_848 = arith.addf %gather3A_845, %gather3A_846 : vector<16xf32>
        %sub3A_849 = arith.subf %add3A_848, %gather3A_847 : vector<16xf32>
        %mul3A_850 = arith.mulf %sub3A_849, %sub3A_849 : vector<16xf32>
        %add3A_851 = arith.addf %add3A_840, %mul3A_850 : vector<16xf32>
        %add3A_852 = arith.constant 69 : i32
        %add3A_853 = arith.addi %add3A_93, %add3A_852 : i32
        %add3A_854 = vector.broadcast %add3A_853 : i32 to vector<16xi32>
        %add3A_855 = arith.addi %mul3A_5, %add3A_854 : vector<16xi32>
        %gather3A_856 = tpu.vector_load_idx %arg6[%add3A_855] : memref<32768xf32, #tpu.memory_space<vmem>>[vector<16xi32>], vector<16xf32>,
        %gather3A_857 = tpu.vector_load_idx %arg7[%add3A_855] : memref<32768xf32, #tpu.memory_space<vmem>>[vector<16xi32>], vector<16xf32>,
        %gather3A_858 = tpu.vector_load_idx %arg8[%add3A_855] : memref<32768xf32, #tpu.memory_space<vmem>>[vector<16xi32>], vector<16xf32>,
        %add3A_859 = arith.addf %gather3A_856, %gather3A_857 : vector<16xf32>
        %sub3A_860 = arith.subf %add3A_859, %gather3A_858 : vector<16xf32>
        %mul3A_861 = arith.mulf %sub3A_860, %sub3A_860 : vector<16xf32>
        %add3A_862 = arith.addf %add3A_851, %mul3A_861 : vector<16xf32>
        %add3A_863 = arith.constant 70 : i32
        %add3A_864 = arith.addi %add3A_93, %add3A_863 : i32
        %add3A_865 = vector.broadcast %add3A_864 : i32 to vector<16xi32>
        %add3A_866 = arith.addi %mul3A_5, %add3A_865 : vector<16xi32>
        %gather3A_867 = tpu.vector_load_idx %arg6[%add3A_866] : memref<32768xf32, #tpu.memory_space<vmem>>[vector<16xi32>], vector<16xf32>,
        %gather3A_868 = tpu.vector_load_idx %arg7[%add3A_866] : memref<32768xf32, #tpu.memory_space<vmem>>[vector<16xi32>], vector<16xf32>,
        %gather3A_869 = tpu.vector_load_idx %arg8[%add3A_866] : memref<32768xf32, #tpu.memory_space<vmem>>[vector<16xi32>], vector<16xf32>,
        %add3A_870 = arith.addf %gather3A_867, %gather3A_868 : vector<16xf32>
        %sub3A_871 = arith.subf %add3A_870, %gather3A_869 : vector<16xf32>
        %mul3A_872 = arith.mulf %sub3A_871, %sub3A_871 : vector<16xf32>
        %add3A_873 = arith.addf %add3A_862, %mul3A_872 : vector<16xf32>
        %add3A_874 = arith.constant 71 : i32
        %add3A_875 = arith.addi %add3A_93, %add3A_874 : i32
        %add3A_876 = vector.broadcast %add3A_875 : i32 to vector<16xi32>
        %add3A_877 = arith.addi %mul3A_5, %add3A_876 : vector<16xi32>
        %gather3A_878 = tpu.vector_load_idx %arg6[%add3A_877] : memref<32768xf32, #tpu.memory_space<vmem>>[vector<16xi32>], vector<16xf32>,
        %gather3A_879 = tpu.vector_load_idx %arg7[%add3A_877] : memref<32768xf32, #tpu.memory_space<vmem>>[vector<16xi32>], vector<16xf32>,
        %gather3A_880 = tpu.vector_load_idx %arg8[%add3A_877] : memref<32768xf32, #tpu.memory_space<vmem>>[vector<16xi32>], vector<16xf32>,
        %add3A_881 = arith.addf %gather3A_878, %gather3A_879 : vector<16xf32>
        %sub3A_882 = arith.subf %add3A_881, %gather3A_880 : vector<16xf32>
        %mul3A_883 = arith.mulf %sub3A_882, %sub3A_882 : vector<16xf32>
        %add3A_884 = arith.addf %add3A_873, %mul3A_883 : vector<16xf32>
        %add3A_885 = arith.constant 72 : i32
        %add3A_886 = arith.addi %add3A_93, %add3A_885 : i32
        %add3A_887 = vector.broadcast %add3A_886 : i32 to vector<16xi32>
        %add3A_888 = arith.addi %mul3A_5, %add3A_887 : vector<16xi32>
        %gather3A_889 = tpu.vector_load_idx %arg6[%add3A_888] : memref<32768xf32, #tpu.memory_space<vmem>>[vector<16xi32>], vector<16xf32>,
        %gather3A_890 = tpu.vector_load_idx %arg7[%add3A_888] : memref<32768xf32, #tpu.memory_space<vmem>>[vector<16xi32>], vector<16xf32>,
        %gather3A_891 = tpu.vector_load_idx %arg8[%add3A_888] : memref<32768xf32, #tpu.memory_space<vmem>>[vector<16xi32>], vector<16xf32>,
        %add3A_892 = arith.addf %gather3A_889, %gather3A_890 : vector<16xf32>
        %sub3A_893 = arith.subf %add3A_892, %gather3A_891 : vector<16xf32>
        %mul3A_894 = arith.mulf %sub3A_893, %sub3A_893 : vector<16xf32>
        %add3A_895 = arith.addf %add3A_884, %mul3A_894 : vector<16xf32>
        %add3A_896 = arith.constant 73 : i32
        %add3A_897 = arith.addi %add3A_93, %add3A_896 : i32
        %add3A_898 = vector.broadcast %add3A_897 : i32 to vector<16xi32>
        %add3A_899 = arith.addi %mul3A_5, %add3A_898 : vector<16xi32>
        %gather3A_900 = tpu.vector_load_idx %arg6[%add3A_899] : memref<32768xf32, #tpu.memory_space<vmem>>[vector<16xi32>], vector<16xf32>,
        %gather3A_901 = tpu.vector_load_idx %arg7[%add3A_899] : memref<32768xf32, #tpu.memory_space<vmem>>[vector<16xi32>], vector<16xf32>,
        %gather3A_902 = tpu.vector_load_idx %arg8[%add3A_899] : memref<32768xf32, #tpu.memory_space<vmem>>[vector<16xi32>], vector<16xf32>,
        %add3A_903 = arith.addf %gather3A_900, %gather3A_901 : vector<16xf32>
        %sub3A_904 = arith.subf %add3A_903, %gather3A_902 : vector<16xf32>
        %mul3A_905 = arith.mulf %sub3A_904, %sub3A_904 : vector<16xf32>
        %add3A_906 = arith.addf %add3A_895, %mul3A_905 : vector<16xf32>
        %add3A_907 = arith.constant 74 : i32
        %add3A_908 = arith.addi %add3A_93, %add3A_907 : i32
        %add3A_909 = vector.broadcast %add3A_908 : i32 to vector<16xi32>
        %add3A_910 = arith.addi %mul3A_5, %add3A_909 : vector<16xi32>
        %gather3A_911 = tpu.vector_load_idx %arg6[%add3A_910] : memref<32768xf32, #tpu.memory_space<vmem>>[vector<16xi32>], vector<16xf32>,
        %gather3A_912 = tpu.vector_load_idx %arg7[%add3A_910] : memref<32768xf32, #tpu.memory_space<vmem>>[vector<16xi32>], vector<16xf32>,
        %gather3A_913 = tpu.vector_load_idx %arg8[%add3A_910] : memref<32768xf32, #tpu.memory_space<vmem>>[vector<16xi32>], vector<16xf32>,
        %add3A_914 = arith.addf %gather3A_911, %gather3A_912 : vector<16xf32>
        %sub3A_915 = arith.subf %add3A_914, %gather3A_913 : vector<16xf32>
        %mul3A_916 = arith.mulf %sub3A_915, %sub3A_915 : vector<16xf32>
        %add3A_917 = arith.addf %add3A_906, %mul3A_916 : vector<16xf32>
        %add3A_918 = arith.constant 75 : i32
        %add3A_919 = arith.addi %add3A_93, %add3A_918 : i32
        %add3A_920 = vector.broadcast %add3A_919 : i32 to vector<16xi32>
        %add3A_921 = arith.addi %mul3A_5, %add3A_920 : vector<16xi32>
        %gather3A_922 = tpu.vector_load_idx %arg6[%add3A_921] : memref<32768xf32, #tpu.memory_space<vmem>>[vector<16xi32>], vector<16xf32>,
        %gather3A_923 = tpu.vector_load_idx %arg7[%add3A_921] : memref<32768xf32, #tpu.memory_space<vmem>>[vector<16xi32>], vector<16xf32>,
        %gather3A_924 = tpu.vector_load_idx %arg8[%add3A_921] : memref<32768xf32, #tpu.memory_space<vmem>>[vector<16xi32>], vector<16xf32>,
        %add3A_925 = arith.addf %gather3A_922, %gather3A_923 : vector<16xf32>
        %sub3A_926 = arith.subf %add3A_925, %gather3A_924 : vector<16xf32>
        %mul3A_927 = arith.mulf %sub3A_926, %sub3A_926 : vector<16xf32>
        %add3A_928 = arith.addf %add3A_917, %mul3A_927 : vector<16xf32>
        %add3A_929 = arith.constant 76 : i32
        %add3A_930 = arith.addi %add3A_93, %add3A_929 : i32
        %add3A_931 = vector.broadcast %add3A_930 : i32 to vector<16xi32>
        %add3A_932 = arith.addi %mul3A_5, %add3A_931 : vector<16xi32>
        %gather3A_933 = tpu.vector_load_idx %arg6[%add3A_932] : memref<32768xf32, #tpu.memory_space<vmem>>[vector<16xi32>], vector<16xf32>,
        %gather3A_934 = tpu.vector_load_idx %arg7[%add3A_932] : memref<32768xf32, #tpu.memory_space<vmem>>[vector<16xi32>], vector<16xf32>,
        %gather3A_935 = tpu.vector_load_idx %arg8[%add3A_932] : memref<32768xf32, #tpu.memory_space<vmem>>[vector<16xi32>], vector<16xf32>,
        %add3A_936 = arith.addf %gather3A_933, %gather3A_934 : vector<16xf32>
        %sub3A_937 = arith.subf %add3A_936, %gather3A_935 : vector<16xf32>
        %mul3A_938 = arith.mulf %sub3A_937, %sub3A_937 : vector<16xf32>
        %add3A_939 = arith.addf %add3A_928, %mul3A_938 : vector<16xf32>
        %add3A_940 = arith.constant 77 : i32
        %add3A_941 = arith.addi %add3A_93, %add3A_940 : i32
        %add3A_942 = vector.broadcast %add3A_941 : i32 to vector<16xi32>
        %add3A_943 = arith.addi %mul3A_5, %add3A_942 : vector<16xi32>
        %gather3A_944 = tpu.vector_load_idx %arg6[%add3A_943] : memref<32768xf32, #tpu.memory_space<vmem>>[vector<16xi32>], vector<16xf32>,
        %gather3A_945 = tpu.vector_load_idx %arg7[%add3A_943] : memref<32768xf32, #tpu.memory_space<vmem>>[vector<16xi32>], vector<16xf32>,
        %gather3A_946 = tpu.vector_load_idx %arg8[%add3A_943] : memref<32768xf32, #tpu.memory_space<vmem>>[vector<16xi32>], vector<16xf32>,
        %add3A_947 = arith.addf %gather3A_944, %gather3A_945 : vector<16xf32>
        %sub3A_948 = arith.subf %add3A_947, %gather3A_946 : vector<16xf32>
        %mul3A_949 = arith.mulf %sub3A_948, %sub3A_948 : vector<16xf32>
        %add3A_950 = arith.addf %add3A_939, %mul3A_949 : vector<16xf32>
        %add3A_951 = arith.constant 78 : i32
        %add3A_952 = arith.addi %add3A_93, %add3A_951 : i32
        %add3A_953 = vector.broadcast %add3A_952 : i32 to vector<16xi32>
        %add3A_954 = arith.addi %mul3A_5, %add3A_953 : vector<16xi32>
        %gather3A_955 = tpu.vector_load_idx %arg6[%add3A_954] : memref<32768xf32, #tpu.memory_space<vmem>>[vector<16xi32>], vector<16xf32>,
        %gather3A_956 = tpu.vector_load_idx %arg7[%add3A_954] : memref<32768xf32, #tpu.memory_space<vmem>>[vector<16xi32>], vector<16xf32>,
        %gather3A_957 = tpu.vector_load_idx %arg8[%add3A_954] : memref<32768xf32, #tpu.memory_space<vmem>>[vector<16xi32>], vector<16xf32>,
        %add3A_958 = arith.addf %gather3A_955, %gather3A_956 : vector<16xf32>
        %sub3A_959 = arith.subf %add3A_958, %gather3A_957 : vector<16xf32>
        %mul3A_960 = arith.mulf %sub3A_959, %sub3A_959 : vector<16xf32>
        %add3A_961 = arith.addf %add3A_950, %mul3A_960 : vector<16xf32>
        %add3A_962 = arith.constant 79 : i32
        %add3A_963 = arith.addi %add3A_93, %add3A_962 : i32
        %add3A_964 = vector.broadcast %add3A_963 : i32 to vector<16xi32>
        %add3A_965 = arith.addi %mul3A_5, %add3A_964 : vector<16xi32>
        %gather3A_966 = tpu.vector_load_idx %arg6[%add3A_965] : memref<32768xf32, #tpu.memory_space<vmem>>[vector<16xi32>], vector<16xf32>,
        %gather3A_967 = tpu.vector_load_idx %arg7[%add3A_965] : memref<32768xf32, #tpu.memory_space<vmem>>[vector<16xi32>], vector<16xf32>,
        %gather3A_968 = tpu.vector_load_idx %arg8[%add3A_965] : memref<32768xf32, #tpu.memory_space<vmem>>[vector<16xi32>], vector<16xf32>,
        %add3A_969 = arith.addf %gather3A_966, %gather3A_967 : vector<16xf32>
        %sub3A_970 = arith.subf %add3A_969, %gather3A_968 : vector<16xf32>
        %mul3A_971 = arith.mulf %sub3A_970, %sub3A_970 : vector<16xf32>
        %add3A_972 = arith.addf %add3A_961, %mul3A_971 : vector<16xf32>
        %add3A_973 = arith.constant 80 : i32
        %add3A_974 = arith.addi %add3A_93, %add3A_973 : i32
        %add3A_975 = vector.broadcast %add3A_974 : i32 to vector<16xi32>
        %add3A_976 = arith.addi %mul3A_5, %add3A_975 : vector<16xi32>
        %gather3A_977 = tpu.vector_load_idx %arg6[%add3A_976] : memref<32768xf32, #tpu.memory_space<vmem>>[vector<16xi32>], vector<16xf32>,
        %gather3A_978 = tpu.vector_load_idx %arg7[%add3A_976] : memref<32768xf32, #tpu.memory_space<vmem>>[vector<16xi32>], vector<16xf32>,
        %gather3A_979 = tpu.vector_load_idx %arg8[%add3A_976] : memref<32768xf32, #tpu.memory_space<vmem>>[vector<16xi32>], vector<16xf32>,
        %add3A_980 = arith.addf %gather3A_977, %gather3A_978 : vector<16xf32>
        %sub3A_981 = arith.subf %add3A_980, %gather3A_979 : vector<16xf32>
        %mul3A_982 = arith.mulf %sub3A_981, %sub3A_981 : vector<16xf32>
        %add3A_983 = arith.addf %add3A_972, %mul3A_982 : vector<16xf32>
        %add3A_984 = arith.constant 81 : i32
        %add3A_985 = arith.addi %add3A_93, %add3A_984 : i32
        %add3A_986 = vector.broadcast %add3A_985 : i32 to vector<16xi32>
        %add3A_987 = arith.addi %mul3A_5, %add3A_986 : vector<16xi32>
        %gather3A_988 = tpu.vector_load_idx %arg6[%add3A_987] : memref<32768xf32, #tpu.memory_space<vmem>>[vector<16xi32>], vector<16xf32>,
        %gather3A_989 = tpu.vector_load_idx %arg7[%add3A_987] : memref<32768xf32, #tpu.memory_space<vmem>>[vector<16xi32>], vector<16xf32>,
        %gather3A_990 = tpu.vector_load_idx %arg8[%add3A_987] : memref<32768xf32, #tpu.memory_space<vmem>>[vector<16xi32>], vector<16xf32>,
        %add3A_991 = arith.addf %gather3A_988, %gather3A_989 : vector<16xf32>
        %sub3A_992 = arith.subf %add3A_991, %gather3A_990 : vector<16xf32>
        %mul3A_993 = arith.mulf %sub3A_992, %sub3A_992 : vector<16xf32>
        %add3A_994 = arith.addf %add3A_983, %mul3A_993 : vector<16xf32>
        %add3A_995 = arith.constant 82 : i32
        %add3A_996 = arith.addi %add3A_93, %add3A_995 : i32
        %add3A_997 = vector.broadcast %add3A_996 : i32 to vector<16xi32>
        %add3A_998 = arith.addi %mul3A_5, %add3A_997 : vector<16xi32>
        %gather3A_999 = tpu.vector_load_idx %arg6[%add3A_998] : memref<32768xf32, #tpu.memory_space<vmem>>[vector<16xi32>], vector<16xf32>,
        %gather3A_1000 = tpu.vector_load_idx %arg7[%add3A_998] : memref<32768xf32, #tpu.memory_space<vmem>>[vector<16xi32>], vector<16xf32>,
        %gather3A_1001 = tpu.vector_load_idx %arg8[%add3A_998] : memref<32768xf32, #tpu.memory_space<vmem>>[vector<16xi32>], vector<16xf32>,
        %add3A_1002 = arith.addf %gather3A_999, %gather3A_1000 : vector<16xf32>
        %sub3A_1003 = arith.subf %add3A_1002, %gather3A_1001 : vector<16xf32>
        %mul3A_1004 = arith.mulf %sub3A_1003, %sub3A_1003 : vector<16xf32>
        %add3A_1005 = arith.addf %add3A_994, %mul3A_1004 : vector<16xf32>
        %add3A_1006 = arith.constant 83 : i32
        %add3A_1007 = arith.addi %add3A_93, %add3A_1006 : i32
        %add3A_1008 = vector.broadcast %add3A_1007 : i32 to vector<16xi32>
        %add3A_1009 = arith.addi %mul3A_5, %add3A_1008 : vector<16xi32>
        %gather3A_1010 = tpu.vector_load_idx %arg6[%add3A_1009] : memref<32768xf32, #tpu.memory_space<vmem>>[vector<16xi32>], vector<16xf32>,
        %gather3A_1011 = tpu.vector_load_idx %arg7[%add3A_1009] : memref<32768xf32, #tpu.memory_space<vmem>>[vector<16xi32>], vector<16xf32>,
        %gather3A_1012 = tpu.vector_load_idx %arg8[%add3A_1009] : memref<32768xf32, #tpu.memory_space<vmem>>[vector<16xi32>], vector<16xf32>,
        %add3A_1013 = arith.addf %gather3A_1010, %gather3A_1011 : vector<16xf32>
        %sub3A_1014 = arith.subf %add3A_1013, %gather3A_1012 : vector<16xf32>
        %mul3A_1015 = arith.mulf %sub3A_1014, %sub3A_1014 : vector<16xf32>
        %add3A_1016 = arith.addf %add3A_1005, %mul3A_1015 : vector<16xf32>
        %add3A_1017 = arith.constant 84 : i32
        %add3A_1018 = arith.addi %add3A_93, %add3A_1017 : i32
        %add3A_1019 = vector.broadcast %add3A_1018 : i32 to vector<16xi32>
        %add3A_1020 = arith.addi %mul3A_5, %add3A_1019 : vector<16xi32>
        %gather3A_1021 = tpu.vector_load_idx %arg6[%add3A_1020] : memref<32768xf32, #tpu.memory_space<vmem>>[vector<16xi32>], vector<16xf32>,
        %gather3A_1022 = tpu.vector_load_idx %arg7[%add3A_1020] : memref<32768xf32, #tpu.memory_space<vmem>>[vector<16xi32>], vector<16xf32>,
        %gather3A_1023 = tpu.vector_load_idx %arg8[%add3A_1020] : memref<32768xf32, #tpu.memory_space<vmem>>[vector<16xi32>], vector<16xf32>,
        %add3A_1024 = arith.addf %gather3A_1021, %gather3A_1022 : vector<16xf32>
        %sub3A_1025 = arith.subf %add3A_1024, %gather3A_1023 : vector<16xf32>
        %mul3A_1026 = arith.mulf %sub3A_1025, %sub3A_1025 : vector<16xf32>
        %add3A_1027 = arith.addf %add3A_1016, %mul3A_1026 : vector<16xf32>
        %add3A_1028 = arith.constant 85 : i32
        %add3A_1029 = arith.addi %add3A_93, %add3A_1028 : i32
        %add3A_1030 = vector.broadcast %add3A_1029 : i32 to vector<16xi32>
        %add3A_1031 = arith.addi %mul3A_5, %add3A_1030 : vector<16xi32>
        %gather3A_1032 = tpu.vector_load_idx %arg6[%add3A_1031] : memref<32768xf32, #tpu.memory_space<vmem>>[vector<16xi32>], vector<16xf32>,
        %gather3A_1033 = tpu.vector_load_idx %arg7[%add3A_1031] : memref<32768xf32, #tpu.memory_space<vmem>>[vector<16xi32>], vector<16xf32>,
        %gather3A_1034 = tpu.vector_load_idx %arg8[%add3A_1031] : memref<32768xf32, #tpu.memory_space<vmem>>[vector<16xi32>], vector<16xf32>,
        %add3A_1035 = arith.addf %gather3A_1032, %gather3A_1033 : vector<16xf32>
        %sub3A_1036 = arith.subf %add3A_1035, %gather3A_1034 : vector<16xf32>
        %mul3A_1037 = arith.mulf %sub3A_1036, %sub3A_1036 : vector<16xf32>
        %add3A_1038 = arith.addf %add3A_1027, %mul3A_1037 : vector<16xf32>
        %add3A_1039 = arith.constant 86 : i32
        %add3A_1040 = arith.addi %add3A_93, %add3A_1039 : i32
        %add3A_1041 = vector.broadcast %add3A_1040 : i32 to vector<16xi32>
        %add3A_1042 = arith.addi %mul3A_5, %add3A_1041 : vector<16xi32>
        %gather3A_1043 = tpu.vector_load_idx %arg6[%add3A_1042] : memref<32768xf32, #tpu.memory_space<vmem>>[vector<16xi32>], vector<16xf32>,
        %gather3A_1044 = tpu.vector_load_idx %arg7[%add3A_1042] : memref<32768xf32, #tpu.memory_space<vmem>>[vector<16xi32>], vector<16xf32>,
        %gather3A_1045 = tpu.vector_load_idx %arg8[%add3A_1042] : memref<32768xf32, #tpu.memory_space<vmem>>[vector<16xi32>], vector<16xf32>,
        %add3A_1046 = arith.addf %gather3A_1043, %gather3A_1044 : vector<16xf32>
        %sub3A_1047 = arith.subf %add3A_1046, %gather3A_1045 : vector<16xf32>
        %mul3A_1048 = arith.mulf %sub3A_1047, %sub3A_1047 : vector<16xf32>
        %add3A_1049 = arith.addf %add3A_1038, %mul3A_1048 : vector<16xf32>
        %add3A_1050 = arith.constant 87 : i32
        %add3A_1051 = arith.addi %add3A_93, %add3A_1050 : i32
        %add3A_1052 = vector.broadcast %add3A_1051 : i32 to vector<16xi32>
        %add3A_1053 = arith.addi %mul3A_5, %add3A_1052 : vector<16xi32>
        %gather3A_1054 = tpu.vector_load_idx %arg6[%add3A_1053] : memref<32768xf32, #tpu.memory_space<vmem>>[vector<16xi32>], vector<16xf32>,
        %gather3A_1055 = tpu.vector_load_idx %arg7[%add3A_1053] : memref<32768xf32, #tpu.memory_space<vmem>>[vector<16xi32>], vector<16xf32>,
        %gather3A_1056 = tpu.vector_load_idx %arg8[%add3A_1053] : memref<32768xf32, #tpu.memory_space<vmem>>[vector<16xi32>], vector<16xf32>,
        %add3A_1057 = arith.addf %gather3A_1054, %gather3A_1055 : vector<16xf32>
        %sub3A_1058 = arith.subf %add3A_1057, %gather3A_1056 : vector<16xf32>
        %mul3A_1059 = arith.mulf %sub3A_1058, %sub3A_1058 : vector<16xf32>
        %add3A_1060 = arith.addf %add3A_1049, %mul3A_1059 : vector<16xf32>
        %add3A_1061 = arith.constant 88 : i32
        %add3A_1062 = arith.addi %add3A_93, %add3A_1061 : i32
        %add3A_1063 = vector.broadcast %add3A_1062 : i32 to vector<16xi32>
        %add3A_1064 = arith.addi %mul3A_5, %add3A_1063 : vector<16xi32>
        %gather3A_1065 = tpu.vector_load_idx %arg6[%add3A_1064] : memref<32768xf32, #tpu.memory_space<vmem>>[vector<16xi32>], vector<16xf32>,
        %gather3A_1066 = tpu.vector_load_idx %arg7[%add3A_1064] : memref<32768xf32, #tpu.memory_space<vmem>>[vector<16xi32>], vector<16xf32>,
        %gather3A_1067 = tpu.vector_load_idx %arg8[%add3A_1064] : memref<32768xf32, #tpu.memory_space<vmem>>[vector<16xi32>], vector<16xf32>,
        %add3A_1068 = arith.addf %gather3A_1065, %gather3A_1066 : vector<16xf32>
        %sub3A_1069 = arith.subf %add3A_1068, %gather3A_1067 : vector<16xf32>
        %mul3A_1070 = arith.mulf %sub3A_1069, %sub3A_1069 : vector<16xf32>
        %add3A_1071 = arith.addf %add3A_1060, %mul3A_1070 : vector<16xf32>
        %add3A_1072 = arith.constant 89 : i32
        %add3A_1073 = arith.addi %add3A_93, %add3A_1072 : i32
        %add3A_1074 = vector.broadcast %add3A_1073 : i32 to vector<16xi32>
        %add3A_1075 = arith.addi %mul3A_5, %add3A_1074 : vector<16xi32>
        %gather3A_1076 = tpu.vector_load_idx %arg6[%add3A_1075] : memref<32768xf32, #tpu.memory_space<vmem>>[vector<16xi32>], vector<16xf32>,
        %gather3A_1077 = tpu.vector_load_idx %arg7[%add3A_1075] : memref<32768xf32, #tpu.memory_space<vmem>>[vector<16xi32>], vector<16xf32>,
        %gather3A_1078 = tpu.vector_load_idx %arg8[%add3A_1075] : memref<32768xf32, #tpu.memory_space<vmem>>[vector<16xi32>], vector<16xf32>,
        %add3A_1079 = arith.addf %gather3A_1076, %gather3A_1077 : vector<16xf32>
        %sub3A_1080 = arith.subf %add3A_1079, %gather3A_1078 : vector<16xf32>
        %mul3A_1081 = arith.mulf %sub3A_1080, %sub3A_1080 : vector<16xf32>
        %add3A_1082 = arith.addf %add3A_1071, %mul3A_1081 : vector<16xf32>
        %add3A_1083 = arith.constant 90 : i32
        %add3A_1084 = arith.addi %add3A_93, %add3A_1083 : i32
        %add3A_1085 = vector.broadcast %add3A_1084 : i32 to vector<16xi32>
        %add3A_1086 = arith.addi %mul3A_5, %add3A_1085 : vector<16xi32>
        %gather3A_1087 = tpu.vector_load_idx %arg6[%add3A_1086] : memref<32768xf32, #tpu.memory_space<vmem>>[vector<16xi32>], vector<16xf32>,
        %gather3A_1088 = tpu.vector_load_idx %arg7[%add3A_1086] : memref<32768xf32, #tpu.memory_space<vmem>>[vector<16xi32>], vector<16xf32>,
        %gather3A_1089 = tpu.vector_load_idx %arg8[%add3A_1086] : memref<32768xf32, #tpu.memory_space<vmem>>[vector<16xi32>], vector<16xf32>,
        %add3A_1090 = arith.addf %gather3A_1087, %gather3A_1088 : vector<16xf32>
        %sub3A_1091 = arith.subf %add3A_1090, %gather3A_1089 : vector<16xf32>
        %mul3A_1092 = arith.mulf %sub3A_1091, %sub3A_1091 : vector<16xf32>
        %add3A_1093 = arith.addf %add3A_1082, %mul3A_1092 : vector<16xf32>
        %add3A_1094 = arith.constant 91 : i32
        %add3A_1095 = arith.addi %add3A_93, %add3A_1094 : i32
        %add3A_1096 = vector.broadcast %add3A_1095 : i32 to vector<16xi32>
        %add3A_1097 = arith.addi %mul3A_5, %add3A_1096 : vector<16xi32>
        %gather3A_1098 = tpu.vector_load_idx %arg6[%add3A_1097] : memref<32768xf32, #tpu.memory_space<vmem>>[vector<16xi32>], vector<16xf32>,
        %gather3A_1099 = tpu.vector_load_idx %arg7[%add3A_1097] : memref<32768xf32, #tpu.memory_space<vmem>>[vector<16xi32>], vector<16xf32>,
        %gather3A_1100 = tpu.vector_load_idx %arg8[%add3A_1097] : memref<32768xf32, #tpu.memory_space<vmem>>[vector<16xi32>], vector<16xf32>,
        %add3A_1101 = arith.addf %gather3A_1098, %gather3A_1099 : vector<16xf32>
        %sub3A_1102 = arith.subf %add3A_1101, %gather3A_1100 : vector<16xf32>
        %mul3A_1103 = arith.mulf %sub3A_1102, %sub3A_1102 : vector<16xf32>
        %add3A_1104 = arith.addf %add3A_1093, %mul3A_1103 : vector<16xf32>
        %add3A_1105 = arith.constant 92 : i32
        %add3A_1106 = arith.addi %add3A_93, %add3A_1105 : i32
        %add3A_1107 = vector.broadcast %add3A_1106 : i32 to vector<16xi32>
        %add3A_1108 = arith.addi %mul3A_5, %add3A_1107 : vector<16xi32>
        %gather3A_1109 = tpu.vector_load_idx %arg6[%add3A_1108] : memref<32768xf32, #tpu.memory_space<vmem>>[vector<16xi32>], vector<16xf32>,
        %gather3A_1110 = tpu.vector_load_idx %arg7[%add3A_1108] : memref<32768xf32, #tpu.memory_space<vmem>>[vector<16xi32>], vector<16xf32>,
        %gather3A_1111 = tpu.vector_load_idx %arg8[%add3A_1108] : memref<32768xf32, #tpu.memory_space<vmem>>[vector<16xi32>], vector<16xf32>,
        %add3A_1112 = arith.addf %gather3A_1109, %gather3A_1110 : vector<16xf32>
        %sub3A_1113 = arith.subf %add3A_1112, %gather3A_1111 : vector<16xf32>
        %mul3A_1114 = arith.mulf %sub3A_1113, %sub3A_1113 : vector<16xf32>
        %add3A_1115 = arith.addf %add3A_1104, %mul3A_1114 : vector<16xf32>
        %add3A_1116 = arith.constant 93 : i32
        %add3A_1117 = arith.addi %add3A_93, %add3A_1116 : i32
        %add3A_1118 = vector.broadcast %add3A_1117 : i32 to vector<16xi32>
        %add3A_1119 = arith.addi %mul3A_5, %add3A_1118 : vector<16xi32>
        %gather3A_1120 = tpu.vector_load_idx %arg6[%add3A_1119] : memref<32768xf32, #tpu.memory_space<vmem>>[vector<16xi32>], vector<16xf32>,
        %gather3A_1121 = tpu.vector_load_idx %arg7[%add3A_1119] : memref<32768xf32, #tpu.memory_space<vmem>>[vector<16xi32>], vector<16xf32>,
        %gather3A_1122 = tpu.vector_load_idx %arg8[%add3A_1119] : memref<32768xf32, #tpu.memory_space<vmem>>[vector<16xi32>], vector<16xf32>,
        %add3A_1123 = arith.addf %gather3A_1120, %gather3A_1121 : vector<16xf32>
        %sub3A_1124 = arith.subf %add3A_1123, %gather3A_1122 : vector<16xf32>
        %mul3A_1125 = arith.mulf %sub3A_1124, %sub3A_1124 : vector<16xf32>
        %add3A_1126 = arith.addf %add3A_1115, %mul3A_1125 : vector<16xf32>
        %add3A_1127 = arith.constant 94 : i32
        %add3A_1128 = arith.addi %add3A_93, %add3A_1127 : i32
        %add3A_1129 = vector.broadcast %add3A_1128 : i32 to vector<16xi32>
        %add3A_1130 = arith.addi %mul3A_5, %add3A_1129 : vector<16xi32>
        %gather3A_1131 = tpu.vector_load_idx %arg6[%add3A_1130] : memref<32768xf32, #tpu.memory_space<vmem>>[vector<16xi32>], vector<16xf32>,
        %gather3A_1132 = tpu.vector_load_idx %arg7[%add3A_1130] : memref<32768xf32, #tpu.memory_space<vmem>>[vector<16xi32>], vector<16xf32>,
        %gather3A_1133 = tpu.vector_load_idx %arg8[%add3A_1130] : memref<32768xf32, #tpu.memory_space<vmem>>[vector<16xi32>], vector<16xf32>,
        %add3A_1134 = arith.addf %gather3A_1131, %gather3A_1132 : vector<16xf32>
        %sub3A_1135 = arith.subf %add3A_1134, %gather3A_1133 : vector<16xf32>
        %mul3A_1136 = arith.mulf %sub3A_1135, %sub3A_1135 : vector<16xf32>
        %add3A_1137 = arith.addf %add3A_1126, %mul3A_1136 : vector<16xf32>
        %add3A_1138 = arith.constant 95 : i32
        %add3A_1139 = arith.addi %add3A_93, %add3A_1138 : i32
        %add3A_1140 = vector.broadcast %add3A_1139 : i32 to vector<16xi32>
        %add3A_1141 = arith.addi %mul3A_5, %add3A_1140 : vector<16xi32>
        %gather3A_1142 = tpu.vector_load_idx %arg6[%add3A_1141] : memref<32768xf32, #tpu.memory_space<vmem>>[vector<16xi32>], vector<16xf32>,
        %gather3A_1143 = tpu.vector_load_idx %arg7[%add3A_1141] : memref<32768xf32, #tpu.memory_space<vmem>>[vector<16xi32>], vector<16xf32>,
        %gather3A_1144 = tpu.vector_load_idx %arg8[%add3A_1141] : memref<32768xf32, #tpu.memory_space<vmem>>[vector<16xi32>], vector<16xf32>,
        %add3A_1145 = arith.addf %gather3A_1142, %gather3A_1143 : vector<16xf32>
        %sub3A_1146 = arith.subf %add3A_1145, %gather3A_1144 : vector<16xf32>
        %mul3A_1147 = arith.mulf %sub3A_1146, %sub3A_1146 : vector<16xf32>
        %add3A_1148 = arith.addf %add3A_1137, %mul3A_1147 : vector<16xf32>
        %add3A_1149 = arith.constant 96 : i32
        %add3A_1150 = arith.addi %add3A_93, %add3A_1149 : i32
        %add3A_1151 = vector.broadcast %add3A_1150 : i32 to vector<16xi32>
        %add3A_1152 = arith.addi %mul3A_5, %add3A_1151 : vector<16xi32>
        %gather3A_1153 = tpu.vector_load_idx %arg6[%add3A_1152] : memref<32768xf32, #tpu.memory_space<vmem>>[vector<16xi32>], vector<16xf32>,
        %gather3A_1154 = tpu.vector_load_idx %arg7[%add3A_1152] : memref<32768xf32, #tpu.memory_space<vmem>>[vector<16xi32>], vector<16xf32>,
        %gather3A_1155 = tpu.vector_load_idx %arg8[%add3A_1152] : memref<32768xf32, #tpu.memory_space<vmem>>[vector<16xi32>], vector<16xf32>,
        %add3A_1156 = arith.addf %gather3A_1153, %gather3A_1154 : vector<16xf32>
        %sub3A_1157 = arith.subf %add3A_1156, %gather3A_1155 : vector<16xf32>
        %mul3A_1158 = arith.mulf %sub3A_1157, %sub3A_1157 : vector<16xf32>
        %add3A_1159 = arith.addf %add3A_1148, %mul3A_1158 : vector<16xf32>
        %add3A_1160 = arith.constant 97 : i32
        %add3A_1161 = arith.addi %add3A_93, %add3A_1160 : i32
        %add3A_1162 = vector.broadcast %add3A_1161 : i32 to vector<16xi32>
        %add3A_1163 = arith.addi %mul3A_5, %add3A_1162 : vector<16xi32>
        %gather3A_1164 = tpu.vector_load_idx %arg6[%add3A_1163] : memref<32768xf32, #tpu.memory_space<vmem>>[vector<16xi32>], vector<16xf32>,
        %gather3A_1165 = tpu.vector_load_idx %arg7[%add3A_1163] : memref<32768xf32, #tpu.memory_space<vmem>>[vector<16xi32>], vector<16xf32>,
        %gather3A_1166 = tpu.vector_load_idx %arg8[%add3A_1163] : memref<32768xf32, #tpu.memory_space<vmem>>[vector<16xi32>], vector<16xf32>,
        %add3A_1167 = arith.addf %gather3A_1164, %gather3A_1165 : vector<16xf32>
        %sub3A_1168 = arith.subf %add3A_1167, %gather3A_1166 : vector<16xf32>
        %mul3A_1169 = arith.mulf %sub3A_1168, %sub3A_1168 : vector<16xf32>
        %add3A_1170 = arith.addf %add3A_1159, %mul3A_1169 : vector<16xf32>
        %add3A_1171 = arith.constant 98 : i32
        %add3A_1172 = arith.addi %add3A_93, %add3A_1171 : i32
        %add3A_1173 = vector.broadcast %add3A_1172 : i32 to vector<16xi32>
        %add3A_1174 = arith.addi %mul3A_5, %add3A_1173 : vector<16xi32>
        %gather3A_1175 = tpu.vector_load_idx %arg6[%add3A_1174] : memref<32768xf32, #tpu.memory_space<vmem>>[vector<16xi32>], vector<16xf32>,
        %gather3A_1176 = tpu.vector_load_idx %arg7[%add3A_1174] : memref<32768xf32, #tpu.memory_space<vmem>>[vector<16xi32>], vector<16xf32>,
        %gather3A_1177 = tpu.vector_load_idx %arg8[%add3A_1174] : memref<32768xf32, #tpu.memory_space<vmem>>[vector<16xi32>], vector<16xf32>,
        %add3A_1178 = arith.addf %gather3A_1175, %gather3A_1176 : vector<16xf32>
        %sub3A_1179 = arith.subf %add3A_1178, %gather3A_1177 : vector<16xf32>
        %mul3A_1180 = arith.mulf %sub3A_1179, %sub3A_1179 : vector<16xf32>
        %add3A_1181 = arith.addf %add3A_1170, %mul3A_1180 : vector<16xf32>
        %add3A_1182 = arith.constant 99 : i32
        %add3A_1183 = arith.addi %add3A_93, %add3A_1182 : i32
        %add3A_1184 = vector.broadcast %add3A_1183 : i32 to vector<16xi32>
        %add3A_1185 = arith.addi %mul3A_5, %add3A_1184 : vector<16xi32>
        %gather3A_1186 = tpu.vector_load_idx %arg6[%add3A_1185] : memref<32768xf32, #tpu.memory_space<vmem>>[vector<16xi32>], vector<16xf32>,
        %gather3A_1187 = tpu.vector_load_idx %arg7[%add3A_1185] : memref<32768xf32, #tpu.memory_space<vmem>>[vector<16xi32>], vector<16xf32>,
        %gather3A_1188 = tpu.vector_load_idx %arg8[%add3A_1185] : memref<32768xf32, #tpu.memory_space<vmem>>[vector<16xi32>], vector<16xf32>,
        %add3A_1189 = arith.addf %gather3A_1186, %gather3A_1187 : vector<16xf32>
        %sub3A_1190 = arith.subf %add3A_1189, %gather3A_1188 : vector<16xf32>
        %mul3A_1191 = arith.mulf %sub3A_1190, %sub3A_1190 : vector<16xf32>
        %add3A_1192 = arith.addf %add3A_1181, %mul3A_1191 : vector<16xf32>
        %add3A_1193 = arith.constant 100 : i32
        %add3A_1194 = arith.addi %add3A_93, %add3A_1193 : i32
        %add3A_1195 = vector.broadcast %add3A_1194 : i32 to vector<16xi32>
        %add3A_1196 = arith.addi %mul3A_5, %add3A_1195 : vector<16xi32>
        %gather3A_1197 = tpu.vector_load_idx %arg6[%add3A_1196] : memref<32768xf32, #tpu.memory_space<vmem>>[vector<16xi32>], vector<16xf32>,
        %gather3A_1198 = tpu.vector_load_idx %arg7[%add3A_1196] : memref<32768xf32, #tpu.memory_space<vmem>>[vector<16xi32>], vector<16xf32>,
        %gather3A_1199 = tpu.vector_load_idx %arg8[%add3A_1196] : memref<32768xf32, #tpu.memory_space<vmem>>[vector<16xi32>], vector<16xf32>,
        %add3A_1200 = arith.addf %gather3A_1197, %gather3A_1198 : vector<16xf32>
        %sub3A_1201 = arith.subf %add3A_1200, %gather3A_1199 : vector<16xf32>
        %mul3A_1202 = arith.mulf %sub3A_1201, %sub3A_1201 : vector<16xf32>
        %add3A_1203 = arith.addf %add3A_1192, %mul3A_1202 : vector<16xf32>
        %add3A_1204 = arith.constant 101 : i32
        %add3A_1205 = arith.addi %add3A_93, %add3A_1204 : i32
        %add3A_1206 = vector.broadcast %add3A_1205 : i32 to vector<16xi32>
        %add3A_1207 = arith.addi %mul3A_5, %add3A_1206 : vector<16xi32>
        %gather3A_1208 = tpu.vector_load_idx %arg6[%add3A_1207] : memref<32768xf32, #tpu.memory_space<vmem>>[vector<16xi32>], vector<16xf32>,
        %gather3A_1209 = tpu.vector_load_idx %arg7[%add3A_1207] : memref<32768xf32, #tpu.memory_space<vmem>>[vector<16xi32>], vector<16xf32>,
        %gather3A_1210 = tpu.vector_load_idx %arg8[%add3A_1207] : memref<32768xf32, #tpu.memory_space<vmem>>[vector<16xi32>], vector<16xf32>,
        %add3A_1211 = arith.addf %gather3A_1208, %gather3A_1209 : vector<16xf32>
        %sub3A_1212 = arith.subf %add3A_1211, %gather3A_1210 : vector<16xf32>
        %mul3A_1213 = arith.mulf %sub3A_1212, %sub3A_1212 : vector<16xf32>
        %add3A_1214 = arith.addf %add3A_1203, %mul3A_1213 : vector<16xf32>
        %add3A_1215 = arith.constant 102 : i32
        %add3A_1216 = arith.addi %add3A_93, %add3A_1215 : i32
        %add3A_1217 = vector.broadcast %add3A_1216 : i32 to vector<16xi32>
        %add3A_1218 = arith.addi %mul3A_5, %add3A_1217 : vector<16xi32>
        %gather3A_1219 = tpu.vector_load_idx %arg6[%add3A_1218] : memref<32768xf32, #tpu.memory_space<vmem>>[vector<16xi32>], vector<16xf32>,
        %gather3A_1220 = tpu.vector_load_idx %arg7[%add3A_1218] : memref<32768xf32, #tpu.memory_space<vmem>>[vector<16xi32>], vector<16xf32>,
        %gather3A_1221 = tpu.vector_load_idx %arg8[%add3A_1218] : memref<32768xf32, #tpu.memory_space<vmem>>[vector<16xi32>], vector<16xf32>,
        %add3A_1222 = arith.addf %gather3A_1219, %gather3A_1220 : vector<16xf32>
        %sub3A_1223 = arith.subf %add3A_1222, %gather3A_1221 : vector<16xf32>
        %mul3A_1224 = arith.mulf %sub3A_1223, %sub3A_1223 : vector<16xf32>
        %add3A_1225 = arith.addf %add3A_1214, %mul3A_1224 : vector<16xf32>
        %add3A_1226 = arith.constant 103 : i32
        %add3A_1227 = arith.addi %add3A_93, %add3A_1226 : i32
        %add3A_1228 = vector.broadcast %add3A_1227 : i32 to vector<16xi32>
        %add3A_1229 = arith.addi %mul3A_5, %add3A_1228 : vector<16xi32>
        %gather3A_1230 = tpu.vector_load_idx %arg6[%add3A_1229] : memref<32768xf32, #tpu.memory_space<vmem>>[vector<16xi32>], vector<16xf32>,
        %gather3A_1231 = tpu.vector_load_idx %arg7[%add3A_1229] : memref<32768xf32, #tpu.memory_space<vmem>>[vector<16xi32>], vector<16xf32>,
        %gather3A_1232 = tpu.vector_load_idx %arg8[%add3A_1229] : memref<32768xf32, #tpu.memory_space<vmem>>[vector<16xi32>], vector<16xf32>,
        %add3A_1233 = arith.addf %gather3A_1230, %gather3A_1231 : vector<16xf32>
        %sub3A_1234 = arith.subf %add3A_1233, %gather3A_1232 : vector<16xf32>
        %mul3A_1235 = arith.mulf %sub3A_1234, %sub3A_1234 : vector<16xf32>
        %add3A_1236 = arith.addf %add3A_1225, %mul3A_1235 : vector<16xf32>
        %add3A_1237 = arith.constant 104 : i32
        %add3A_1238 = arith.addi %add3A_93, %add3A_1237 : i32
        %add3A_1239 = vector.broadcast %add3A_1238 : i32 to vector<16xi32>
        %add3A_1240 = arith.addi %mul3A_5, %add3A_1239 : vector<16xi32>
        %gather3A_1241 = tpu.vector_load_idx %arg6[%add3A_1240] : memref<32768xf32, #tpu.memory_space<vmem>>[vector<16xi32>], vector<16xf32>,
        %gather3A_1242 = tpu.vector_load_idx %arg7[%add3A_1240] : memref<32768xf32, #tpu.memory_space<vmem>>[vector<16xi32>], vector<16xf32>,
        %gather3A_1243 = tpu.vector_load_idx %arg8[%add3A_1240] : memref<32768xf32, #tpu.memory_space<vmem>>[vector<16xi32>], vector<16xf32>,
        %add3A_1244 = arith.addf %gather3A_1241, %gather3A_1242 : vector<16xf32>
        %sub3A_1245 = arith.subf %add3A_1244, %gather3A_1243 : vector<16xf32>
        %mul3A_1246 = arith.mulf %sub3A_1245, %sub3A_1245 : vector<16xf32>
        %add3A_1247 = arith.addf %add3A_1236, %mul3A_1246 : vector<16xf32>
        %add3A_1248 = arith.constant 105 : i32
        %add3A_1249 = arith.addi %add3A_93, %add3A_1248 : i32
        %add3A_1250 = vector.broadcast %add3A_1249 : i32 to vector<16xi32>
        %add3A_1251 = arith.addi %mul3A_5, %add3A_1250 : vector<16xi32>
        %gather3A_1252 = tpu.vector_load_idx %arg6[%add3A_1251] : memref<32768xf32, #tpu.memory_space<vmem>>[vector<16xi32>], vector<16xf32>,
        %gather3A_1253 = tpu.vector_load_idx %arg7[%add3A_1251] : memref<32768xf32, #tpu.memory_space<vmem>>[vector<16xi32>], vector<16xf32>,
        %gather3A_1254 = tpu.vector_load_idx %arg8[%add3A_1251] : memref<32768xf32, #tpu.memory_space<vmem>>[vector<16xi32>], vector<16xf32>,
        %add3A_1255 = arith.addf %gather3A_1252, %gather3A_1253 : vector<16xf32>
        %sub3A_1256 = arith.subf %add3A_1255, %gather3A_1254 : vector<16xf32>
        %mul3A_1257 = arith.mulf %sub3A_1256, %sub3A_1256 : vector<16xf32>
        %add3A_1258 = arith.addf %add3A_1247, %mul3A_1257 : vector<16xf32>
        %add3A_1259 = arith.constant 106 : i32
        %add3A_1260 = arith.addi %add3A_93, %add3A_1259 : i32
        %add3A_1261 = vector.broadcast %add3A_1260 : i32 to vector<16xi32>
        %add3A_1262 = arith.addi %mul3A_5, %add3A_1261 : vector<16xi32>
        %gather3A_1263 = tpu.vector_load_idx %arg6[%add3A_1262] : memref<32768xf32, #tpu.memory_space<vmem>>[vector<16xi32>], vector<16xf32>,
        %gather3A_1264 = tpu.vector_load_idx %arg7[%add3A_1262] : memref<32768xf32, #tpu.memory_space<vmem>>[vector<16xi32>], vector<16xf32>,
        %gather3A_1265 = tpu.vector_load_idx %arg8[%add3A_1262] : memref<32768xf32, #tpu.memory_space<vmem>>[vector<16xi32>], vector<16xf32>,
        %add3A_1266 = arith.addf %gather3A_1263, %gather3A_1264 : vector<16xf32>
        %sub3A_1267 = arith.subf %add3A_1266, %gather3A_1265 : vector<16xf32>
        %mul3A_1268 = arith.mulf %sub3A_1267, %sub3A_1267 : vector<16xf32>
        %add3A_1269 = arith.addf %add3A_1258, %mul3A_1268 : vector<16xf32>
        %add3A_1270 = arith.constant 107 : i32
        %add3A_1271 = arith.addi %add3A_93, %add3A_1270 : i32
        %add3A_1272 = vector.broadcast %add3A_1271 : i32 to vector<16xi32>
        %add3A_1273 = arith.addi %mul3A_5, %add3A_1272 : vector<16xi32>
        %gather3A_1274 = tpu.vector_load_idx %arg6[%add3A_1273] : memref<32768xf32, #tpu.memory_space<vmem>>[vector<16xi32>], vector<16xf32>,
        %gather3A_1275 = tpu.vector_load_idx %arg7[%add3A_1273] : memref<32768xf32, #tpu.memory_space<vmem>>[vector<16xi32>], vector<16xf32>,
        %gather3A_1276 = tpu.vector_load_idx %arg8[%add3A_1273] : memref<32768xf32, #tpu.memory_space<vmem>>[vector<16xi32>], vector<16xf32>,
        %add3A_1277 = arith.addf %gather3A_1274, %gather3A_1275 : vector<16xf32>
        %sub3A_1278 = arith.subf %add3A_1277, %gather3A_1276 : vector<16xf32>
        %mul3A_1279 = arith.mulf %sub3A_1278, %sub3A_1278 : vector<16xf32>
        %add3A_1280 = arith.addf %add3A_1269, %mul3A_1279 : vector<16xf32>
        %add3A_1281 = arith.constant 108 : i32
        %add3A_1282 = arith.addi %add3A_93, %add3A_1281 : i32
        %add3A_1283 = vector.broadcast %add3A_1282 : i32 to vector<16xi32>
        %add3A_1284 = arith.addi %mul3A_5, %add3A_1283 : vector<16xi32>
        %gather3A_1285 = tpu.vector_load_idx %arg6[%add3A_1284] : memref<32768xf32, #tpu.memory_space<vmem>>[vector<16xi32>], vector<16xf32>,
        %gather3A_1286 = tpu.vector_load_idx %arg7[%add3A_1284] : memref<32768xf32, #tpu.memory_space<vmem>>[vector<16xi32>], vector<16xf32>,
        %gather3A_1287 = tpu.vector_load_idx %arg8[%add3A_1284] : memref<32768xf32, #tpu.memory_space<vmem>>[vector<16xi32>], vector<16xf32>,
        %add3A_1288 = arith.addf %gather3A_1285, %gather3A_1286 : vector<16xf32>
        %sub3A_1289 = arith.subf %add3A_1288, %gather3A_1287 : vector<16xf32>
        %mul3A_1290 = arith.mulf %sub3A_1289, %sub3A_1289 : vector<16xf32>
        %add3A_1291 = arith.addf %add3A_1280, %mul3A_1290 : vector<16xf32>
        %add3A_1292 = arith.constant 109 : i32
        %add3A_1293 = arith.addi %add3A_93, %add3A_1292 : i32
        %add3A_1294 = vector.broadcast %add3A_1293 : i32 to vector<16xi32>
        %add3A_1295 = arith.addi %mul3A_5, %add3A_1294 : vector<16xi32>
        %gather3A_1296 = tpu.vector_load_idx %arg6[%add3A_1295] : memref<32768xf32, #tpu.memory_space<vmem>>[vector<16xi32>], vector<16xf32>,
        %gather3A_1297 = tpu.vector_load_idx %arg7[%add3A_1295] : memref<32768xf32, #tpu.memory_space<vmem>>[vector<16xi32>], vector<16xf32>,
        %gather3A_1298 = tpu.vector_load_idx %arg8[%add3A_1295] : memref<32768xf32, #tpu.memory_space<vmem>>[vector<16xi32>], vector<16xf32>,
        %add3A_1299 = arith.addf %gather3A_1296, %gather3A_1297 : vector<16xf32>
        %sub3A_1300 = arith.subf %add3A_1299, %gather3A_1298 : vector<16xf32>
        %mul3A_1301 = arith.mulf %sub3A_1300, %sub3A_1300 : vector<16xf32>
        %add3A_1302 = arith.addf %add3A_1291, %mul3A_1301 : vector<16xf32>
        %add3A_1303 = arith.constant 110 : i32
        %add3A_1304 = arith.addi %add3A_93, %add3A_1303 : i32
        %add3A_1305 = vector.broadcast %add3A_1304 : i32 to vector<16xi32>
        %add3A_1306 = arith.addi %mul3A_5, %add3A_1305 : vector<16xi32>
        %gather3A_1307 = tpu.vector_load_idx %arg6[%add3A_1306] : memref<32768xf32, #tpu.memory_space<vmem>>[vector<16xi32>], vector<16xf32>,
        %gather3A_1308 = tpu.vector_load_idx %arg7[%add3A_1306] : memref<32768xf32, #tpu.memory_space<vmem>>[vector<16xi32>], vector<16xf32>,
        %gather3A_1309 = tpu.vector_load_idx %arg8[%add3A_1306] : memref<32768xf32, #tpu.memory_space<vmem>>[vector<16xi32>], vector<16xf32>,
        %add3A_1310 = arith.addf %gather3A_1307, %gather3A_1308 : vector<16xf32>
        %sub3A_1311 = arith.subf %add3A_1310, %gather3A_1309 : vector<16xf32>
        %mul3A_1312 = arith.mulf %sub3A_1311, %sub3A_1311 : vector<16xf32>
        %add3A_1313 = arith.addf %add3A_1302, %mul3A_1312 : vector<16xf32>
        %add3A_1314 = arith.constant 111 : i32
        %add3A_1315 = arith.addi %add3A_93, %add3A_1314 : i32
        %add3A_1316 = vector.broadcast %add3A_1315 : i32 to vector<16xi32>
        %add3A_1317 = arith.addi %mul3A_5, %add3A_1316 : vector<16xi32>
        %gather3A_1318 = tpu.vector_load_idx %arg6[%add3A_1317] : memref<32768xf32, #tpu.memory_space<vmem>>[vector<16xi32>], vector<16xf32>,
        %gather3A_1319 = tpu.vector_load_idx %arg7[%add3A_1317] : memref<32768xf32, #tpu.memory_space<vmem>>[vector<16xi32>], vector<16xf32>,
        %gather3A_1320 = tpu.vector_load_idx %arg8[%add3A_1317] : memref<32768xf32, #tpu.memory_space<vmem>>[vector<16xi32>], vector<16xf32>,
        %add3A_1321 = arith.addf %gather3A_1318, %gather3A_1319 : vector<16xf32>
        %sub3A_1322 = arith.subf %add3A_1321, %gather3A_1320 : vector<16xf32>
        %mul3A_1323 = arith.mulf %sub3A_1322, %sub3A_1322 : vector<16xf32>
        %add3A_1324 = arith.addf %add3A_1313, %mul3A_1323 : vector<16xf32>
        %add3A_1325 = arith.constant 112 : i32
        %add3A_1326 = arith.addi %add3A_93, %add3A_1325 : i32
        %add3A_1327 = vector.broadcast %add3A_1326 : i32 to vector<16xi32>
        %add3A_1328 = arith.addi %mul3A_5, %add3A_1327 : vector<16xi32>
        %gather3A_1329 = tpu.vector_load_idx %arg6[%add3A_1328] : memref<32768xf32, #tpu.memory_space<vmem>>[vector<16xi32>], vector<16xf32>,
        %gather3A_1330 = tpu.vector_load_idx %arg7[%add3A_1328] : memref<32768xf32, #tpu.memory_space<vmem>>[vector<16xi32>], vector<16xf32>,
        %gather3A_1331 = tpu.vector_load_idx %arg8[%add3A_1328] : memref<32768xf32, #tpu.memory_space<vmem>>[vector<16xi32>], vector<16xf32>,
        %add3A_1332 = arith.addf %gather3A_1329, %gather3A_1330 : vector<16xf32>
        %sub3A_1333 = arith.subf %add3A_1332, %gather3A_1331 : vector<16xf32>
        %mul3A_1334 = arith.mulf %sub3A_1333, %sub3A_1333 : vector<16xf32>
        %add3A_1335 = arith.addf %add3A_1324, %mul3A_1334 : vector<16xf32>
        %add3A_1336 = arith.constant 113 : i32
        %add3A_1337 = arith.addi %add3A_93, %add3A_1336 : i32
        %add3A_1338 = vector.broadcast %add3A_1337 : i32 to vector<16xi32>
        %add3A_1339 = arith.addi %mul3A_5, %add3A_1338 : vector<16xi32>
        %gather3A_1340 = tpu.vector_load_idx %arg6[%add3A_1339] : memref<32768xf32, #tpu.memory_space<vmem>>[vector<16xi32>], vector<16xf32>,
        %gather3A_1341 = tpu.vector_load_idx %arg7[%add3A_1339] : memref<32768xf32, #tpu.memory_space<vmem>>[vector<16xi32>], vector<16xf32>,
        %gather3A_1342 = tpu.vector_load_idx %arg8[%add3A_1339] : memref<32768xf32, #tpu.memory_space<vmem>>[vector<16xi32>], vector<16xf32>,
        %add3A_1343 = arith.addf %gather3A_1340, %gather3A_1341 : vector<16xf32>
        %sub3A_1344 = arith.subf %add3A_1343, %gather3A_1342 : vector<16xf32>
        %mul3A_1345 = arith.mulf %sub3A_1344, %sub3A_1344 : vector<16xf32>
        %add3A_1346 = arith.addf %add3A_1335, %mul3A_1345 : vector<16xf32>
        %add3A_1347 = arith.constant 114 : i32
        %add3A_1348 = arith.addi %add3A_93, %add3A_1347 : i32
        %add3A_1349 = vector.broadcast %add3A_1348 : i32 to vector<16xi32>
        %add3A_1350 = arith.addi %mul3A_5, %add3A_1349 : vector<16xi32>
        %gather3A_1351 = tpu.vector_load_idx %arg6[%add3A_1350] : memref<32768xf32, #tpu.memory_space<vmem>>[vector<16xi32>], vector<16xf32>,
        %gather3A_1352 = tpu.vector_load_idx %arg7[%add3A_1350] : memref<32768xf32, #tpu.memory_space<vmem>>[vector<16xi32>], vector<16xf32>,
        %gather3A_1353 = tpu.vector_load_idx %arg8[%add3A_1350] : memref<32768xf32, #tpu.memory_space<vmem>>[vector<16xi32>], vector<16xf32>,
        %add3A_1354 = arith.addf %gather3A_1351, %gather3A_1352 : vector<16xf32>
        %sub3A_1355 = arith.subf %add3A_1354, %gather3A_1353 : vector<16xf32>
        %mul3A_1356 = arith.mulf %sub3A_1355, %sub3A_1355 : vector<16xf32>
        %add3A_1357 = arith.addf %add3A_1346, %mul3A_1356 : vector<16xf32>
        %add3A_1358 = arith.constant 115 : i32
        %add3A_1359 = arith.addi %add3A_93, %add3A_1358 : i32
        %add3A_1360 = vector.broadcast %add3A_1359 : i32 to vector<16xi32>
        %add3A_1361 = arith.addi %mul3A_5, %add3A_1360 : vector<16xi32>
        %gather3A_1362 = tpu.vector_load_idx %arg6[%add3A_1361] : memref<32768xf32, #tpu.memory_space<vmem>>[vector<16xi32>], vector<16xf32>,
        %gather3A_1363 = tpu.vector_load_idx %arg7[%add3A_1361] : memref<32768xf32, #tpu.memory_space<vmem>>[vector<16xi32>], vector<16xf32>,
        %gather3A_1364 = tpu.vector_load_idx %arg8[%add3A_1361] : memref<32768xf32, #tpu.memory_space<vmem>>[vector<16xi32>], vector<16xf32>,
        %add3A_1365 = arith.addf %gather3A_1362, %gather3A_1363 : vector<16xf32>
        %sub3A_1366 = arith.subf %add3A_1365, %gather3A_1364 : vector<16xf32>
        %mul3A_1367 = arith.mulf %sub3A_1366, %sub3A_1366 : vector<16xf32>
        %add3A_1368 = arith.addf %add3A_1357, %mul3A_1367 : vector<16xf32>
        %add3A_1369 = arith.constant 116 : i32
        %add3A_1370 = arith.addi %add3A_93, %add3A_1369 : i32
        %add3A_1371 = vector.broadcast %add3A_1370 : i32 to vector<16xi32>
        %add3A_1372 = arith.addi %mul3A_5, %add3A_1371 : vector<16xi32>
        %gather3A_1373 = tpu.vector_load_idx %arg6[%add3A_1372] : memref<32768xf32, #tpu.memory_space<vmem>>[vector<16xi32>], vector<16xf32>,
        %gather3A_1374 = tpu.vector_load_idx %arg7[%add3A_1372] : memref<32768xf32, #tpu.memory_space<vmem>>[vector<16xi32>], vector<16xf32>,
        %gather3A_1375 = tpu.vector_load_idx %arg8[%add3A_1372] : memref<32768xf32, #tpu.memory_space<vmem>>[vector<16xi32>], vector<16xf32>,
        %add3A_1376 = arith.addf %gather3A_1373, %gather3A_1374 : vector<16xf32>
        %sub3A_1377 = arith.subf %add3A_1376, %gather3A_1375 : vector<16xf32>
        %mul3A_1378 = arith.mulf %sub3A_1377, %sub3A_1377 : vector<16xf32>
        %add3A_1379 = arith.addf %add3A_1368, %mul3A_1378 : vector<16xf32>
        %add3A_1380 = arith.constant 117 : i32
        %add3A_1381 = arith.addi %add3A_93, %add3A_1380 : i32
        %add3A_1382 = vector.broadcast %add3A_1381 : i32 to vector<16xi32>
        %add3A_1383 = arith.addi %mul3A_5, %add3A_1382 : vector<16xi32>
        %gather3A_1384 = tpu.vector_load_idx %arg6[%add3A_1383] : memref<32768xf32, #tpu.memory_space<vmem>>[vector<16xi32>], vector<16xf32>,
        %gather3A_1385 = tpu.vector_load_idx %arg7[%add3A_1383] : memref<32768xf32, #tpu.memory_space<vmem>>[vector<16xi32>], vector<16xf32>,
        %gather3A_1386 = tpu.vector_load_idx %arg8[%add3A_1383] : memref<32768xf32, #tpu.memory_space<vmem>>[vector<16xi32>], vector<16xf32>,
        %add3A_1387 = arith.addf %gather3A_1384, %gather3A_1385 : vector<16xf32>
        %sub3A_1388 = arith.subf %add3A_1387, %gather3A_1386 : vector<16xf32>
        %mul3A_1389 = arith.mulf %sub3A_1388, %sub3A_1388 : vector<16xf32>
        %add3A_1390 = arith.addf %add3A_1379, %mul3A_1389 : vector<16xf32>
        %add3A_1391 = arith.constant 118 : i32
        %add3A_1392 = arith.addi %add3A_93, %add3A_1391 : i32
        %add3A_1393 = vector.broadcast %add3A_1392 : i32 to vector<16xi32>
        %add3A_1394 = arith.addi %mul3A_5, %add3A_1393 : vector<16xi32>
        %gather3A_1395 = tpu.vector_load_idx %arg6[%add3A_1394] : memref<32768xf32, #tpu.memory_space<vmem>>[vector<16xi32>], vector<16xf32>,
        %gather3A_1396 = tpu.vector_load_idx %arg7[%add3A_1394] : memref<32768xf32, #tpu.memory_space<vmem>>[vector<16xi32>], vector<16xf32>,
        %gather3A_1397 = tpu.vector_load_idx %arg8[%add3A_1394] : memref<32768xf32, #tpu.memory_space<vmem>>[vector<16xi32>], vector<16xf32>,
        %add3A_1398 = arith.addf %gather3A_1395, %gather3A_1396 : vector<16xf32>
        %sub3A_1399 = arith.subf %add3A_1398, %gather3A_1397 : vector<16xf32>
        %mul3A_1400 = arith.mulf %sub3A_1399, %sub3A_1399 : vector<16xf32>
        %add3A_1401 = arith.addf %add3A_1390, %mul3A_1400 : vector<16xf32>
        %add3A_1402 = arith.constant 119 : i32
        %add3A_1403 = arith.addi %add3A_93, %add3A_1402 : i32
        %add3A_1404 = vector.broadcast %add3A_1403 : i32 to vector<16xi32>
        %add3A_1405 = arith.addi %mul3A_5, %add3A_1404 : vector<16xi32>
        %gather3A_1406 = tpu.vector_load_idx %arg6[%add3A_1405] : memref<32768xf32, #tpu.memory_space<vmem>>[vector<16xi32>], vector<16xf32>,
        %gather3A_1407 = tpu.vector_load_idx %arg7[%add3A_1405] : memref<32768xf32, #tpu.memory_space<vmem>>[vector<16xi32>], vector<16xf32>,
        %gather3A_1408 = tpu.vector_load_idx %arg8[%add3A_1405] : memref<32768xf32, #tpu.memory_space<vmem>>[vector<16xi32>], vector<16xf32>,
        %add3A_1409 = arith.addf %gather3A_1406, %gather3A_1407 : vector<16xf32>
        %sub3A_1410 = arith.subf %add3A_1409, %gather3A_1408 : vector<16xf32>
        %mul3A_1411 = arith.mulf %sub3A_1410, %sub3A_1410 : vector<16xf32>
        %add3A_1412 = arith.addf %add3A_1401, %mul3A_1411 : vector<16xf32>
        %add3A_1413 = arith.constant 120 : i32
        %add3A_1414 = arith.addi %add3A_93, %add3A_1413 : i32
        %add3A_1415 = vector.broadcast %add3A_1414 : i32 to vector<16xi32>
        %add3A_1416 = arith.addi %mul3A_5, %add3A_1415 : vector<16xi32>
        %gather3A_1417 = tpu.vector_load_idx %arg6[%add3A_1416] : memref<32768xf32, #tpu.memory_space<vmem>>[vector<16xi32>], vector<16xf32>,
        %gather3A_1418 = tpu.vector_load_idx %arg7[%add3A_1416] : memref<32768xf32, #tpu.memory_space<vmem>>[vector<16xi32>], vector<16xf32>,
        %gather3A_1419 = tpu.vector_load_idx %arg8[%add3A_1416] : memref<32768xf32, #tpu.memory_space<vmem>>[vector<16xi32>], vector<16xf32>,
        %add3A_1420 = arith.addf %gather3A_1417, %gather3A_1418 : vector<16xf32>
        %sub3A_1421 = arith.subf %add3A_1420, %gather3A_1419 : vector<16xf32>
        %mul3A_1422 = arith.mulf %sub3A_1421, %sub3A_1421 : vector<16xf32>
        %add3A_1423 = arith.addf %add3A_1412, %mul3A_1422 : vector<16xf32>
        %add3A_1424 = arith.constant 121 : i32
        %add3A_1425 = arith.addi %add3A_93, %add3A_1424 : i32
        %add3A_1426 = vector.broadcast %add3A_1425 : i32 to vector<16xi32>
        %add3A_1427 = arith.addi %mul3A_5, %add3A_1426 : vector<16xi32>
        %gather3A_1428 = tpu.vector_load_idx %arg6[%add3A_1427] : memref<32768xf32, #tpu.memory_space<vmem>>[vector<16xi32>], vector<16xf32>,
        %gather3A_1429 = tpu.vector_load_idx %arg7[%add3A_1427] : memref<32768xf32, #tpu.memory_space<vmem>>[vector<16xi32>], vector<16xf32>,
        %gather3A_1430 = tpu.vector_load_idx %arg8[%add3A_1427] : memref<32768xf32, #tpu.memory_space<vmem>>[vector<16xi32>], vector<16xf32>,
        %add3A_1431 = arith.addf %gather3A_1428, %gather3A_1429 : vector<16xf32>
        %sub3A_1432 = arith.subf %add3A_1431, %gather3A_1430 : vector<16xf32>
        %mul3A_1433 = arith.mulf %sub3A_1432, %sub3A_1432 : vector<16xf32>
        %add3A_1434 = arith.addf %add3A_1423, %mul3A_1433 : vector<16xf32>
        %add3A_1435 = arith.constant 122 : i32
        %add3A_1436 = arith.addi %add3A_93, %add3A_1435 : i32
        %add3A_1437 = vector.broadcast %add3A_1436 : i32 to vector<16xi32>
        %add3A_1438 = arith.addi %mul3A_5, %add3A_1437 : vector<16xi32>
        %gather3A_1439 = tpu.vector_load_idx %arg6[%add3A_1438] : memref<32768xf32, #tpu.memory_space<vmem>>[vector<16xi32>], vector<16xf32>,
        %gather3A_1440 = tpu.vector_load_idx %arg7[%add3A_1438] : memref<32768xf32, #tpu.memory_space<vmem>>[vector<16xi32>], vector<16xf32>,
        %gather3A_1441 = tpu.vector_load_idx %arg8[%add3A_1438] : memref<32768xf32, #tpu.memory_space<vmem>>[vector<16xi32>], vector<16xf32>,
        %add3A_1442 = arith.addf %gather3A_1439, %gather3A_1440 : vector<16xf32>
        %sub3A_1443 = arith.subf %add3A_1442, %gather3A_1441 : vector<16xf32>
        %mul3A_1444 = arith.mulf %sub3A_1443, %sub3A_1443 : vector<16xf32>
        %add3A_1445 = arith.addf %add3A_1434, %mul3A_1444 : vector<16xf32>
        %add3A_1446 = arith.constant 123 : i32
        %add3A_1447 = arith.addi %add3A_93, %add3A_1446 : i32
        %add3A_1448 = vector.broadcast %add3A_1447 : i32 to vector<16xi32>
        %add3A_1449 = arith.addi %mul3A_5, %add3A_1448 : vector<16xi32>
        %gather3A_1450 = tpu.vector_load_idx %arg6[%add3A_1449] : memref<32768xf32, #tpu.memory_space<vmem>>[vector<16xi32>], vector<16xf32>,
        %gather3A_1451 = tpu.vector_load_idx %arg7[%add3A_1449] : memref<32768xf32, #tpu.memory_space<vmem>>[vector<16xi32>], vector<16xf32>,
        %gather3A_1452 = tpu.vector_load_idx %arg8[%add3A_1449] : memref<32768xf32, #tpu.memory_space<vmem>>[vector<16xi32>], vector<16xf32>,
        %add3A_1453 = arith.addf %gather3A_1450, %gather3A_1451 : vector<16xf32>
        %sub3A_1454 = arith.subf %add3A_1453, %gather3A_1452 : vector<16xf32>
        %mul3A_1455 = arith.mulf %sub3A_1454, %sub3A_1454 : vector<16xf32>
        %add3A_1456 = arith.addf %add3A_1445, %mul3A_1455 : vector<16xf32>
        %add3A_1457 = arith.constant 124 : i32
        %add3A_1458 = arith.addi %add3A_93, %add3A_1457 : i32
        %add3A_1459 = vector.broadcast %add3A_1458 : i32 to vector<16xi32>
        %add3A_1460 = arith.addi %mul3A_5, %add3A_1459 : vector<16xi32>
        %gather3A_1461 = tpu.vector_load_idx %arg6[%add3A_1460] : memref<32768xf32, #tpu.memory_space<vmem>>[vector<16xi32>], vector<16xf32>,
        %gather3A_1462 = tpu.vector_load_idx %arg7[%add3A_1460] : memref<32768xf32, #tpu.memory_space<vmem>>[vector<16xi32>], vector<16xf32>,
        %gather3A_1463 = tpu.vector_load_idx %arg8[%add3A_1460] : memref<32768xf32, #tpu.memory_space<vmem>>[vector<16xi32>], vector<16xf32>,
        %add3A_1464 = arith.addf %gather3A_1461, %gather3A_1462 : vector<16xf32>
        %sub3A_1465 = arith.subf %add3A_1464, %gather3A_1463 : vector<16xf32>
        %mul3A_1466 = arith.mulf %sub3A_1465, %sub3A_1465 : vector<16xf32>
        %add3A_1467 = arith.addf %add3A_1456, %mul3A_1466 : vector<16xf32>
        %add3A_1468 = arith.constant 125 : i32
        %add3A_1469 = arith.addi %add3A_93, %add3A_1468 : i32
        %add3A_1470 = vector.broadcast %add3A_1469 : i32 to vector<16xi32>
        %add3A_1471 = arith.addi %mul3A_5, %add3A_1470 : vector<16xi32>
        %gather3A_1472 = tpu.vector_load_idx %arg6[%add3A_1471] : memref<32768xf32, #tpu.memory_space<vmem>>[vector<16xi32>], vector<16xf32>,
        %gather3A_1473 = tpu.vector_load_idx %arg7[%add3A_1471] : memref<32768xf32, #tpu.memory_space<vmem>>[vector<16xi32>], vector<16xf32>,
        %gather3A_1474 = tpu.vector_load_idx %arg8[%add3A_1471] : memref<32768xf32, #tpu.memory_space<vmem>>[vector<16xi32>], vector<16xf32>,
        %add3A_1475 = arith.addf %gather3A_1472, %gather3A_1473 : vector<16xf32>
        %sub3A_1476 = arith.subf %add3A_1475, %gather3A_1474 : vector<16xf32>
        %mul3A_1477 = arith.mulf %sub3A_1476, %sub3A_1476 : vector<16xf32>
        %add3A_1478 = arith.addf %add3A_1467, %mul3A_1477 : vector<16xf32>
        %add3A_1479 = arith.constant 126 : i32
        %add3A_1480 = arith.addi %add3A_93, %add3A_1479 : i32
        %add3A_1481 = vector.broadcast %add3A_1480 : i32 to vector<16xi32>
        %add3A_1482 = arith.addi %mul3A_5, %add3A_1481 : vector<16xi32>
        %gather3A_1483 = tpu.vector_load_idx %arg6[%add3A_1482] : memref<32768xf32, #tpu.memory_space<vmem>>[vector<16xi32>], vector<16xf32>,
        %gather3A_1484 = tpu.vector_load_idx %arg7[%add3A_1482] : memref<32768xf32, #tpu.memory_space<vmem>>[vector<16xi32>], vector<16xf32>,
        %gather3A_1485 = tpu.vector_load_idx %arg8[%add3A_1482] : memref<32768xf32, #tpu.memory_space<vmem>>[vector<16xi32>], vector<16xf32>,
        %add3A_1486 = arith.addf %gather3A_1483, %gather3A_1484 : vector<16xf32>
        %sub3A_1487 = arith.subf %add3A_1486, %gather3A_1485 : vector<16xf32>
        %mul3A_1488 = arith.mulf %sub3A_1487, %sub3A_1487 : vector<16xf32>
        %add3A_1489 = arith.addf %add3A_1478, %mul3A_1488 : vector<16xf32>
        %add3A_1490 = arith.constant 127 : i32
        %add3A_1491 = arith.addi %add3A_93, %add3A_1490 : i32
        %add3A_1492 = vector.broadcast %add3A_1491 : i32 to vector<16xi32>
        %add3A_1493 = arith.addi %mul3A_5, %add3A_1492 : vector<16xi32>
        %gather3A_1494 = tpu.vector_load_idx %arg6[%add3A_1493] : memref<32768xf32, #tpu.memory_space<vmem>>[vector<16xi32>], vector<16xf32>,
        %gather3A_1495 = tpu.vector_load_idx %arg7[%add3A_1493] : memref<32768xf32, #tpu.memory_space<vmem>>[vector<16xi32>], vector<16xf32>,
        %gather3A_1496 = tpu.vector_load_idx %arg8[%add3A_1493] : memref<32768xf32, #tpu.memory_space<vmem>>[vector<16xi32>], vector<16xf32>,
        %add3A_1497 = arith.addf %gather3A_1494, %gather3A_1495 : vector<16xf32>
        %sub3A_1498 = arith.subf %add3A_1497, %gather3A_1496 : vector<16xf32>
        %mul3A_1499 = arith.mulf %sub3A_1498, %sub3A_1498 : vector<16xf32>
        %add3A_1500 = arith.addf %add3A_1489, %mul3A_1499 : vector<16xf32>
        %bitcast3A = vector.bitcast %add3A_1500 : vector<16xf32> to vector<16xi32>
        %shift_right_arithmetic3A = arith.constant 1 : i32
        %shift_right_arithmetic3A_1501 = vector.broadcast %shift_right_arithmetic3A : i32 to vector<16xi32>
        %shift_right_arithmetic3A_1502 = arith.shrsi %bitcast3A, %shift_right_arithmetic3A_1501 : vector<16xi32>
        %add3A_1503 = arith.constant 532487669 : i32
        %add3A_1504 = vector.broadcast %add3A_1503 : i32 to vector<16xi32>
        %add3A_1505 = arith.addi %shift_right_arithmetic3A_1502, %add3A_1504 : vector<16xi32>
        %bitcast3A_1506 = vector.bitcast %add3A_1505 : vector<16xi32> to vector<16xf32>
        %div3A = arith.divf %add3A_1500, %bitcast3A_1506 : vector<16xf32>
        %add3A_1507 = arith.addf %bitcast3A_1506, %div3A : vector<16xf32>
        %mul3A_1508 = arith.constant 5.000000e-01 : f32
        %mul3A_1509 = vector.broadcast %mul3A_1508 : f32 to vector<16xf32>
        %mul3A_1510 = arith.mulf %mul3A_1509, %add3A_1507 : vector<16xf32>
        %div3A_1511 = arith.divf %add3A_1500, %mul3A_1510 : vector<16xf32>
        %add3A_1512 = arith.addf %mul3A_1510, %div3A_1511 : vector<16xf32>
        %mul3A_1513 = arith.constant 5.000000e-01 : f32
        %mul3A_1514 = vector.broadcast %mul3A_1513 : f32 to vector<16xf32>
        %mul3A_1515 = arith.mulf %mul3A_1514, %add3A_1512 : vector<16xf32>
        %div3A_1516 = arith.divf %add3A_1500, %mul3A_1515 : vector<16xf32>
        %add3A_1517 = arith.addf %mul3A_1515, %div3A_1516 : vector<16xf32>
        %mul3A_1518 = arith.constant 5.000000e-01 : f32
        %mul3A_1519 = vector.broadcast %mul3A_1518 : f32 to vector<16xf32>
        %mul3A_1520 = arith.mulf %mul3A_1519, %add3A_1517 : vector<16xf32>
        %mul3A_1521 = arith.constant 0.000000e+00 : f32
        %mul3A_1522 = vector.broadcast %mul3A_1521 : f32 to vector<16xf32>
        %mul3A_1523 = arith.mulf %mul3A_1522, %mul3A_1520 : vector<16xf32>
        %mul3A_1524 = arith.constant 128 : i32
        %mul3A_1525 = arith.muli %scan3A_45, %mul3A_1524 : i32
        %mul3A_1526 = arith.constant 16 : i32
        %mul3A_1527 = arith.muli %scan3A_89, %mul3A_1526 : i32
        %add3A_1528 = arith.addi %mul3A_1525, %mul3A_1527 : i32
        %swap3A = arith.index_cast %add3A_1528 : i32 to index
        %swap3A_1529 = tpu.vector_load %arg9[%swap3A] {strides = array<i32>} : memref<512xf32, #tpu.memory_space<vmem>>, vector<16xf32>,
        tpu.vector_store %arg9[%swap3A], %mul3A_1523 {strides = array<i32>} : memref<512xf32, #tpu.memory_space<vmem>>, vector<16xf32>,
        %scan3A_1530 = arith.constant 0 : i32
        scf.yield %scan3A_1530 : i32
      }
      %scan3A_87 = arith.constant 8 : i32
      %scan3A_88 = arith.constant 0 : i32
      scf.yield %scan3A_88 : i32
    }
    %scan3A_44 = arith.constant 4 : i32
    "tpu.region"() ({
      %run_scoped3A = tpu.sem_alloc : memref<!tpu.dma_semaphore, #tpu.memory_space<semaphore_mem>>
      %dma_start3A_45 = tpu.memref_slice %arg5[%mul3A_2] : memref<16384xf32, #tpu.memory_space<hbm>> -> memref<512xf32, #tpu.memory_space<hbm>>
      %dma_start3A_46 = tpu.memref_slice %arg5[%mul3A_2] : memref<16384xf32, #tpu.memory_space<hbm>> -> memref<512xf32, #tpu.memory_space<hbm>>
      tpu.enqueue_dma source(%arg9 : memref<512xf32, #tpu.memory_space<vmem>>) target(%dma_start3A_46 : memref<512xf32, #tpu.memory_space<hbm>>) target_semaphore(%run_scoped3A : memref<!tpu.dma_semaphore, #tpu.memory_space<semaphore_mem>>)
      %dma_wait3A = tpu.memref_slice %arg5[%mul3A_2] : memref<16384xf32, #tpu.memory_space<hbm>> -> memref<512xf32, #tpu.memory_space<hbm>>
      %dma_wait3A_47 = tpu.memref_slice %arg5[%mul3A_2] : memref<16384xf32, #tpu.memory_space<hbm>> -> memref<512xf32, #tpu.memory_space<hbm>>
      tpu.wait_dma2 semaphore(%run_scoped3A : memref<!tpu.dma_semaphore, #tpu.memory_space<semaphore_mem>>) src(%arg9 : memref<512xf32, #tpu.memory_space<vmem>>) dst(%dma_wait3A_47 : memref<512xf32, #tpu.memory_space<hbm>>)
      tpu.yield
    }) : () -> ()
    return
  }
}

</mosaic_0001>

<sc_bundles>
// kernel: kernel.3.cloned.1.call-start
scs
__scs_entry_jumppad:
0x0: {  	(pc) =	sbr.rel $0x88, $3  }
0x1: {  	(tag) =	ssettag $0x0;
	lr =	simm.s32 $0x1  }
0x2: {  	[smem:$0x3F9E] =	sst lr;
	_ =	strace $0xD0000000  }
0x3: {  	_ = 	snop  }
0x4: {  	_ = 	snop  }
0x5: {  	_ = 	snop  }
0x6: {  	_ = 	snop  }
0x7: {  	_ = 	snop  }
__scs_overlays_trampoline_lowered:
0x8: {  	[smem:$0x3FAD] =	sst s0  }
0x9: {  	[smem:$0x3FAE] =	sst s1  }
0xa: {  	[smem:$0x3FAF] =	sst s2  }
0xb: {  	[smem:$0x3FB0] =	sst s3  }
0xc: {  	[smem:$0x3FB1] =	sst s4  }
0xd: {  	[smem:$0x3FB2] =	sst s5  }
0xe: {  	[smem:$0x3FB3] =	sst s6  }
0xf: {  	[smem:$0x3FB4] =	sst s7  }
0x10: {  	[smem:$0x3FB5] =	sst s8  }
0x11: {  	[smem:$0x3FB6] =	sst s9;
	s0 =	simm.s32 @!p0 $0x0  }
0x12: {  	s1 =	sld [smem:$0x3F9C];
	s0 =	simm.s32 @p0 $0x1  }
0x13: {  	[smem:$0x3FB7] =	sst s0;
	s0 =	simm.s32 @!p1 $0x0  }
0x14: {  	s2 =	sld [smem:$0x3F9B];
	s0 =	simm.s32 @p1 $0x1  }
0x15: {  	[smem:$0x3FB8] =	sst s0;
	s0 =	simm.s32 @!p2 $0x0  }
0x16: {  	s3 =	sld [smem:$0x3FDB];
	s0 =	simm.s32 @p2 $0x1  }
0x17: {  	s4 =	simm.s32 $0x1BF5;
	[smem:$0x3FBA] =	sst s0  }
0x18: {  	s0 =	sld [smem:$0x3F9D];
	_ =	swait.ge [sflag:s4], $0x0  }
0x19: {  	s7 =	sld [smem:$0x3F9E]  }
0x1a: {  	s8 =	sadd.s32 $0xFFFFE003, lr  }
0x1b: {  	s9 =	sadd.s32 $0xFFFFFEF7, lr;
	s5 =	simm.s32 $0xFFFFFFFF;
	p2 =	slt.u32 s8, $0xFFFFF086  }
0x1c: {  	p1 =	slt.u32 s9, $0xF7A;
	s5 =	simm.s32 @!p2 $0x0  }
0x1d: {  	s5 =	simm.s32 @p1 $0x1;
	p0 =	seq.s32 s7, s2  }
0x1e: {  	s7 =	smul.u32 @!p0 $0xF7A, s2;
	p2 =	seq.s32 @!p0 s5, $0x0  }
0x1f: {  	s9 =	smul.u32 $0xF7A, s1;
	s8 =	simm.s32 @!p0 $0x1BF5;
	p2 =	por !p2, p0  }
0x20: {  	[sflag:s8] =	ssyncset.s32 @!p0 $0xFFFFF086;
	s6 =	sadd.s32 @!p0 s3, s7;
	s7 =	simm.s32 @!p0 $0x108  }
0x21: {  	s3 =	sadd.s32 s3, s9;
	s6 =	sadd.s32 @!p0 $0x88, s6;
	s7 =	simm.s32 @p2 $0x1082  }
0x22: {  	[simem:s7], [sflag:s8] =	dma.local @!p0 [hbm:s6], $0xF7A  }
0x23: {  	s9 =	sor.u32 $0xD0000000, s2;
	s6 =	simm.s32 $0x108;
	_ =	swait.ge @!p0 [sflag:s8], $0x0  }
0x24: {  	s3 =	sadd.s32 $0x88, s3;
	s6 =	simm.s32 @!p1 $0x1082;
	[sflag:s4] =	ssyncset.s32 $0xFFFFF086  }
0x25: {  	[simem:s6], [sflag:s4] =	dma.local [hbm:s3], $0xF7A  }
0x26: {  	[smem:$0x3F9E] =	sst s1;
	(tag) =	ssettag s2;
	_ =	strace s9  }
0x27: {  	s1 =	sld [smem:$0x3FAE]  }
0x28: {  	s2 =	sld [smem:$0x3FAF]  }
0x29: {  	s4 =	sld [smem:$0x3FB1]  }
0x2a: {  	p0 =	seq.s32 s5, $0x0;
	s5 =	sld [smem:$0x3FB2]  }
0x2b: {  	s6 =	sld [smem:$0x3FB3]  }
0x2c: {  	s7 =	sld [smem:$0x3FB4]  }
0x2d: {  	s3 =	simm.s32 $0x108;
	s8 =	sld [smem:$0x3FB5]  }
0x2e: {  	s3 =	simm.s32 @!p0 $0x1082;
	s9 =	sld [smem:$0x3FB6]  }
0x2f: {  	lr =	sadd.s32 s0, s3;
	s0 =	sld [smem:$0x3FAD]  }
0x30: {  	s3 =	sld [smem:$0x3FB0]  }
0x31: {  	[smem:$0x3FB9] =	sst s10  }
0x32: {  	s10 =	sld [smem:$0x3FB7];
	_ =	sdelay $0x3  }
0x33: {  	p0 =	seq.s32 s10, $0x1;
	s10 =	sld [smem:$0x3FB9];
	_ =	sdelay $0x3  }
0x34: {  	[smem:$0x3FB9] =	sst s10  }
0x35: {  	s10 =	sld [smem:$0x3FB8];
	_ =	sdelay $0x3  }
0x36: {  	p1 =	seq.s32 s10, $0x1;
	s10 =	sld [smem:$0x3FB9];
	_ =	sdelay $0x3  }
0x37: {  	[smem:$0x3FB9] =	sst s10  }
0x38: {  	s10 =	sld [smem:$0x3FBA]  }
0x39: {  	_ = 	snop;
	(pc) =	sbr.ind lr, $3  }
0x3a: {  	_ = 	snop  }
0x3b: {  	_ = 	snop  }
0x3c: {  	p2 =	seq.s32 s10, $0x1;
	s10 =	sld [smem:$0x3FB9]  }
0x3d: {  	_ =	shalt  }
0x3e: {  	_ =	shalt  }
0x3f: {  	_ =	shalt  }
0x40: {  	_ =	shalt  }
0x41: {  	_ =	shalt  }
0x42: {  	_ =	shalt  }
0x43: {  	_ =	shalt  }
0x44: {  	_ =	shalt  }
0x45: {  	_ =	shalt  }
0x46: {  	_ =	shalt  }
0x47: {  	_ =	shalt  }
0x48: {  	_ =	shalt  }
0x49: {  	_ =	shalt  }
0x4a: {  	_ =	shalt  }
0x4b: {  	_ =	shalt  }
0x4c: {  	_ =	shalt  }
0x4d: {  	_ =	shalt  }
0x4e: {  	_ =	shalt  }
0x4f: {  	_ =	shalt  }
0x50: {  	_ =	shalt  }
0x51: {  	_ =	shalt  }
0x52: {  	_ =	shalt  }
0x53: {  	_ =	shalt  }
0x54: {  	_ =	shalt  }
0x55: {  	_ =	shalt  }
0x56: {  	_ =	shalt  }
0x57: {  	_ =	shalt  }
0x58: {  	_ =	shalt  }
0x59: {  	_ =	shalt  }
0x5a: {  	_ =	shalt  }
0x5b: {  	_ =	shalt  }
0x5c: {  	_ =	shalt  }
0x5d: {  	_ =	shalt  }
0x5e: {  	_ =	shalt  }
0x5f: {  	_ =	shalt  }
0x60: {  	_ =	shalt  }
0x61: {  	_ =	shalt  }
0x62: {  	_ =	shalt  }
0x63: {  	_ =	shalt  }
0x64: {  	_ =	shalt  }
0x65: {  	_ =	shalt  }
0x66: {  	_ =	shalt  }
0x67: {  	_ =	shalt  }
0x68: {  	_ =	shalt  }
0x69: {  	_ =	shalt  }
0x6a: {  	_ =	shalt  }
0x6b: {  	_ =	shalt  }
0x6c: {  	_ =	shalt  }
0x6d: {  	_ =	shalt  }
0x6e: {  	_ =	shalt  }
0x6f: {  	_ =	shalt  }
0x70: {  	_ =	shalt  }
0x71: {  	_ =	shalt  }
0x72: {  	_ =	shalt  }
0x73: {  	_ =	shalt  }
0x74: {  	_ =	shalt  }
0x75: {  	_ =	shalt  }
0x76: {  	_ =	shalt  }
0x77: {  	_ =	shalt  }
0x78: {  	_ =	shalt  }
0x79: {  	_ =	shalt  }
0x7a: {  	_ =	shalt  }
0x7b: {  	_ =	shalt  }
0x7c: {  	_ =	shalt  }
0x7d: {  	_ =	shalt  }
0x7e: {  	_ =	shalt  }
0x7f: {  	_ =	shalt  }
0x80: {  	_ =	shalt  }
0x81: {  	_ =	shalt  }
0x82: {  	_ =	shalt  }
0x83: {  	_ =	shalt  }
0x84: {  	_ =	shalt  }
0x85: {  	_ =	shalt  }
0x86: {  	_ =	shalt  }
0x87: {  	_ =	shalt  }
.Lfunc_end0:
.L_simem_size_0:
called_computation_lowered:
.L_overlay_start_0:
0x88: {  	s2 =	sld [smem:$0x3FD9]  }
0x89: {  	s3 =	sld [smem:$0x3FFE];
	_ =	sdelay $0x1  }
0x8a: {  	s1 =	srdreg.scid  }
0x8b: {  	s0 =	sand.u32 $0x1, s1  }
0x8c: {  	s18 =	sshll.u32 s0, $0xA;
	s2 =	sadd.s32 s3, s2  }
0x8d: {  	s2 =	sadd.s32 s2, s18  }
0x8e: {  	[smem:$0x3FC5] =	sst s2  }
0x8f: {  	_ = 	snop  }
0x90: {  	s2 =	sld [smem:$0x3FC9]  }
0x91: {  	s19 =	sld [smem:$0x3FC8]  }
0x92: {  	s4 =	sld [smem:$0x3FC7]  }
0x93: {  	s5 =	sld [smem:$0x3FD0];
	(tm) =	ssettm $0x1  }
0x94: {  	s6 =	sld [smem:$0x3FFB];
	_ =	sdelay $0x3  }
0x95: {  	_ =	strace s6  }
0x96: {  	s6 =	sld [smem:$0x3FFC];
	_ =	sdelay $0x3  }
0x97: {  	_ =	strace s6  }
0x98: {  	s6 =	sld [smem:$0x3FFD];
	_ =	sdelay $0x3  }
0x99: {  	_ =	strace s6  }
0x9a: {  	_ =	strace $0x8FFFFFFF  }
0x9b: {  	s20 =	sld [smem:$0x3FDB];
	_ =	sdelay $0x1  }
0x9c: {  	s7 =	simm.s32 $_scs_section_size  }
0x9d: {  	s8 =	simm.s32 $_size__tile_overlayer_lowered;
	s9 =	simm.s32 $_tile_overlayer_lowered  }
0x9e: {  	s23 =	simm.s32 $0x1BFF;
	s22 =	sshll.u32 s9, $0x1;
	s6 =	sadd.s32 s7, s20  }
0x9f: {  	s10 =	simm.s32 $0x0;
	s21 =	sshll.u32 s8, $0x1;
	s8 =	sadd.s32 s22, s6  }
0xa0: {  	[timem:s10], [sflag:s23] =	dma.local [hbm:s8], s21  }
0xa1: {  	_ =	swait.ge [sflag:s23], s21  }
0xa2: {  	s7 =	ssub.s32 $0x0, s21;
	[sflag:s23] =	ssyncset.done $0x0  }
0xa3: {  	[sflag:s23] =	ssyncadd.s32 s7;
	_ =	sdelay $0x1  }
0xa4: {  	s24 =	simm.s32 $0x1B8B  }
0xa5: {  	_ =	swait.ge [sflag:s24], $0x1  }
0xa6: {  	[sflag:s24] =	ssyncset.done $0x0  }
0xa7: {  	s25 =	simm.s32 $0x1B8E;
	[sflag:s24] =	ssyncadd.s32 $0xFFFFFFFF  }
0xa8: {  	s26 =	simm.s32 $execute0_lowered;
	[smem:$0x3FD2] =	sst s25  }
0xa9: {  	s7 =	sshll.u32 s26, $0x1;
	_ =	strace $0x80000046;
	[dreg:$0x1] =	wrdreg $0xFFFFFFFF  }
0xaa: {  	s28 =	simm.s32 $_size_execute0_lowered;
	s6 =	sadd.s32 s6, s7;
	[dreg:$0x0] =	wrdreg $0x0  }
0xab: {  	s7 =	sshll.u32 s28, $0x1;
	[dreg:$0x2] =	wrdreg s6  }
0xac: {  	[dreg:$0x3] =	wrdreg s7  }
0xad: {  	[dreg:$0x4] =	wrdreg $0xC0  }
0xae: {  	_ =	task [dreg:s10], $0x5FFFF  }
0xaf: {  	[dreg:$0x1] =	wrdreg $0xFFFFFFFF  }
0xb0: {  	[dreg:$0x0] =	wrdreg $0x60  }
0xb1: {  	[dreg:$0x2] =	wrdreg s2  }
0xb2: {  	[dreg:$0x3] =	wrdreg s19  }
0xb3: {  	[dreg:$0x4] =	wrdreg s4  }
0xb4: {  	[dreg:$0x5] =	wrdreg s5  }
0xb5: {  	[dreg:$0x6] =	wrdreg $0x9  }
0xb6: {  	_ =	task.clear_ibuf [dreg:s10], $0x7FFFF;
	_ =	strace $0x90000046  }
0xb7: {  	s29 =	simm.s32 $0x9;
	_ =	strace $0x80000048  }
0xb8: {  	_ =	swait.ge [sflag:s29], $0x1  }
0xb9: {  	[sflag:s29] =	ssyncadd.s32 $0xFFFFFFFF  }
0xba: {  	_ =	strace $0x90000048  }
0xbb: {  	_ =	sfence  }
0xbc: {  	s30 =	sld [smem:$0x0];
	_ =	sdelay $0x2  }
0xbd: {  	s31 =	sshll.u32 s1, $0xD;
	s1 =	sshrl.u32 s1, $0x2  }
0xbe: {  	s3 =	sand.u32 $0x4000, s31;
	s1 =	sadd.s32 s1, s30  }
0xbf: {  	s0 =	sor.u32 s3, s0;
	s1 =	sshll.u32 s1, $0x11  }
0xc0: {  	s0 =	sor.u32 s1, s0  }
0xc1: {  	s0 =	sadd.s32 $0x8F2B, s0  }
0xc2: {  	[sflag:s0] =	ssyncadd.remote.s32 $0x1  }
0xc3: {  	_ =	sfence.sel $0xFFFF  }
0xc4: {  	[dreg:$0x0] =	wrdreg $0xFFFFFFFF;
	(pc) =	sbr.abs _section_cstart, $3  }
0xc5: {  	[dreg:$0x1] =	wrdreg $0xFFFFFFFF  }
0xc6: {  	_ =	task.clear_ibuf [dreg:s10], $0x2FFFF;
	_ =	strace $0x9FFFFFFF  }
0xc7: {  	(tm) =	ssettm $0x7FFFFFFF  }
tec
execute0_lowered:
.L_overlay_start_1:
0x0: {  	(tag) =	ssettag $0x1  }
0x1: {  	s1 =	rddreg [dreg:$0x0]  }
0x2: {  	s2 =	rddreg [dreg:$0x1]  }
0x3: {  	s4 =	rddreg [dreg:$0x2]  }
0x4: {  	s10 =	rddreg [dreg:$0x3]  }
0x5: {  	s0 =	rddreg [dreg:$0x4]  }
0x6: {  	s6 =	srdreg.scid;
	s3 =	stileid.u32  }
0x7: {  	s5 =	simm.s32 $0x0;
	s13 =	simm.s32 $0x10000;
	s14 =	simm.s32 $0x18000  }
0x8: {  	s15 =	simm.s32 $0x7;
	s16 =	simm.s32 $0x0;
	s6 =	sand.u32 $0x1, s6  }
0x9: {  	v0 =	vlaneseq.u32;
	s7 =	sshll.u32 s3, $0x1;
	[smem:$0x7FF] =	sst s5;
	s8 =	ssub.s32 $0x2, s6  }
0xa: {  	v57 =	vmul.u32 $0x80, v0;
	s9 =	sor.u32 s6, s7;
	_ =	strace $0x80000047;
	s31 =	sshrl.u32 s8, $0x1  }
0xb: {  	s6 =	sshll.u32 s9, $0xD;
	s12 =	sshll.u32 s9, $0x6;
	s11 =	ssub.s32 s8, s31  }
0xc: {  	v16 =	vor.u32 $0x7F, v57;
	s7 =	sadd.s32 s1, s6;
	s8 =	sadd.s32 s2, s6;
	s9 =	sadd.s32 s4, s6  }
0xd: {  	s10 =	sadd.s32 s10, s12;
	s12 =	simm.s32 $0x8000;
	[tilespmem:$0x1FFF0] =	vst v16;
	s11 =	smax.u32 s11, $0x1  }
.LBB2_1:
0xe: {  	[tilespmem:s5], [sflag:$0x1] =	stream.linear.gather [hbm4b:s7+s5], $0x4000, $0x38;
	[tilespmem:$0x18200] =	vst v63  }
0xf: {  	_ = 	snop  }
0x10: {  	[tilespmem:s12], [sflag:$0x2] =	stream.linear.gather [hbm4b:s8+s5], $0x4000, $0x38;
	[tilespmem:$0x18200] =	vst v63  }
0x11: {  	p0 =	por $0x0, $0x0;
	s17 =	simm.s32 $0x18000;
	s18 =	simm.s32 $0x0  }
0x12: {  	[tilespmem:s13], [sflag:$0x3] =	stream.linear.gather [hbm4b:s9+s5], $0x4000, $0x38;
	[tilespmem:$0x18200] =	vst v63  }
.LBB2_3:
0x13: {  	s19 =	sand.u32 $0x1, s18;
	p1 =	seq.s32 s18, $0x3  }
0x14: {  	s20 =	sxor.u32 @!p1 $0x1, s19  }
0x15: {  	s18 =	sadd.s32 $0x1, s18;
	s21 =	smul.u32 @!p1 $0xC, s20  }
0x16: {  	s22 =	sshll.u32 @!p1 s18, $0xB  }
0x17: {  	s25 =	simm.s32 @!p1 $0x0;
	s22 =	sadd.s32 @!p1 s6, s22;
	s21 =	sshrl.u32 @!p1 s21, $0x2  }
0x18: {  	s20 =	sshll.u32 @!p1 s20, $0xE;
	s24 =	sadd.s32 @!p1 s1, s22;
	s23 =	sadd.s32 @!p1 $0x1, s21  }
0x19: {  	[tilespmem:s20], [sflag:s23] =	stream.linear.gather @!p1 [hbm4b:s24+s25], $0x4000, $0x38;
	[tilespmem:$0x18200] =	vst v63  }
0x1a: {  	s26 =	sadd.s32 @!p1 s2, s22;
	s23 =	sor.u32 @!p1 $0x8000, s20;
	s24 =	sadd.s32 @!p1 $0x2, s21  }
0x1b: {  	[tilespmem:s23], [sflag:s24] =	stream.linear.gather @!p1 [hbm4b:s26+s25], $0x4000, $0x38;
	[tilespmem:$0x18200] =	vst v63  }
0x1c: {  	s19 =	smul.u32 $0xC, s19;
	s22 =	sadd.s32 @!p1 s4, s22;
	s23 =	simm.s32 $0x1  }
0x1d: {  	s20 =	sor.u32 @!p1 $0x10000, s20;
	s21 =	sadd.s32 @!p1 $0x3, s21;
	s23 =	simm.s32 @!p0 $0x0  }
0x1e: {  	[tilespmem:s20], [sflag:s21] =	stream.linear.gather @!p1 [hbm4b:s22+s25], $0x4000, $0x38;
	[tilespmem:$0x18200] =	vst v63  }
0x1f: {  	s19 =	sshrl.u32 s19, $0x2;
	s29 =	sshll.u32 s23, $0xE  }
0x20: {  	s30 =	sadd.s32 $0x1, s19;
	[dreg:$0x5] =	wrdreg s29  }
0x21: {  	_ =	swait.ge [sflag:s30], $0x4000  }
0x22: {  	[sflag:s30] =	ssyncset.done $0x0  }
0x23: {  	s31 =	sadd.s32 $0x2, s19;
	[sflag:s30] =	ssyncadd.s32 $0xFFFFC000  }
0x24: {  	_ =	swait.ge [sflag:s31], $0x4000  }
0x25: {  	[sflag:s31] =	ssyncset.done $0x0  }
0x26: {  	s19 =	sadd.s32 $0x3, s19;
	[sflag:s31] =	ssyncadd.s32 $0xFFFFC000  }
0x27: {  	_ =	swait.ge [sflag:s19], $0x4000  }
0x28: {  	[sflag:s19] =	ssyncset.done $0x0  }
0x29: {  	s20 =	smov.u32 s17;
	[sflag:s19] =	ssyncadd.s32 $0xFFFFC000;
	s19 =	simm.s32 $0x0  }
.LBB2_4:
0x2a: {  	s21 =	rddreg [dreg:$0x5]  }
0x2b: {  	s21 =	sadd.s32 s19, s21  }
0x2c: {  	v1 =	vor.u32 s21, v57;
	s29 =	sadd.s32 $0x4, s21  }
0x2d: {  	s28 =	sadd.s32 $0x3, s21;
	v15 =	vor.u32 s29, v57;
	s29 =	sadd.s32 $0xC, s21  }
0x2e: {  	v12 =	vor.u32 s28, v57;
	s28 =	sadd.s32 $0xB, s21;
	v23 =	vor.u32 s29, v57;
	s29 =	sadd.s32 $0x14, s21  }
0x2f: {  	v56 =	vor.u32 s28, v57;
	s28 =	sadd.s32 $0x13, s21;
	v58 =	vor.u32 s29, v57  }
0x30: {  	v53 =	vor.u32 s28, v57  }
0x31: {  	v10 =	vld.idx.msk [tilespmem:v1+s5+$0x0], $0xffff  }
0x32: {  	v5 =	vld.idx.msk [tilespmem:v1+s12+$0x0], $0xffff  }
0x33: {  	v13 =	vld.idx.msk [tilespmem:v1+s13+$0x0], $0xffff  }
0x34: {  	v1 =	vld.idx.msk [tilespmem:v58+s5+$0x0], $0xffff  }
0x35: {  	v0 =	vld.idx.msk [tilespmem:v53+s5+$0x0], $0xffff;
	_ =	sdelay $0x1  }
0x36: {  	s30 =	sadd.s32 $0x5, s21  }
0x37: {  	v16 =	vor.u32 s30, v57;
	s30 =	sadd.s32 $0xD, s21  }
0x38: {  	v26 =	vor.u32 s30, v57;
	s30 =	sadd.s32 $0x15, s21;
	[tilespmem:$0x1FD40] =	vst v1;
	v1 =	vld.idx.msk [tilespmem:v58+s12+$0x0], $0xffff  }
0x39: {  	[tilespmem:$0x1FD30] =	vst v0;
	v0 =	vor.u32 s30, v57;
	v58 =	vld.idx.msk [tilespmem:v58+s13+$0x0], $0xffff;
	_ =	sdelay $0x4  }
0x3a: {  	[tilespmem:$0x1FD60] =	vst v58;
	v58 =	vld.idx.msk [tilespmem:v0+s5+$0x0], $0xffff;
	_ =	sdelay $0x2  }
0x3b: {  	s31 =	sadd.s32 $0x6, s21  }
0x3c: {  	s22 =	sadd.s32 $0x1, s21;
	v17 =	vor.u32 s31, v57;
	s31 =	sadd.s32 $0xE, s21  }
0x3d: {  	v2 =	vor.u32 s22, v57;
	v28 =	vor.u32 s31, v57;
	s31 =	sadd.s32 $0x16, s21;
	[tilespmem:$0x1FD70] =	vst v58;
	v58 =	vld.idx.msk [tilespmem:v0+s12+$0x0], $0xffff  }
0x3e: {  	[tilespmem:$0x1FD50] =	vst v1;
	v1 =	vor.u32 s31, v57;
	v0 =	vld.idx.msk [tilespmem:v0+s13+$0x0], $0xffff;
	_ =	sdelay $0x1  }
0x3f: {  	s26 =	sadd.s32 $0x2, s21  }
0x40: {  	v8 =	vor.u32 s26, v57  }
0x41: {  	v6 =	vld.idx.msk [tilespmem:v2+s5+$0x0], $0xffff  }
0x42: {  	[tilespmem:$0x1FD80] =	vst v0;
	v0 =	vld.idx.msk [tilespmem:v1+s5+$0x0], $0xffff  }
0x43: {  	v3 =	vld.idx.msk [tilespmem:v2+s12+$0x0], $0xffff  }
0x44: {  	v7 =	vld.idx.msk [tilespmem:v2+s13+$0x0], $0xffff  }
0x45: {  	s23 =	sadd.s32 $0x7, s21;
	v9 =	vld.idx.msk [tilespmem:v8+s5+$0x0], $0xffff  }
0x46: {  	v19 =	vor.u32 s23, v57;
	s23 =	sadd.s32 $0xF, s21;
	v4 =	vld.idx.msk [tilespmem:v8+s12+$0x0], $0xffff  }
0x47: {  	v31 =	vor.u32 s23, v57;
	s23 =	sadd.s32 $0x17, s21;
	[tilespmem:$0x1FD90] =	vst v0;
	v0 =	vld.idx.msk [tilespmem:v1+s12+$0x0], $0xffff  }
0x48: {  	v2 =	vor.u32 s23, v57;
	v1 =	vld.idx.msk [tilespmem:v1+s13+$0x0], $0xffff  }
0x49: {  	v8 =	vld.idx.msk [tilespmem:v8+s13+$0x0], $0xffff  }
0x4a: {  	v14 =	vld.idx.msk [tilespmem:v12+s5+$0x0], $0xffff  }
0x4b: {  	v11 =	vld.idx.msk [tilespmem:v12+s12+$0x0], $0xffff  }
0x4c: {  	v18 =	vld.idx.msk [tilespmem:v12+s13+$0x0], $0xffff  }
0x4d: {  	[tilespmem:$0x1FDB0] =	vst v1;
	v1 =	vld.idx.msk [tilespmem:v2+s5+$0x0], $0xffff  }
0x4e: {  	v21 =	vld.idx.msk [tilespmem:v15+s5+$0x0], $0xffff  }
0x4f: {  	v12 =	vld.idx.msk [tilespmem:v15+s12+$0x0], $0xffff  }
0x50: {  	s24 =	sadd.s32 $0x8, s21;
	v15 =	vld.idx.msk [tilespmem:v15+s13+$0x0], $0xffff  }
0x51: {  	v20 =	vor.u32 s24, v57;
	s24 =	sadd.s32 $0x10, s21;
	v25 =	vld.idx.msk [tilespmem:v16+s5+$0x0], $0xffff  }
0x52: {  	v35 =	vor.u32 s24, v57;
	s24 =	sadd.s32 $0x18, s21;
	[tilespmem:$0x1FDC0] =	vst v1;
	v1 =	vld.idx.msk [tilespmem:v2+s12+$0x0], $0xffff  }
0x53: {  	[tilespmem:$0x1FDA0] =	vst v0;
	v0 =	vor.u32 s24, v57;
	v2 =	vld.idx.msk [tilespmem:v2+s13+$0x0], $0xffff  }
0x54: {  	v24 =	vld.idx.msk [tilespmem:v16+s12+$0x0], $0xffff  }
0x55: {  	v32 =	vld.idx.msk [tilespmem:v16+s13+$0x0], $0xffff  }
0x56: {  	v27 =	vld.idx.msk [tilespmem:v17+s5+$0x0], $0xffff  }
0x57: {  	v16 =	vld.idx.msk [tilespmem:v17+s12+$0x0], $0xffff  }
0x58: {  	[tilespmem:$0x1FDE0] =	vst v2;
	v2 =	vld.idx.msk [tilespmem:v0+s5+$0x0], $0xffff  }
0x59: {  	v30 =	vld.idx.msk [tilespmem:v17+s13+$0x0], $0xffff  }
0x5a: {  	v29 =	vld.idx.msk [tilespmem:v19+s5+$0x0], $0xffff  }
0x5b: {  	s25 =	sadd.s32 $0x9, s21;
	v17 =	vld.idx.msk [tilespmem:v19+s12+$0x0], $0xffff  }
0x5c: {  	v22 =	vor.u32 s25, v57;
	s25 =	sadd.s32 $0x11, s21;
	v37 =	vld.idx.msk [tilespmem:v19+s13+$0x0], $0xffff  }
0x5d: {  	v41 =	vor.u32 s25, v57;
	s25 =	sadd.s32 $0x19, s21;
	[tilespmem:$0x1FDF0] =	vst v2;
	v2 =	vld.idx.msk [tilespmem:v0+s12+$0x0], $0xffff  }
0x5e: {  	[tilespmem:$0x1FDD0] =	vst v1;
	v1 =	vor.u32 s25, v57;
	v0 =	vld.idx.msk [tilespmem:v0+s13+$0x0], $0xffff  }
0x5f: {  	v33 =	vld.idx.msk [tilespmem:v20+s5+$0x0], $0xffff  }
0x60: {  	s26 =	sadd.s32 $0xA, s21;
	v40 =	vld.idx.msk [tilespmem:v20+s12+$0x0], $0xffff  }
0x61: {  	v55 =	vor.u32 s26, v57;
	v34 =	vld.idx.msk [tilespmem:v20+s13+$0x0], $0xffff  }
0x62: {  	v36 =	vld.idx.msk [tilespmem:v22+s5+$0x0], $0xffff  }
0x63: {  	[tilespmem:$0x1FE10] =	vst v0;
	v0 =	vld.idx.msk [tilespmem:v1+s5+$0x0], $0xffff  }
0x64: {  	v39 =	vld.idx.msk [tilespmem:v22+s12+$0x0], $0xffff  }
0x65: {  	v22 =	vld.idx.msk [tilespmem:v22+s13+$0x0], $0xffff  }
0x66: {  	v42 =	vld.idx.msk [tilespmem:v55+s5+$0x0], $0xffff  }
0x67: {  	s26 =	sadd.s32 $0x12, s21;
	v38 =	vld.idx.msk [tilespmem:v55+s12+$0x0], $0xffff  }
0x68: {  	v49 =	vor.u32 s26, v57;
	s26 =	sadd.s32 $0x1A, s21;
	[tilespmem:$0x1FE20] =	vst v0;
	v0 =	vld.idx.msk [tilespmem:v1+s12+$0x0], $0xffff  }
0x69: {  	[tilespmem:$0x1FE00] =	vst v2;
	v2 =	vor.u32 s26, v57;
	v1 =	vld.idx.msk [tilespmem:v1+s13+$0x0], $0xffff  }
0x6a: {  	v43 =	vld.idx.msk [tilespmem:v55+s13+$0x0], $0xffff  }
0x6b: {  	v44 =	vld.idx.msk [tilespmem:v56+s5+$0x0], $0xffff  }
0x6c: {  	v19 =	vld.idx.msk [tilespmem:v56+s12+$0x0], $0xffff  }
0x6d: {  	v20 =	vld.idx.msk [tilespmem:v56+s13+$0x0], $0xffff  }
0x6e: {  	[tilespmem:$0x1FE40] =	vst v1;
	v1 =	vld.idx.msk [tilespmem:v2+s5+$0x0], $0xffff  }
0x6f: {  	v51 =	vld.idx.msk [tilespmem:v23+s5+$0x0], $0xffff  }
0x70: {  	v54 =	vld.idx.msk [tilespmem:v23+s12+$0x0], $0xffff  }
0x71: {  	v46 =	vld.idx.msk [tilespmem:v23+s13+$0x0], $0xffff  }
0x72: {  	v47 =	vld.idx.msk [tilespmem:v26+s5+$0x0], $0xffff  }
0x73: {  	s28 =	sadd.s32 $0x1B, s21;
	[tilespmem:$0x1FE50] =	vst v1;
	v1 =	vld.idx.msk [tilespmem:v2+s12+$0x0], $0xffff  }
0x74: {  	[tilespmem:$0x1FE30] =	vst v0;
	v0 =	vor.u32 s28, v57;
	v2 =	vld.idx.msk [tilespmem:v2+s13+$0x0], $0xffff  }
0x75: {  	v59 =	vld.idx.msk [tilespmem:v26+s12+$0x0], $0xffff  }
0x76: {  	v48 =	vld.idx.msk [tilespmem:v26+s13+$0x0], $0xffff  }
0x77: {  	v55 =	vld.idx.msk [tilespmem:v28+s5+$0x0], $0xffff  }
0x78: {  	v23 =	vld.idx.msk [tilespmem:v28+s12+$0x0], $0xffff  }
0x79: {  	[tilespmem:$0x1FE70] =	vst v2;
	v2 =	vld.idx.msk [tilespmem:v0+s5+$0x0], $0xffff  }
0x7a: {  	v63 =	vld.idx.msk [tilespmem:v28+s13+$0x0], $0xffff  }
0x7b: {  	v56 =	vld.idx.msk [tilespmem:v31+s5+$0x0], $0xffff  }
0x7c: {  	v60 =	vld.idx.msk [tilespmem:v31+s12+$0x0], $0xffff  }
0x7d: {  	v31 =	vld.idx.msk [tilespmem:v31+s13+$0x0], $0xffff  }
0x7e: {  	s29 =	sadd.s32 $0x1C, s21;
	[tilespmem:$0x1FE80] =	vst v2;
	v2 =	vld.idx.msk [tilespmem:v0+s12+$0x0], $0xffff  }
0x7f: {  	[tilespmem:$0x1FE60] =	vst v1;
	v1 =	vor.u32 s29, v57;
	v0 =	vld.idx.msk [tilespmem:v0+s13+$0x0], $0xffff  }
0x80: {  	v61 =	vld.idx.msk [tilespmem:v35+s5+$0x0], $0xffff  }
0x81: {  	v26 =	vld.idx.msk [tilespmem:v35+s12+$0x0], $0xffff  }
0x82: {  	v35 =	vld.idx.msk [tilespmem:v35+s13+$0x0], $0xffff  }
0x83: {  	v45 =	vld.idx.msk [tilespmem:v41+s5+$0x0], $0xffff  }
0x84: {  	[tilespmem:$0x1FEA0] =	vst v0;
	v0 =	vadd.f32 v5, v10;
	v10 =	vld.idx.msk [tilespmem:v1+s5+$0x0], $0xffff  }
0x85: {  	v28 =	vld.idx.msk [tilespmem:v41+s12+$0x0], $0xffff  }
0x86: {  	v50 =	vld.idx.msk [tilespmem:v41+s13+$0x0], $0xffff  }
0x87: {  	v52 =	vld.idx.msk [tilespmem:v49+s5+$0x0], $0xffff;
	s30 =	sadd.s32 $0x1D, s21  }
0x88: {  	v41 =	vld.idx.msk [tilespmem:v49+s12+$0x0], $0xffff;
	[tilespmem:$0x1FE90] =	vst v2;
	v2 =	vor.u32 s30, v57  }
0x89: {  	[tilespmem:$0x1FEB0] =	vst v10;
	v10 =	vld.idx.msk [tilespmem:v1+s12+$0x0], $0xffff  }
0x8a: {  	v62 =	vld.idx.msk [tilespmem:v49+s13+$0x0], $0xffff  }
0x8b: {  	s31 =	sadd.s32 $0x1E, s21;
	v1 =	vld.idx.msk [tilespmem:v1+s13+$0x0], $0xffff  }
0x8c: {  	v49 =	vld.idx.msk [tilespmem:v53+s12+$0x0], $0xffff;
	v5 =	vor.u32 s31, v57  }
0x8d: {  	v0 =	vsub.f32 v0, v13;
	v13 =	vld.idx.msk [tilespmem:v2+s5+$0x0], $0xffff  }
0x8e: {  	s23 =	sadd.s32 $0x1F, s21;
	v53 =	vld.idx.msk [tilespmem:v53+s13+$0x0], $0xffff;
	v3 =	vadd.f32 v3, v6;
	[tilespmem:$0x1FEC0] =	vst v10;
	v10 =	vadd.f32 v4, v9  }
0x8f: {  	v9 =	vld.idx.msk [tilespmem:v2+s12+$0x0], $0xffff;
	v4 =	vor.u32 s23, v57  }
0x90: {  	[tilespmem:$0x1FED0] =	vst v1;
	v1 =	vsub.f32 v3, v7;
	v2 =	vld.idx.msk [tilespmem:v2+s13+$0x0], $0xffff;
	v3 =	vsub.f32 v10, v8  }
0x91: {  	s24 =	sadd.s32 $0x20, s21;
	v10 =	vadd.f32 v11, v14;
	v11 =	vld.idx.msk [tilespmem:v5+s5+$0x0], $0xffff  }
0x92: {  	[tilespmem:$0x1FEE0] =	vst v13;
	v14 =	vld.idx.msk [tilespmem:v5+s12+$0x0], $0xffff;
	v13 =	vmul.f32 v3, v3;
	v3 =	vor.u32 s24, v57  }
0x93: {  	v21 =	vadd.f32 v12, v21;
	v5 =	vld.idx.msk [tilespmem:v5+s13+$0x0], $0xffff  }
0x94: {  	s25 =	sadd.s32 $0x21, s21;
	v0 =	vmul.f32 v0, v0;
	[tilespmem:$0x1FEF0] =	vst v9;
	v8 =	vld.idx.msk [tilespmem:v4+s5+$0x0], $0xffff  }
0x95: {  	[tilespmem:$0x1FF00] =	vst v2;
	v2 =	vsub.f32 v10, v18;
	v9 =	vsub.f32 v21, v15;
	v21 =	vld.idx.msk [tilespmem:v4+s12+$0x0], $0xffff;
	v10 =	vor.u32 s25, v57  }
0x96: {  	v1 =	vmul.f32 v1, v1;
	v4 =	vld.idx.msk [tilespmem:v4+s13+$0x0], $0xffff;
	[tilespmem:$0x1FF10] =	vst v11;
	v11 =	vadd.f32 v24, v25  }
0x97: {  	s28 =	sadd.s32 $0x23, s21;
	v24 =	vld.idx.msk [tilespmem:v3+s5+$0x0], $0xffff  }
0x98: {  	v0 =	vadd.f32 v1, v0;
	v18 =	vor.u32 s28, v57;
	v12 =	vsub.f32 v11, v32;
	v32 =	vld.idx.msk [tilespmem:v3+s12+$0x0], $0xffff  }
0x99: {  	v15 =	vld.idx.msk [tilespmem:v3+s13+$0x0], $0xffff  }
0x9a: {  	s26 =	sadd.s32 $0x22, s21;
	v0 =	vadd.f32 v13, v0;
	v13 =	vadd.f32 v16, v27;
	v27 =	vld.idx.msk [tilespmem:v10+s5+$0x0], $0xffff  }
0x9b: {  	v17 =	vadd.f32 v17, v29;
	[tilespmem:$0x1FF20] =	vst v14;
	v14 =	vor.u32 s26, v57;
	v29 =	vld.idx.msk [tilespmem:v10+s12+$0x0], $0xffff  }
0x9c: {  	v2 =	vmul.f32 v2, v2;
	v1 =	vmul.f32 v9, v9;
	v9 =	vld.idx.msk [tilespmem:v10+s13+$0x0], $0xffff  }
0x9d: {  	s29 =	sadd.s32 $0x24, s21;
	v16 =	vsub.f32 v13, v30;
	v13 =	vadd.f32 v39, v36;
	v30 =	vld.idx.msk [tilespmem:v18+s5+$0x0], $0xffff  }
0x9e: {  	v0 =	vadd.f32 v2, v0;
	[tilespmem:$0x1FF40] =	vst v8;
	v39 =	vld.idx.msk [tilespmem:v18+s12+$0x0], $0xffff;
	v2 =	vmul.f32 v12, v12;
	v12 =	vor.u32 s29, v57  }
0x9f: {  	[tilespmem:$0x1FF50] =	vst v4;
	v8 =	vsub.f32 v17, v37;
	v4 =	vld.idx.msk [tilespmem:v18+s13+$0x0], $0xffff  }
0xa0: {  	s31 =	sadd.s32 $0x26, s21;
	v10 =	vadd.f32 v40, v33;
	v0 =	vadd.f32 v1, v0;
	v25 =	vld.idx.msk [tilespmem:v14+s5+$0x0], $0xffff  }
0xa1: {  	v1 =	vmul.f32 v16, v16;
	v16 =	vadd.f32 v38, v42;
	v38 =	vor.u32 s31, v57;
	v37 =	vld.idx.msk [tilespmem:v14+s12+$0x0], $0xffff  }
0xa2: {  	s30 =	sadd.s32 $0x25, s21;
	v36 =	vld.idx.msk [tilespmem:v14+s13+$0x0], $0xffff  }
0xa3: {  	v3 =	vsub.f32 v10, v34;
	[tilespmem:$0x1FF60] =	vst v15;
	v15 =	vor.u32 s30, v57;
	v17 =	vld.idx.msk [tilespmem:v12+s5+$0x0], $0xffff  }
0xa4: {  	v14 =	vsub.f32 v13, v22;
	v22 =	vadd.f32 v19, v44;
	v34 =	vld.idx.msk [tilespmem:v12+s12+$0x0], $0xffff  }
0xa5: {  	s26 =	sadd.s32 $0x2A, s21;
	v18 =	vsub.f32 v16, v43;
	v43 =	vld.idx.msk [tilespmem:v12+s13+$0x0], $0xffff  }
0xa6: {  	v10 =	vadd.f32 v59, v47;
	v44 =	vsub.f32 v22, v20;
	v22 =	vor.u32 s26, v57;
	v47 =	vld.idx.msk [tilespmem:v38+s5+$0x0], $0xffff  }
0xa7: {  	v0 =	vadd.f32 v2, v0;
	v6 =	vld.idx.msk [tilespmem:v38+s13+$0x0], $0xffff  }
0xa8: {  	s23 =	sadd.s32 $0x27, s21;
	v11 =	vmul.f32 v8, v8;
	v8 =	vadd.f32 v54, v51;
	v51 =	vld.idx.msk [tilespmem:v15+s5+$0x0], $0xffff  }
0xa9: {  	[tilespmem:$0x1FF70] =	vst v9;
	v0 =	vadd.f32 v1, v0;
	v9 =	vor.u32 s23, v57;
	v54 =	vld.idx.msk [tilespmem:v15+s12+$0x0], $0xffff  }
0xaa: {  	v40 =	vld.idx.msk [tilespmem:v15+s13+$0x0], $0xffff  }
0xab: {  	v3 =	vmul.f32 v3, v3;
	v2 =	vsub.f32 v8, v46;
	s30 =	sadd.s32 $0x2D, s21;
	v0 =	vadd.f32 v11, v0;
	v8 =	vld.idx.msk [tilespmem:v22+s5+$0x0], $0xffff  }
0xac: {  	v16 =	vor.u32 s30, v57;
	v7 =	vld.idx.msk [tilespmem:v22+s12+$0x0], $0xffff  }
0xad: {  	s24 =	sadd.s32 $0x28, s21;
	v0 =	vadd.f32 v3, v0;
	v3 =	vmul.f32 v18, v18;
	v18 =	vadd.f32 v60, v56;
	v56 =	vld.idx.msk [tilespmem:v22+s13+$0x0], $0xffff  }
0xae: {  	v13 =	vadd.f32 v23, v55;
	v20 =	vadd.f32 v26, v61;
	v12 =	vor.u32 s24, v57;
	v55 =	vld.idx.msk [tilespmem:v9+s5+$0x0], $0xffff  }
0xaf: {  	s28 =	sadd.s32 $0x2B, s21;
	v46 =	vld.idx.msk [tilespmem:v9+s12+$0x0], $0xffff  }
0xb0: {  	[tilespmem:$0x1FF80] =	vst v4;
	v1 =	vmul.f32 v14, v14;
	v26 =	vsub.f32 v20, v35;
	v35 =	vor.u32 s28, v57;
	v4 =	vld.idx.msk [tilespmem:v9+s13+$0x0], $0xffff  }
0xb1: {  	v61 =	vld.idx.msk [tilespmem:v16+s13+$0x0], $0xffff  }
0xb2: {  	v0 =	vadd.f32 v1, v0;
	v1 =	vmul.f32 v44, v44;
	v44 =	vld.idx.msk [tilespmem:v38+s12+$0x0], $0xffff  }
0xb3: {  	v33 =	vld.idx.msk [tilespmem:v12+s12+$0x0], $0xffff  }
0xb4: {  	v23 =	vld.idx.msk [tilespmem:v12+s13+$0x0], $0xffff  }
0xb5: {  	[tilespmem:$0x1FF30] =	vst v5;
	s23 =	sadd.s32 $0x2F, s21;
	v5 =	vld.idx.msk [tilespmem:v35+s12+$0x0], $0xffff  }
0xb6: {  	s25 =	sadd.s32 $0x29, s21;
	v14 =	vsub.f32 v13, v63;
	v13 =	vor.u32 s23, v57;
	[tilespmem:$0x1FF90] =	vst v17;
	v17 =	vld [tilespmem:$0x1FD40]  }
0xb7: {  	v15 =	vor.u32 s25, v57;
	v63 =	vld.idx.msk [tilespmem:v35+s13+$0x0], $0xffff  }
0xb8: {  	v19 =	vsub.f32 v18, v31;
	v31 =	vadd.f32 v28, v45;
	v28 =	vld [tilespmem:$0x1FD70]  }
0xb9: {  	v0 =	vadd.f32 v3, v0;
	v3 =	vsub.f32 v10, v48;
	v48 =	vld.idx.msk [tilespmem:v12+s5+$0x0], $0xffff  }
0xba: {  	s29 =	sadd.s32 $0x2C, s21;
	v11 =	vmul.f32 v2, v2;
	v2 =	vsub.f32 v31, v50;
	v50 =	vld [tilespmem:$0x1FD30]  }
0xbb: {  	v45 =	vor.u32 s29, v57;
	v12 =	vld.idx.msk [tilespmem:v13+s13+$0x0], $0xffff  }
0xbc: {  	v18 =	vld.idx.msk [tilespmem:v15+s5+$0x0], $0xffff  }
0xbd: {  	v10 =	vld.idx.msk [tilespmem:v15+s12+$0x0], $0xffff  }
0xbe: {  	v38 =	vld.idx.msk [tilespmem:v15+s13+$0x0], $0xffff  }
0xbf: {  	[tilespmem:$0x1FFE0] =	vst v56;
	v56 =	vld.idx.msk [tilespmem:v35+s5+$0x0], $0xffff  }
0xc0: {  	v9 =	vld.idx.msk [tilespmem:v45+s5+$0x0], $0xffff  }
0xc1: {  	[tilespmem:$0x1FFC0] =	vst v23;
	v23 =	vld [tilespmem:$0x1FD60]  }
0xc2: {  	s31 =	sadd.s32 $0x2E, s21;
	[tilespmem:$0x1FFA0] =	vst v6;
	v0 =	vadd.f32 v1, v0;
	v6 =	vld.idx.msk [tilespmem:v45+s12+$0x0], $0xffff  }
0xc3: {  	v41 =	vadd.f32 v41, v52;
	v35 =	vor.u32 s31, v57;
	v31 =	vadd.f32 v58, v28;
	v28 =	vld [tilespmem:$0x1FE10]  }
0xc4: {  	v3 =	vmul.f32 v3, v3;
	v0 =	vadd.f32 v11, v0;
	v52 =	vadd.f32 v49, v50;
	v49 =	vld.idx.msk [tilespmem:v45+s13+$0x0], $0xffff  }
0xc5: {  	v45 =	vld [tilespmem:$0x1FDA0]  }
0xc6: {  	v1 =	vmul.f32 v14, v14;
	v50 =	vld [tilespmem:$0x1FDB0];
	v0 =	vadd.f32 v3, v0  }
0xc7: {  	v3 =	vmul.f32 v19, v19;
	v19 =	vld [tilespmem:$0x1FD50]  }
0xc8: {  	[tilespmem:$0x1FFD0] =	vst v38;
	v38 =	vld [tilespmem:$0x1FD80];
	v0 =	vadd.f32 v1, v0  }
0xc9: {  	v60 =	vld.idx.msk [tilespmem:v35+s13+$0x0], $0xffff  }
0xca: {  	v59 =	vsub.f32 v52, v53;
	v52 =	vld [tilespmem:$0x1FDC0];
	v1 =	vmul.f32 v26, v26;
	v0 =	vadd.f32 v3, v0  }
0xcb: {  	v53 =	vld [tilespmem:$0x1FDD0]  }
0xcc: {  	v42 =	vmul.f32 v2, v2;
	v3 =	vsub.f32 v41, v62;
	v62 =	vld [tilespmem:$0x1FE60];
	v0 =	vadd.f32 v1, v0  }
0xcd: {  	v20 =	vadd.f32 v19, v17;
	v17 =	vld [tilespmem:$0x1FDE0]  }
0xce: {  	v1 =	vadd.f32 v42, v0;
	v42 =	vld [tilespmem:$0x1FD90]  }
0xcf: {  	v26 =	vsub.f32 v20, v23;
	v20 =	vld [tilespmem:$0x1FDF0]  }
0xd0: {  	v3 =	vmul.f32 v3, v3;
	v23 =	vld [tilespmem:$0x1FE00]  }
0xd1: {  	v41 =	vsub.f32 v31, v38;
	v38 =	vld.idx.msk [tilespmem:v35+s12+$0x0], $0xffff  }
0xd2: {  	v22 =	vmul.f32 v59, v59;
	v58 =	vadd.f32 v53, v52;
	v53 =	vld [tilespmem:$0x1FE40];
	v1 =	vadd.f32 v3, v1  }
0xd3: {  	v2 =	vmul.f32 v41, v41;
	v41 =	vld.idx.msk [tilespmem:v35+s5+$0x0], $0xffff;
	v3 =	vadd.f32 v45, v42  }
0xd4: {  	v11 =	vmul.f32 v26, v26;
	v19 =	vsub.f32 v58, v17;
	v17 =	vld [tilespmem:$0x1FE70];
	v1 =	vadd.f32 v22, v1  }
0xd5: {  	v26 =	vadd.f32 v23, v20;
	v42 =	vld [tilespmem:$0x1FE20];
	v3 =	vsub.f32 v3, v50  }
0xd6: {  	s24 =	sadd.s32 $0x30, s21;
	v1 =	vadd.f32 v11, v1;
	v50 =	vld [tilespmem:$0x1FE30]  }
0xd7: {  	v22 =	vld.idx.msk [tilespmem:v16+s12+$0x0], $0xffff;
	v31 =	vsub.f32 v26, v28;
	v59 =	vmul.f32 v3, v3;
	v3 =	vor.u32 s24, v57  }
0xd8: {  	v45 =	vld.idx.msk [tilespmem:v16+s5+$0x0], $0xffff;
	v1 =	vadd.f32 v2, v1  }
0xd9: {  	v2 =	vmul.f32 v31, v31;
	v31 =	vld [tilespmem:$0x1FE80]  }
0xda: {  	v1 =	vadd.f32 v59, v1;
	v59 =	vld [tilespmem:$0x1FE50]  }
0xdb: {  	v52 =	vadd.f32 v50, v42;
	v42 =	vld [tilespmem:$0x1FE90]  }
0xdc: {  	v20 =	vld.idx.msk [tilespmem:v3+s5+$0x0], $0xffff  }
0xdd: {  	v35 =	vmul.f32 v19, v19;
	v19 =	vld.idx.msk [tilespmem:v3+s12+$0x0], $0xffff  }
0xde: {  	v16 =	vld.idx.msk [tilespmem:v3+s13+$0x0], $0xffff  }
0xdf: {  	v58 =	vsub.f32 v52, v53;
	v52 =	vld [tilespmem:$0x1FEA0]  }
0xe0: {  	v1 =	vadd.f32 v35, v1;
	v53 =	vld [tilespmem:$0x1FEB0]  }
0xe1: {  	v50 =	vmul.f32 v58, v58;
	v58 =	vld [tilespmem:$0x1FEC0]  }
0xe2: {  	s25 =	sadd.s32 $0x31, s21;
	[tilespmem:$0x1FFB0] =	vst v4;
	v1 =	vadd.f32 v2, v1;
	v4 =	vadd.f32 v62, v59;
	v62 =	vld [tilespmem:$0x1FED0]  }
0xe3: {  	v15 =	vor.u32 s25, v57;
	v3 =	vadd.f32 v42, v31;
	v42 =	vld [tilespmem:$0x1FEE0]  }
0xe4: {  	v1 =	vadd.f32 v50, v1;
	v50 =	vld [tilespmem:$0x1FEF0]  }
0xe5: {  	v11 =	vld.idx.msk [tilespmem:v13+s5+$0x0], $0xffff  }
0xe6: {  	v3 =	vsub.f32 v3, v52;
	v52 =	vld [tilespmem:$0x1FF00]  }
0xe7: {  	v26 =	vld.idx.msk [tilespmem:v13+s12+$0x0], $0xffff;
	v14 =	vadd.f32 v58, v53  }
0xe8: {  	v13 =	vld.idx.msk [tilespmem:v15+s5+$0x0], $0xffff;
	v23 =	vsub.f32 v4, v17  }
0xe9: {  	s29 =	sadd.s32 $0x34, s21;
	v28 =	vld.idx.msk [tilespmem:v15+s13+$0x0], $0xffff;
	v59 =	vmul.f32 v3, v3;
	v3 =	vsub.f32 v14, v62;
	v14 =	vadd.f32 v50, v42  }
0xea: {  	v31 =	vld.idx.msk [tilespmem:v15+s12+$0x0], $0xffff;
	v15 =	vor.u32 s29, v57;
	v2 =	vmul.f32 v23, v23  }
0xeb: {  	v53 =	vsub.f32 v14, v52  }
0xec: {  	v1 =	vadd.f32 v2, v1;
	v50 =	vld [tilespmem:$0x1FF20]  }
0xed: {  	v2 =	vmul.f32 v53, v53;
	v53 =	vld [tilespmem:$0x1FF40]  }
0xee: {  	v4 =	vadd.f32 v59, v1;
	v59 =	vld [tilespmem:$0x1FF10]  }
0xef: {  	v42 =	vld.idx.msk [tilespmem:v15+s5+$0x0], $0xffff;
	v3 =	vmul.f32 v3, v3  }
0xf0: {  	v52 =	vld [tilespmem:$0x1FF30]  }
0xf1: {  	v4 =	vadd.f32 v3, v4;
	v3 =	vld.idx.msk [tilespmem:v15+s12+$0x0], $0xffff  }
0xf2: {  	s30 =	sadd.s32 $0x35, s21;
	v21 =	vadd.f32 v21, v53;
	v53 =	vld.idx.msk [tilespmem:v15+s13+$0x0], $0xffff  }
0xf3: {  	v14 =	vor.u32 s30, v57;
	v1 =	vadd.f32 v50, v59;
	v15 =	vld [tilespmem:$0x1FF50];
	_ =	sdelay $0x1  }
0xf4: {  	v1 =	vsub.f32 v1, v52;
	v52 =	vld [tilespmem:$0x1FF60];
	_ =	sdelay $0x1  }
0xf5: {  	v2 =	vadd.f32 v2, v4  }
0xf6: {  	v4 =	vsub.f32 v21, v15;
	v21 =	vadd.f32 v32, v24;
	v24 =	vld.idx.msk [tilespmem:v14+s5+$0x0], $0xffff  }
0xf7: {  	v32 =	vld.idx.msk [tilespmem:v14+s12+$0x0], $0xffff  }
0xf8: {  	v15 =	vsub.f32 v21, v52;
	v52 =	vld.idx.msk [tilespmem:v14+s13+$0x0], $0xffff  }
0xf9: {  	s23 =	sadd.s32 $0x37, s21;
	v14 =	vadd.f32 v29, v27;
	v27 =	vld [tilespmem:$0x1FF70]  }
0xfa: {  	v50 =	vmul.f32 v1, v1;
	v1 =	vor.u32 s23, v57;
	_ =	sdelay $0x1  }
0xfb: {  	v2 =	vadd.f32 v50, v2;
	v4 =	vmul.f32 v4, v4  }
0xfc: {  	v39 =	vadd.f32 v39, v30;
	v30 =	vld [tilespmem:$0x1FF80];
	v37 =	vadd.f32 v37, v25  }
0xfd: {  	s28 =	sadd.s32 $0x33, s21;
	v2 =	vadd.f32 v4, v2;
	v4 =	vmul.f32 v15, v15;
	v14 =	vsub.f32 v14, v27  }
0xfe: {  	v0 =	vor.u32 s28, v57;
	v21 =	vld.idx.msk [tilespmem:v1+s5+$0x0], $0xffff  }
0xff: {  	v2 =	vadd.f32 v4, v2;
	v4 =	vsub.f32 v37, v36;
	v36 =	vld.idx.msk [tilespmem:v1+s12+$0x0], $0xffff;
	v14 =	vmul.f32 v14, v14  }
0x100: {  	v27 =	vld.idx.msk [tilespmem:v1+s13+$0x0], $0xffff  }
0x101: {  	s24 =	sadd.s32 $0x38, s21;
	v1 =	vadd.f32 v14, v2;
	v2 =	vmul.f32 v4, v4;
	v4 =	vsub.f32 v39, v30;
	v39 =	vld [tilespmem:$0x1FF90]  }
0x102: {  	v29 =	vor.u32 s24, v57;
	_ =	sdelay $0x1  }
0x103: {  	s26 =	sadd.s32 $0x32, s21;
	v58 =	vld.idx.msk [tilespmem:v0+s5+$0x0], $0xffff  }
0x104: {  	v35 =	vor.u32 s26, v57;
	s26 =	sadd.s32 $0x3A, s21;
	v62 =	vld.idx.msk [tilespmem:v0+s12+$0x0], $0xffff  }
0x105: {  	v59 =	vld.idx.msk [tilespmem:v0+s13+$0x0], $0xffff;
	v14 =	vadd.f32 v34, v39;
	v34 =	vor.u32 s26, v57  }
0x106: {  	v37 =	vld.idx.msk [tilespmem:v29+s5+$0x0], $0xffff  }
0x107: {  	v30 =	vld.idx.msk [tilespmem:v29+s13+$0x0], $0xffff;
	v1 =	vadd.f32 v2, v1  }
0x108: {  	v4 =	vmul.f32 v4, v4;
	v39 =	vld.idx.msk [tilespmem:v29+s12+$0x0], $0xffff;
	v29 =	vadd.f32 v54, v51;
	v2 =	vsub.f32 v14, v43  }
0x109: {  	v14 =	vadd.f32 v44, v47;
	v47 =	vld [tilespmem:$0x1FFA0]  }
0x10a: {  	v1 =	vadd.f32 v4, v1;
	v29 =	vsub.f32 v29, v40;
	v2 =	vmul.f32 v2, v2;
	v44 =	vld.idx.msk [tilespmem:v34+s5+$0x0], $0xffff  }
0x10b: {  	v55 =	vadd.f32 v46, v55;
	v46 =	vld.idx.msk [tilespmem:v34+s13+$0x0], $0xffff  }
0x10c: {  	s31 =	sadd.s32 $0x36, s21;
	v1 =	vadd.f32 v2, v1;
	v2 =	vmul.f32 v29, v29;
	v29 =	vld.idx.msk [tilespmem:v34+s12+$0x0], $0xffff  }
0x10d: {  	v0 =	vor.u32 s31, v57;
	v34 =	vld [tilespmem:$0x1FFB0];
	_ =	sdelay $0x2  }
0x10e: {  	v14 =	vsub.f32 v14, v47;
	_ =	sdelay $0x1  }
0x10f: {  	v25 =	vld.idx.msk [tilespmem:v0+s13+$0x0], $0xffff;
	v1 =	vadd.f32 v2, v1;
	v2 =	vmul.f32 v14, v14;
	v14 =	vsub.f32 v55, v34  }
0x110: {  	v50 =	vld.idx.msk [tilespmem:v0+s5+$0x0], $0xffff  }
0x111: {  	s25 =	sadd.s32 $0x39, s21;
	v1 =	vadd.f32 v2, v1;
	v2 =	vmul.f32 v14, v14;
	v14 =	vld [tilespmem:$0x1FFC0]  }
0x112: {  	v15 =	vld.idx.msk [tilespmem:v0+s12+$0x0], $0xffff;
	v0 =	vor.u32 s25, v57;
	_ =	sdelay $0x1  }
0x113: {  	v33 =	vadd.f32 v33, v48;
	v17 =	vld.idx.msk [tilespmem:v35+s12+$0x0], $0xffff  }
0x114: {  	s29 =	sadd.s32 $0x3C, s21;
	v23 =	vld.idx.msk [tilespmem:v35+s5+$0x0], $0xffff  }
0x115: {  	s28 =	sadd.s32 $0x3B, s21;
	v35 =	vld.idx.msk [tilespmem:v35+s13+$0x0], $0xffff;
	v4 =	vor.u32 s29, v57;
	v14 =	vsub.f32 v33, v14  }
0x116: {  	v51 =	vld.idx.msk [tilespmem:v0+s12+$0x0], $0xffff;
	v54 =	vor.u32 s28, v57  }
0x117: {  	v1 =	vadd.f32 v2, v1;
	v2 =	vmul.f32 v14, v14;
	v14 =	vld [tilespmem:$0x1FFD0]  }
0x118: {  	v43 =	vld.idx.msk [tilespmem:v0+s5+$0x0], $0xffff  }
0x119: {  	s30 =	sadd.s32 $0x3D, s21;
	v40 =	vld.idx.msk [tilespmem:v0+s13+$0x0], $0xffff  }
0x11a: {  	v48 =	vld.idx.msk [tilespmem:v4+s5+$0x0], $0xffff;
	v34 =	vor.u32 s30, v57;
	v33 =	vadd.f32 v10, v18  }
0x11b: {  	v47 =	vld.idx.msk [tilespmem:v54+s5+$0x0], $0xffff  }
0x11c: {  	v55 =	vld.idx.msk [tilespmem:v54+s12+$0x0], $0xffff;
	v14 =	vsub.f32 v33, v14  }
0x11d: {  	v54 =	vld.idx.msk [tilespmem:v54+s13+$0x0], $0xffff  }
0x11e: {  	s31 =	sadd.s32 $0x3E, s21;
	v1 =	vadd.f32 v2, v1;
	v2 =	vmul.f32 v14, v14;
	v14 =	vld [tilespmem:$0x1FFE0]  }
0x11f: {  	v7 =	vadd.f32 v7, v8;
	v0 =	vor.u32 s31, v57;
	v8 =	vld.idx.msk [tilespmem:v34+s12+$0x0], $0xffff  }
0x120: {  	v18 =	vld.idx.msk [tilespmem:v4+s12+$0x0], $0xffff  }
0x121: {  	s23 =	sadd.s32 $0x3F, s21;
	v10 =	vld.idx.msk [tilespmem:v4+s13+$0x0], $0xffff  }
0x122: {  	v4 =	vld.idx.msk [tilespmem:v34+s5+$0x0], $0xffff;
	v33 =	vor.u32 s23, v57  }
0x123: {  	v14 =	vsub.f32 v7, v14;
	v7 =	vld.idx.msk [tilespmem:v34+s13+$0x0], $0xffff  }
0x124: {  	s24 =	sadd.s32 $0x40, s21;
	v34 =	vadd.f32 v5, v56;
	v5 =	vld.idx.msk [tilespmem:v0+s5+$0x0], $0xffff  }
0x125: {  	v1 =	vadd.f32 v2, v1;
	v56 =	vld.idx.msk [tilespmem:v0+s12+$0x0], $0xffff;
	v2 =	vmul.f32 v14, v14;
	v14 =	vor.u32 s24, v57  }
0x126: {  	v34 =	vsub.f32 v34, v63;
	v63 =	vadd.f32 v6, v9;
	v6 =	vld.idx.msk [tilespmem:v0+s13+$0x0], $0xffff  }
0x127: {  	s25 =	sadd.s32 $0x41, s21;
	v50 =	vadd.f32 v15, v50;
	v9 =	vld.idx.msk [tilespmem:v33+s5+$0x0], $0xffff;
	v0 =	vadd.f32 v2, v1  }
0x128: {  	v1 =	vmul.f32 v34, v34;
	v2 =	vsub.f32 v63, v49;
	v49 =	vld.idx.msk [tilespmem:v33+s12+$0x0], $0xffff;
	v34 =	vor.u32 s25, v57  }
0x129: {  	v63 =	vadd.f32 v22, v45;
	v22 =	vld.idx.msk [tilespmem:v33+s13+$0x0], $0xffff  }
0x12a: {  	v32 =	vadd.f32 v32, v24;
	v25 =	vsub.f32 v50, v25;
	s25 =	sadd.s32 $0x49, s21;
	v45 =	vld.idx.msk [tilespmem:v14+s5+$0x0], $0xffff  }
0x12b: {  	s26 =	sadd.s32 $0x42, s21;
	v33 =	vadd.f32 v38, v41;
	v50 =	vor.u32 s25, v57;
	v0 =	vadd.f32 v1, v0;
	v41 =	vld.idx.msk [tilespmem:v14+s12+$0x0], $0xffff  }
0x12c: {  	v1 =	vmul.f32 v2, v2;
	v2 =	vsub.f32 v63, v61;
	v61 =	vor.u32 s26, v57;
	v38 =	vld.idx.msk [tilespmem:v14+s13+$0x0], $0xffff  }
0x12d: {  	v63 =	vadd.f32 v26, v11;
	v11 =	vld.idx.msk [tilespmem:v34+s5+$0x0], $0xffff  }
0x12e: {  	v32 =	vsub.f32 v32, v52;
	v36 =	vadd.f32 v36, v21;
	s28 =	sadd.s32 $0x43, s21;
	v26 =	vld.idx.msk [tilespmem:v34+s12+$0x0], $0xffff  }
0x12f: {  	v60 =	vsub.f32 v33, v60;
	v33 =	vor.u32 s28, v57;
	v63 =	vsub.f32 v63, v12;
	v12 =	vld.idx.msk [tilespmem:v34+s13+$0x0], $0xffff  }
0x130: {  	v52 =	vsub.f32 v36, v27;
	s29 =	sadd.s32 $0x44, s21;
	v0 =	vadd.f32 v1, v0;
	v1 =	vmul.f32 v2, v2;
	v36 =	vld.idx.msk [tilespmem:v50+s5+$0x0], $0xffff  }
0x131: {  	v2 =	vor.u32 s29, v57;
	v34 =	vadd.f32 v19, v20;
	v19 =	vld.idx.msk [tilespmem:v61+s5+$0x0], $0xffff  }
0x132: {  	v60 =	vmul.f32 v60, v60;
	v0 =	vadd.f32 v1, v0;
	v20 =	vld.idx.msk [tilespmem:v61+s12+$0x0], $0xffff  }
0x133: {  	v31 =	vadd.f32 v31, v13;
	v13 =	vld.idx.msk [tilespmem:v61+s13+$0x0], $0xffff  }
0x134: {  	s30 =	sadd.s32 $0x45, s21;
	v14 =	vsub.f32 v34, v16;
	v16 =	vld.idx.msk [tilespmem:v33+s5+$0x0], $0xffff;
	v0 =	vadd.f32 v60, v0;
	v60 =	vmul.f32 v63, v63  }
0x135: {  	v34 =	vor.u32 s30, v57;
	v63 =	vsub.f32 v31, v28;
	v31 =	vld.idx.msk [tilespmem:v33+s12+$0x0], $0xffff  }
0x136: {  	v61 =	vmul.f32 v14, v14;
	v28 =	vld.idx.msk [tilespmem:v2+s13+$0x0], $0xffff;
	v0 =	vadd.f32 v60, v0  }
0x137: {  	v60 =	vadd.f32 v17, v23;
	v17 =	vld.idx.msk [tilespmem:v33+s13+$0x0], $0xffff  }
0x138: {  	s31 =	sadd.s32 $0x46, s21;
	v23 =	vld.idx.msk [tilespmem:v2+s5+$0x0], $0xffff;
	v0 =	vadd.f32 v61, v0;
	v61 =	vmul.f32 v63, v63  }
0x139: {  	v63 =	vsub.f32 v60, v35;
	v60 =	vadd.f32 v62, v58;
	v35 =	vld.idx.msk [tilespmem:v2+s12+$0x0], $0xffff;
	v58 =	vor.u32 s31, v57  }
0x13a: {  	v2 =	vld.idx.msk [tilespmem:v34+s5+$0x0], $0xffff  }
0x13b: {  	v3 =	vadd.f32 v3, v42;
	s23 =	sadd.s32 $0x47, s21;
	v42 =	vld.idx.msk [tilespmem:v34+s12+$0x0], $0xffff  }
0x13c: {  	v14 =	vld.idx.msk [tilespmem:v34+s13+$0x0], $0xffff;
	v0 =	vadd.f32 v61, v0;
	v61 =	vmul.f32 v63, v63;
	v63 =	vor.u32 s23, v57  }
0x13d: {  	v53 =	vsub.f32 v3, v53;
	v34 =	vld.idx.msk [tilespmem:v50+s13+$0x0], $0xffff  }
0x13e: {  	s29 =	sadd.s32 $0x4C, s21;
	v3 =	vld.idx.msk [tilespmem:v58+s5+$0x0], $0xffff  }
0x13f: {  	s24 =	sadd.s32 $0x48, s21;
	v62 =	vsub.f32 v60, v59;
	v60 =	vmul.f32 v53, v53;
	v53 =	vor.u32 s29, v57;
	v24 =	vld.idx.msk [tilespmem:v58+s12+$0x0], $0xffff  }
0x140: {  	v0 =	vadd.f32 v61, v0;
	v61 =	vor.u32 s24, v57;
	v1 =	vld.idx.msk [tilespmem:v58+s13+$0x0], $0xffff  }
0x141: {  	v15 =	vld.idx.msk [tilespmem:v63+s5+$0x0], $0xffff  }
0x142: {  	v59 =	vmul.f32 v62, v62;
	v62 =	vmul.f32 v32, v32;
	v32 =	vld.idx.msk [tilespmem:v63+s12+$0x0], $0xffff  }
0x143: {  	s26 =	sadd.s32 $0x4A, s21;
	v21 =	vld.idx.msk [tilespmem:v63+s13+$0x0], $0xffff  }
0x144: {  	v4 =	vadd.f32 v8, v4;
	v0 =	vadd.f32 v59, v0;
	v59 =	vor.u32 s26, v57;
	v8 =	vld.idx.msk [tilespmem:v53+s12+$0x0], $0xffff  }
0x145: {  	v63 =	vmul.f32 v25, v25;
	v25 =	vld.idx.msk [tilespmem:v61+s5+$0x0], $0xffff  }
0x146: {  	v29 =	vadd.f32 v29, v44;
	v58 =	vadd.f32 v39, v37;
	v37 =	vld.idx.msk [tilespmem:v61+s12+$0x0], $0xffff  }
0x147: {  	v55 =	vadd.f32 v55, v47;
	s30 =	sadd.s32 $0x4D, s21;
	v0 =	vadd.f32 v60, v0;
	v27 =	vld.idx.msk [tilespmem:v61+s13+$0x0], $0xffff  }
0x148: {  	v30 =	vsub.f32 v58, v30;
	v58 =	vor.u32 s30, v57;
	v61 =	vadd.f32 v51, v43;
	v43 =	vld.idx.msk [tilespmem:v50+s12+$0x0], $0xffff  }
0x149: {  	v29 =	vsub.f32 v29, v46;
	v0 =	vadd.f32 v62, v0;
	v33 =	vld.idx.msk [tilespmem:v59+s12+$0x0], $0xffff  }
0x14a: {  	v46 =	vsub.f32 v55, v54;
	v5 =	vadd.f32 v56, v5;
	s26 =	sadd.s32 $0x52, s21;
	v39 =	vld.idx.msk [tilespmem:v59+s13+$0x0], $0xffff  }
0x14b: {  	v56 =	vor.u32 s26, v57;
	s30 =	sadd.s32 $0x55, s21;
	v0 =	vadd.f32 v63, v0;
	v63 =	vsub.f32 v61, v40;
	v40 =	vld.idx.msk [tilespmem:v59+s5+$0x0], $0xffff  }
0x14c: {  	s28 =	sadd.s32 $0x4B, s21;
	v9 =	vadd.f32 v49, v9;
	v49 =	vor.u32 s30, v57;
	v59 =	vmul.f32 v46, v46;
	v46 =	vld.idx.msk [tilespmem:v53+s5+$0x0], $0xffff  }
0x14d: {  	v4 =	vsub.f32 v4, v7;
	v62 =	vor.u32 s28, v57;
	v7 =	vld.idx.msk [tilespmem:v58+s5+$0x0], $0xffff  }
0x14e: {  	v3 =	vadd.f32 v24, v3;
	v44 =	vld.idx.msk [tilespmem:v58+s12+$0x0], $0xffff  }
0x14f: {  	v5 =	vsub.f32 v5, v6;
	s23 =	sadd.s32 $0x4F, s21;
	v60 =	vmul.f32 v52, v52;
	v6 =	vld.idx.msk [tilespmem:v58+s13+$0x0], $0xffff;
	v50 =	vadd.f32 v32, v15  }
0x150: {  	s31 =	sadd.s32 $0x4E, s21;
	v55 =	vadd.f32 v20, v19;
	v61 =	vor.u32 s23, v57;
	v20 =	vld.idx.msk [tilespmem:v56+s13+$0x0], $0xffff;
	v1 =	vsub.f32 v3, v1  }
0x151: {  	v0 =	vadd.f32 v60, v0;
	v60 =	vor.u32 s31, v57;
	v3 =	vsub.f32 v50, v21;
	v21 =	vld.idx.msk [tilespmem:v49+s13+$0x0], $0xffff  }
0x152: {  	s24 =	sadd.s32 $0x50, s21;
	v30 =	vmul.f32 v30, v30;
	v47 =	vld.idx.msk [tilespmem:v62+s12+$0x0], $0xffff  }
0x153: {  	v18 =	vadd.f32 v18, v48;
	v52 =	vmul.f32 v63, v63;
	v63 =	vor.u32 s24, v57;
	v48 =	vld.idx.msk [tilespmem:v62+s13+$0x0], $0xffff  }
0x154: {  	v0 =	vadd.f32 v30, v0;
	v30 =	vld.idx.msk [tilespmem:v62+s5+$0x0], $0xffff  }
0x155: {  	v11 =	vadd.f32 v26, v11;
	v26 =	vld.idx.msk [tilespmem:v61+s13+$0x0], $0xffff  }
0x156: {  	v29 =	vmul.f32 v29, v29;
	s31 =	sadd.s32 $0x56, s21;
	v62 =	vmul.f32 v5, v5;
	v5 =	vld.idx.msk [tilespmem:v60+s12+$0x0], $0xffff  }
0x157: {  	v10 =	vsub.f32 v18, v10;
	v51 =	vor.u32 s31, v57;
	v0 =	vadd.f32 v52, v0;
	v18 =	vld.idx.msk [tilespmem:v60+s13+$0x0], $0xffff  }
0x158: {  	s29 =	sadd.s32 $0x54, s21;
	v52 =	vadd.f32 v41, v45;
	v19 =	vld.idx.msk [tilespmem:v63+s12+$0x0], $0xffff  }
0x159: {  	s30 =	sadd.s32 $0x5D, s21;
	v41 =	vor.u32 s29, v57;
	v0 =	vadd.f32 v29, v0;
	v29 =	vld.idx.msk [tilespmem:v53+s13+$0x0], $0xffff  }
0x15a: {  	v9 =	vsub.f32 v9, v22;
	v45 =	vor.u32 s30, v57;
	v22 =	vsub.f32 v52, v38;
	v38 =	vld.idx.msk [tilespmem:v61+s12+$0x0], $0xffff  }
0x15b: {  	v52 =	vadd.f32 v37, v25;
	v25 =	vld.idx.msk [tilespmem:v49+s5+$0x0], $0xffff  }
0x15c: {  	s25 =	sadd.s32 $0x51, s21;
	v32 =	vld.idx.msk [tilespmem:v51+s13+$0x0], $0xffff  }
0x15d: {  	v53 =	vor.u32 s25, v57;
	v54 =	vmul.f32 v22, v22;
	v22 =	vld.idx.msk [tilespmem:v63+s5+$0x0], $0xffff  }
0x15e: {  	v10 =	vmul.f32 v10, v10;
	v0 =	vadd.f32 v59, v0;
	v15 =	vld.idx.msk [tilespmem:v41+s12+$0x0], $0xffff  }
0x15f: {  	v11 =	vsub.f32 v11, v12;
	v12 =	vsub.f32 v55, v13;
	v50 =	vld.idx.msk [tilespmem:v45+s12+$0x0], $0xffff  }
0x160: {  	s28 =	sadd.s32 $0x53, s21;
	v0 =	vadd.f32 v10, v0;
	v10 =	vld.idx.msk [tilespmem:v60+s5+$0x0], $0xffff  }
0x161: {  	v59 =	vor.u32 s28, v57;
	v60 =	vmul.f32 v12, v12;
	v12 =	vld.idx.msk [tilespmem:v56+s12+$0x0], $0xffff  }
0x162: {  	v58 =	vadd.f32 v31, v16;
	v16 =	vld.idx.msk [tilespmem:v53+s5+$0x0], $0xffff  }
0x163: {  	v4 =	vmul.f32 v4, v4;
	v31 =	vld.idx.msk [tilespmem:v53+s12+$0x0], $0xffff  }
0x164: {  	v2 =	vadd.f32 v42, v2;
	v13 =	vld.idx.msk [tilespmem:v53+s13+$0x0], $0xffff  }
0x165: {  	v0 =	vadd.f32 v4, v0;
	v4 =	vld.idx.msk [tilespmem:v61+s5+$0x0], $0xffff  }
0x166: {  	v2 =	vsub.f32 v2, v14;
	v14 =	vld.idx.msk [tilespmem:v59+s12+$0x0], $0xffff  }
0x167: {  	s23 =	sadd.s32 $0x57, s21;
	v30 =	vadd.f32 v47, v30;
	v24 =	vld.idx.msk [tilespmem:v59+s13+$0x0], $0xffff  }
0x168: {  	v53 =	vor.u32 s23, v57;
	v0 =	vadd.f32 v62, v0;
	v62 =	vadd.f32 v35, v23;
	v23 =	vld.idx.msk [tilespmem:v56+s5+$0x0], $0xffff  }
0x169: {  	v9 =	vmul.f32 v9, v9;
	s31 =	sadd.s32 $0x5E, s21;
	v35 =	vld.idx.msk [tilespmem:v49+s12+$0x0], $0xffff  }
0x16a: {  	v30 =	vsub.f32 v30, v48;
	v48 =	vor.u32 s31, v57;
	v49 =	vld.idx.msk [tilespmem:v45+s5+$0x0], $0xffff  }
0x16b: {  	s29 =	sadd.s32 $0x5C, s21;
	v56 =	vadd.f32 v43, v36;
	v0 =	vadd.f32 v9, v0;
	v9 =	vld.idx.msk [tilespmem:v63+s13+$0x0], $0xffff  }
0x16c: {  	v61 =	vsub.f32 v58, v17;
	v43 =	vor.u32 s29, v57;
	v17 =	vsub.f32 v62, v28;
	v28 =	vld.idx.msk [tilespmem:v51+s5+$0x0], $0xffff  }
0x16d: {  	v55 =	vsub.f32 v52, v27;
	v27 =	vsub.f32 v56, v34;
	v34 =	vld.idx.msk [tilespmem:v53+s12+$0x0], $0xffff  }
0x16e: {  	s26 =	sadd.s32 $0x5A, s21;
	v37 =	vld.idx.msk [tilespmem:v53+s13+$0x0], $0xffff  }
0x16f: {  	v11 =	vmul.f32 v11, v11;
	v62 =	vor.u32 s26, v57;
	v56 =	vld.idx.msk [tilespmem:v48+s13+$0x0], $0xffff  }
0x170: {  	v16 =	vadd.f32 v31, v16;
	v0 =	vadd.f32 v54, v0;
	v54 =	vmul.f32 v3, v3;
	v3 =	vld.idx.msk [tilespmem:v51+s12+$0x0], $0xffff  }
0x171: {  	s24 =	sadd.s32 $0x58, s21;
	v8 =	vadd.f32 v8, v46;
	v46 =	vld.idx.msk [tilespmem:v43+s5+$0x0], $0xffff  }
0x172: {  	v13 =	vsub.f32 v16, v13;
	v0 =	vadd.f32 v11, v0;
	v11 =	vld.idx.msk [tilespmem:v59+s5+$0x0], $0xffff;
	v59 =	vor.u32 s24, v57  }
0x173: {  	v33 =	vadd.f32 v33, v40;
	v47 =	vld.idx.msk [tilespmem:v43+s12+$0x0], $0xffff  }
0x174: {  	s31 =	sadd.s32 $0x66, s21;
	v5 =	vadd.f32 v5, v10;
	v52 =	vmul.f32 v13, v13;
	v13 =	vld.idx.msk [tilespmem:v45+s13+$0x0], $0xffff  }
0x175: {  	v33 =	vsub.f32 v33, v39;
	v45 =	vor.u32 s31, v57;
	v10 =	vld.idx.msk [tilespmem:v62+s5+$0x0], $0xffff  }
0x176: {  	s25 =	sadd.s32 $0x59, s21;
	v63 =	vmul.f32 v61, v61;
	v5 =	vsub.f32 v5, v18;
	v18 =	vld.idx.msk [tilespmem:v62+s13+$0x0], $0xffff  }
0x177: {  	v61 =	vmul.f32 v33, v33;
	v0 =	vadd.f32 v60, v0;
	v60 =	vor.u32 s25, v57;
	v33 =	vld.idx.msk [tilespmem:v59+s5+$0x0], $0xffff  }
0x178: {  	v40 =	vld.idx.msk [tilespmem:v59+s12+$0x0], $0xffff  }
0x179: {  	v17 =	vmul.f32 v17, v17;
	v0 =	vadd.f32 v63, v0;
	v11 =	vadd.f32 v14, v11;
	v14 =	vld.idx.msk [tilespmem:v48+s5+$0x0], $0xffff  }
0x17a: {  	s28 =	sadd.s32 $0x5B, s21;
	v49 =	vadd.f32 v50, v49;
	v50 =	vld.idx.msk [tilespmem:v45+s5+$0x0], $0xffff  }
0x17b: {  	v63 =	vor.u32 s28, v57;
	v0 =	vadd.f32 v17, v0;
	v17 =	vld.idx.msk [tilespmem:v41+s5+$0x0], $0xffff  }
0x17c: {  	v7 =	vadd.f32 v44, v7;
	v8 =	vsub.f32 v8, v29;
	v29 =	vld.idx.msk [tilespmem:v60+s5+$0x0], $0xffff  }
0x17d: {  	v2 =	vmul.f32 v2, v2;
	v36 =	vld.idx.msk [tilespmem:v60+s12+$0x0], $0xffff  }
0x17e: {  	v6 =	vsub.f32 v7, v6;
	s26 =	sadd.s32 $0x62, s21;
	v7 =	vld.idx.msk [tilespmem:v60+s13+$0x0], $0xffff  }
0x17f: {  	v1 =	vmul.f32 v1, v1;
	v60 =	vor.u32 s26, v57;
	v0 =	vadd.f32 v2, v0;
	v2 =	vld.idx.msk [tilespmem:v41+s13+$0x0], $0xffff  }
0x180: {  	s23 =	sadd.s32 $0x5F, s21;
	v44 =	vld.idx.msk [tilespmem:v63+s12+$0x0], $0xffff  }
0x181: {  	v19 =	vadd.f32 v19, v22;
	v51 =	vor.u32 s23, v57;
	v22 =	vld.idx.msk [tilespmem:v63+s13+$0x0], $0xffff;
	v0 =	vadd.f32 v1, v0  }
0x182: {  	v58 =	vmul.f32 v55, v55;
	s24 =	sadd.s32 $0x60, s21;
	v1 =	vld.idx.msk [tilespmem:v53+s5+$0x0], $0xffff  }
0x183: {  	v4 =	vadd.f32 v38, v4;
	v55 =	vor.u32 s24, v57;
	v0 =	vadd.f32 v54, v0;
	v54 =	vld.idx.msk [tilespmem:v48+s12+$0x0], $0xffff  }
0x184: {  	v27 =	vmul.f32 v27, v27;
	s23 =	sadd.s32 $0x67, s21;
	v12 =	vadd.f32 v12, v23;
	v15 =	vadd.f32 v15, v17;
	v38 =	vld.idx.msk [tilespmem:v60+s12+$0x0], $0xffff  }
0x185: {  	s25 =	sadd.s32 $0x61, s21;
	v3 =	vadd.f32 v3, v28;
	v28 =	vld.idx.msk [tilespmem:v60+s13+$0x0], $0xffff;
	v48 =	vor.u32 s23, v57;
	v0 =	vadd.f32 v58, v0  }
0x186: {  	v25 =	vadd.f32 v35, v25;
	v2 =	vsub.f32 v15, v2;
	v15 =	vld.idx.msk [tilespmem:v51+s12+$0x0], $0xffff;
	v58 =	vor.u32 s25, v57  }
0x187: {  	v1 =	vadd.f32 v34, v1;
	v0 =	vadd.f32 v27, v0;
	v27 =	vld.idx.msk [tilespmem:v59+s13+$0x0], $0xffff  }
0x188: {  	v12 =	vsub.f32 v12, v20;
	v59 =	vld.idx.msk [tilespmem:v55+s12+$0x0], $0xffff  }
0x189: {  	v30 =	vmul.f32 v30, v30;
	v21 =	vsub.f32 v25, v21;
	v1 =	vsub.f32 v1, v37;
	v37 =	vld.idx.msk [tilespmem:v60+s5+$0x0], $0xffff  }
0x18a: {  	s26 =	sadd.s32 $0x6A, s21;
	v53 =	vmul.f32 v12, v12;
	v12 =	vadd.f32 v54, v14;
	v54 =	vld.idx.msk [tilespmem:v48+s5+$0x0], $0xffff;
	v0 =	vadd.f32 v61, v0  }
0x18b: {  	v60 =	vor.u32 s26, v57;
	v61 =	vmul.f32 v21, v21;
	v21 =	vld.idx.msk [tilespmem:v58+s5+$0x0], $0xffff  }
0x18c: {  	v8 =	vmul.f32 v8, v8;
	s25 =	sadd.s32 $0x69, s21;
	v31 =	vld.idx.msk [tilespmem:v58+s12+$0x0], $0xffff;
	v0 =	vadd.f32 v30, v0  }
0x18d: {  	v20 =	vld.idx.msk [tilespmem:v58+s13+$0x0], $0xffff;
	v12 =	vsub.f32 v12, v56;
	v56 =	vor.u32 s25, v57  }
0x18e: {  	s30 =	sadd.s32 $0x65, s21;
	v6 =	vmul.f32 v6, v6;
	v30 =	vld.idx.msk [tilespmem:v51+s13+$0x0], $0xffff;
	v0 =	vadd.f32 v8, v0  }
0x18f: {  	v42 =	vor.u32 s30, v57;
	v4 =	vsub.f32 v4, v26;
	v8 =	vld.idx.msk [tilespmem:v62+s12+$0x0], $0xffff  }
0x190: {  	v5 =	vmul.f32 v5, v5;
	v26 =	vld.idx.msk [tilespmem:v60+s13+$0x0], $0xffff;
	v0 =	vadd.f32 v6, v0  }
0x191: {  	v4 =	vmul.f32 v4, v4;
	v9 =	vsub.f32 v19, v9;
	s28 =	sadd.s32 $0x63, s21;
	v6 =	vld.idx.msk [tilespmem:v63+s5+$0x0], $0xffff  }
0x192: {  	v3 =	vsub.f32 v3, v32;
	v62 =	vor.u32 s28, v57;
	v32 =	vld.idx.msk [tilespmem:v56+s12+$0x0], $0xffff;
	v0 =	vadd.f32 v5, v0  }
0x193: {  	v63 =	vadd.f32 v40, v33;
	v40 =	vadd.f32 v36, v29;
	v36 =	vld.idx.msk [tilespmem:v56+s13+$0x0], $0xffff  }
0x194: {  	s29 =	sadd.s32 $0x64, s21;
	v9 =	vmul.f32 v9, v9;
	v5 =	vadd.f32 v47, v46;
	v46 =	vld.idx.msk [tilespmem:v42+s5+$0x0], $0xffff;
	v0 =	vadd.f32 v4, v0  }
0x195: {  	v39 =	vor.u32 s29, v57;
	v11 =	vsub.f32 v11, v24;
	v47 =	vld.idx.msk [tilespmem:v42+s12+$0x0], $0xffff  }
0x196: {  	v24 =	vsub.f32 v63, v27;
	v63 =	vld.idx.msk [tilespmem:v56+s5+$0x0], $0xffff;
	v0 =	vadd.f32 v9, v0  }
0x197: {  	s29 =	sadd.s32 $0x6C, s21;
	v41 =	vld.idx.msk [tilespmem:v62+s12+$0x0], $0xffff  }
0x198: {  	v7 =	vsub.f32 v40, v7;
	v40 =	vor.u32 s29, v57;
	v4 =	vld.idx.msk [tilespmem:v43+s13+$0x0], $0xffff;
	v0 =	vadd.f32 v52, v0  }
0x199: {  	v11 =	vmul.f32 v11, v11;
	s28 =	sadd.s32 $0x6B, s21;
	v43 =	vld.idx.msk [tilespmem:v62+s13+$0x0], $0xffff  }
0x19a: {  	v34 =	vor.u32 s28, v57;
	v6 =	vadd.f32 v44, v6;
	v44 =	vld.idx.msk [tilespmem:v39+s12+$0x0], $0xffff;
	v0 =	vadd.f32 v53, v0  }
0x19b: {  	v9 =	vld.idx.msk [tilespmem:v51+s5+$0x0], $0xffff  }
0x19c: {  	v2 =	vmul.f32 v2, v2;
	v51 =	vld.idx.msk [tilespmem:v45+s12+$0x0], $0xffff;
	v0 =	vadd.f32 v11, v0  }
0x19d: {  	v46 =	vadd.f32 v47, v46;
	v47 =	vld.idx.msk [tilespmem:v40+s12+$0x0], $0xffff  }
0x19e: {  	v4 =	vsub.f32 v5, v4;
	v5 =	vld.idx.msk [tilespmem:v42+s13+$0x0], $0xffff;
	v0 =	vadd.f32 v2, v0  }
0x19f: {  	v42 =	vld.idx.msk [tilespmem:v34+s12+$0x0], $0xffff  }
0x1a0: {  	s24 =	sadd.s32 $0x68, s21;
	v3 =	vmul.f32 v3, v3;
	v53 =	vld.idx.msk [tilespmem:v45+s13+$0x0], $0xffff;
	v0 =	vadd.f32 v61, v0  }
0x1a1: {  	v52 =	vor.u32 s24, v57;
	v45 =	vld.idx.msk [tilespmem:v40+s5+$0x0], $0xffff  }
0x1a2: {  	v1 =	vmul.f32 v1, v1;
	v9 =	vadd.f32 v15, v9;
	v15 =	vld.idx.msk [tilespmem:v48+s13+$0x0], $0xffff;
	v0 =	vadd.f32 v3, v0  }
0x1a3: {  	v11 =	vld.idx.msk [tilespmem:v55+s5+$0x0], $0xffff  }
0x1a4: {  	s31 =	sadd.s32 $0x6E, s21;
	v8 =	vadd.f32 v8, v10;
	v24 =	vmul.f32 v24, v24;
	v2 =	vld.idx.msk [tilespmem:v55+s13+$0x0], $0xffff;
	v0 =	vadd.f32 v1, v0  }
0x1a5: {  	v58 =	vmul.f32 v12, v12;
	v55 =	vld.idx.msk [tilespmem:v48+s12+$0x0], $0xffff;
	v48 =	vor.u32 s31, v57  }
0x1a6: {  	v7 =	vmul.f32 v7, v7;
	v8 =	vsub.f32 v8, v18;
	v12 =	vld.idx.msk [tilespmem:v52+s5+$0x0], $0xffff;
	v0 =	vadd.f32 v24, v0  }
0x1a7: {  	v6 =	vsub.f32 v6, v22;
	v61 =	vld.idx.msk [tilespmem:v52+s13+$0x0], $0xffff  }
0x1a8: {  	s23 =	sadd.s32 $0x6F, s21;
	v8 =	vmul.f32 v8, v8;
	v11 =	vadd.f32 v59, v11;
	v59 =	vld.idx.msk [tilespmem:v52+s12+$0x0], $0xffff;
	v0 =	vadd.f32 v7, v0  }
0x1a9: {  	v52 =	vor.u32 s23, v57;
	v3 =	vadd.f32 v38, v37;
	v37 =	vld.idx.msk [tilespmem:v60+s5+$0x0], $0xffff  }
0x1aa: {  	v6 =	vmul.f32 v6, v6;
	v56 =	vld.idx.msk [tilespmem:v48+s12+$0x0], $0xffff;
	v0 =	vadd.f32 v8, v0  }
0x1ab: {  	v1 =	vld.idx.msk [tilespmem:v62+s5+$0x0], $0xffff;
	v62 =	vadd.f32 v31, v21  }
0x1ac: {  	s26 =	sadd.s32 $0x72, s21;
	v4 =	vmul.f32 v4, v4;
	v24 =	vld.idx.msk [tilespmem:v39+s5+$0x0], $0xffff;
	v8 =	vsub.f32 v49, v13;
	v0 =	vadd.f32 v6, v0  }
0x1ad: {  	v3 =	vsub.f32 v3, v28;
	v28 =	vor.u32 s26, v57;
	v12 =	vadd.f32 v59, v12;
	v59 =	vld.idx.msk [tilespmem:v48+s13+$0x0], $0xffff  }
0x1ae: {  	v35 =	vsub.f32 v62, v20;
	v20 =	vld.idx.msk [tilespmem:v52+s13+$0x0], $0xffff;
	v8 =	vmul.f32 v8, v8;
	v0 =	vadd.f32 v4, v0  }
0x1af: {  	s28 =	sadd.s32 $0x73, s21;
	v9 =	vsub.f32 v9, v30;
	v7 =	vld.idx.msk [tilespmem:v39+s13+$0x0], $0xffff  }
0x1b0: {  	v21 =	vadd.f32 v32, v63;
	v32 =	vor.u32 s28, v57;
	v39 =	vld.idx.msk [tilespmem:v60+s12+$0x0], $0xffff;
	v0 =	vadd.f32 v8, v0  }
0x1b1: {  	s25 =	sadd.s32 $0x71, s21;
	v9 =	vmul.f32 v9, v9;
	v2 =	vsub.f32 v11, v2;
	v60 =	vld.idx.msk [tilespmem:v52+s5+$0x0], $0xffff  }
0x1b2: {  	v62 =	vor.u32 s25, v57;
	v1 =	vadd.f32 v41, v1;
	v41 =	vld.idx.msk [tilespmem:v34+s5+$0x0], $0xffff;
	v0 =	vadd.f32 v58, v0  }
0x1b3: {  	v38 =	vmul.f32 v35, v35;
	v35 =	vld.idx.msk [tilespmem:v28+s12+$0x0], $0xffff  }
0x1b4: {  	v2 =	vmul.f32 v2, v2;
	v49 =	vld.idx.msk [tilespmem:v40+s13+$0x0], $0xffff;
	v0 =	vadd.f32 v9, v0  }
0x1b5: {  	v40 =	vld.idx.msk [tilespmem:v32+s12+$0x0], $0xffff  }
0x1b6: {  	s30 =	sadd.s32 $0x6D, s21;
	v18 =	vadd.f32 v44, v24;
	v44 =	vld.idx.msk [tilespmem:v34+s13+$0x0], $0xffff;
	v0 =	vadd.f32 v2, v0  }
0x1b7: {  	v1 =	vsub.f32 v1, v43;
	v43 =	vor.u32 s30, v57;
	v30 =	vld.idx.msk [tilespmem:v62+s5+$0x0], $0xffff  }
0x1b8: {  	v3 =	vmul.f32 v3, v3;
	v31 =	vld.idx.msk [tilespmem:v62+s12+$0x0], $0xffff;
	v0 =	vadd.f32 v38, v0  }
0x1b9: {  	v33 =	vld.idx.msk [tilespmem:v62+s13+$0x0], $0xffff  }
0x1ba: {  	s26 =	sadd.s32 $0x7A, s21;
	v34 =	vld.idx.msk [tilespmem:v28+s5+$0x0], $0xffff;
	v1 =	vmul.f32 v1, v1;
	v7 =	vsub.f32 v18, v7;
	v0 =	vadd.f32 v3, v0  }
0x1bb: {  	v5 =	vsub.f32 v46, v5;
	v22 =	vor.u32 s26, v57;
	v4 =	vadd.f32 v55, v54;
	v54 =	vld.idx.msk [tilespmem:v48+s5+$0x0], $0xffff  }
0x1bc: {  	s31 =	sadd.s32 $0x76, s21;
	v6 =	vadd.f32 v51, v50;
	v7 =	vmul.f32 v7, v7;
	v50 =	vld.idx.msk [tilespmem:v43+s5+$0x0], $0xffff;
	v0 =	vadd.f32 v1, v0  }
0x1bd: {  	v46 =	vor.u32 s31, v57;
	v51 =	vld.idx.msk [tilespmem:v43+s12+$0x0], $0xffff  }
0x1be: {  	v5 =	vmul.f32 v5, v5;
	v6 =	vsub.f32 v6, v53;
	v53 =	vld.idx.msk [tilespmem:v43+s13+$0x0], $0xffff;
	v0 =	vadd.f32 v7, v0  }
0x1bf: {  	v4 =	vsub.f32 v4, v15;
	v8 =	vsub.f32 v12, v61;
	v61 =	vld.idx.msk [tilespmem:v52+s12+$0x0], $0xffff  }
0x1c0: {  	s24 =	sadd.s32 $0x70, s21;
	v55 =	vmul.f32 v6, v6;
	v52 =	vadd.f32 v31, v30;
	v30 =	vld [tilespmem:$0x1FFF0];
	v0 =	vadd.f32 v5, v0  }
0x1c1: {  	v31 =	vld.idx.msk [tilespmem:v22+s5+$0x0], $0xffff;
	v58 =	vor.u32 s24, v57  }
0x1c2: {  	v4 =	vmul.f32 v4, v4;
	v6 =	vadd.f32 v56, v54;
	v54 =	vld.idx.msk [tilespmem:v46+s12+$0x0], $0xffff;
	v0 =	vadd.f32 v55, v0  }
0x1c3: {  	v11 =	vsub.f32 v21, v36;
	v56 =	vld.idx.msk [tilespmem:v46+s13+$0x0], $0xffff  }
0x1c4: {  	s29 =	sadd.s32 $0x74, s21;
	v63 =	vmul.f32 v8, v8;
	v9 =	vadd.f32 v39, v37;
	v39 =	vld.idx.msk [tilespmem:v32+s5+$0x0], $0xffff;
	v0 =	vadd.f32 v4, v0  }
0x1c5: {  	v36 =	vor.u32 s29, v57;
	v2 =	vadd.f32 v42, v41;
	v42 =	vld.idx.msk [tilespmem:v32+s13+$0x0], $0xffff  }
0x1c6: {  	s23 =	sadd.s32 $0x77, s21;
	v11 =	vmul.f32 v11, v11;
	v9 =	vsub.f32 v9, v26;
	v25 =	vld.idx.msk [tilespmem:v58+s5+$0x0], $0xffff;
	v0 =	vadd.f32 v63, v0  }
0x1c7: {  	v37 =	vadd.f32 v51, v50;
	v50 =	vor.u32 s23, v57;
	v27 =	vld.idx.msk [tilespmem:v58+s12+$0x0], $0xffff;
	v2 =	vsub.f32 v2, v44  }
0x1c8: {  	s30 =	sadd.s32 $0x75, s21;
	v29 =	vld.idx.msk [tilespmem:v58+s13+$0x0], $0xffff;
	v9 =	vmul.f32 v9, v9;
	v3 =	vadd.f32 v47, v45;
	v0 =	vadd.f32 v11, v0  }
0x1c9: {  	v41 =	vor.u32 s30, v57;
	v38 =	vld.idx.msk [tilespmem:v28+s13+$0x0], $0xffff  }
0x1ca: {  	v44 =	vld.idx.msk [tilespmem:v36+s5+$0x0], $0xffff;
	v2 =	vmul.f32 v2, v2;
	v1 =	vsub.f32 v3, v49;
	v0 =	vadd.f32 v9, v0  }
0x1cb: {  	v45 =	vld.idx.msk [tilespmem:v36+s12+$0x0], $0xffff  }
0x1cc: {  	v47 =	vld.idx.msk [tilespmem:v36+s13+$0x0], $0xffff;
	v3 =	vsub.f32 v37, v53;
	v1 =	vmul.f32 v1, v1;
	v0 =	vadd.f32 v2, v0  }
0x1cd: {  	v6 =	vsub.f32 v6, v59;
	v58 =	vld.idx.msk [tilespmem:v50+s5+$0x0], $0xffff  }
0x1ce: {  	s28 =	sadd.s32 $0x7B, s21;
	v59 =	vld.idx.msk [tilespmem:v50+s12+$0x0], $0xffff;
	v43 =	vmul.f32 v3, v3;
	v5 =	vadd.f32 v61, v60;
	v0 =	vadd.f32 v1, v0  }
0x1cf: {  	v48 =	vld.idx.msk [tilespmem:v41+s5+$0x0], $0xffff;
	v8 =	vadd.f32 v27, v25;
	v27 =	vor.u32 s28, v57  }
0x1d0: {  	s25 =	sadd.s32 $0x79, s21;
	v6 =	vmul.f32 v6, v6;
	v51 =	vld.idx.msk [tilespmem:v41+s13+$0x0], $0xffff;
	v5 =	vsub.f32 v5, v20;
	v0 =	vadd.f32 v43, v0  }
0x1d1: {  	v49 =	vld.idx.msk [tilespmem:v41+s12+$0x0], $0xffff;
	v60 =	vor.u32 s25, v57  }
0x1d2: {  	s24 =	sadd.s32 $0x78, s21;
	v53 =	vld.idx.msk [tilespmem:v46+s5+$0x0], $0xffff;
	v5 =	vmul.f32 v5, v5;
	v4 =	vsub.f32 v8, v29;
	v0 =	vadd.f32 v6, v0  }
0x1d3: {  	v61 =	vld.idx.msk [tilespmem:v50+s13+$0x0], $0xffff;
	v55 =	vor.u32 s24, v57;
	v9 =	vadd.f32 v35, v34  }
0x1d4: {  	v36 =	vld.idx.msk [tilespmem:v27+s5+$0x0], $0xffff;
	v8 =	vsub.f32 v52, v33;
	v4 =	vmul.f32 v4, v4;
	v0 =	vadd.f32 v5, v0  }
0x1d5: {  	v37 =	vld.idx.msk [tilespmem:v27+s12+$0x0], $0xffff;
	v9 =	vsub.f32 v9, v38  }
0x1d6: {  	v33 =	vld.idx.msk [tilespmem:v22+s12+$0x0], $0xffff;
	v8 =	vmul.f32 v8, v8;
	v2 =	vadd.f32 v40, v39;
	v0 =	vadd.f32 v4, v0  }
0x1d7: {  	v3 =	vadd.f32 v45, v44;
	v25 =	vld.idx.msk [tilespmem:v60+s5+$0x0], $0xffff  }
0x1d8: {  	s29 =	sadd.s32 $0x7C, s21;
	v26 =	vld.idx.msk [tilespmem:v60+s12+$0x0], $0xffff;
	v62 =	vmul.f32 v9, v9;
	v2 =	vsub.f32 v2, v42;
	v0 =	vadd.f32 v8, v0  }
0x1d9: {  	v24 =	vadd.f32 v49, v48;
	v63 =	vld.idx.msk [tilespmem:v55+s5+$0x0], $0xffff;
	v34 =	vor.u32 s29, v57  }
0x1da: {  	v21 =	vld.idx.msk [tilespmem:v55+s12+$0x0], $0xffff;
	v1 =	vsub.f32 v3, v47;
	v2 =	vmul.f32 v2, v2;
	v0 =	vadd.f32 v62, v0  }
0x1db: {  	v29 =	vld.idx.msk [tilespmem:v60+s13+$0x0], $0xffff;
	v5 =	vadd.f32 v54, v53  }
0x1dc: {  	s30 =	sadd.s32 $0x7D, s21;
	v28 =	vsub.f32 v24, v51;
	v23 =	vld.idx.msk [tilespmem:v55+s13+$0x0], $0xffff;
	v1 =	vmul.f32 v1, v1;
	v0 =	vadd.f32 v2, v0  }
0x1dd: {  	v35 =	vld.idx.msk [tilespmem:v22+s13+$0x0], $0xffff;
	v38 =	vor.u32 s30, v57;
	v5 =	vsub.f32 v5, v56  }
0x1de: {  	v32 =	vmul.f32 v28, v28;
	v39 =	vld.idx.msk [tilespmem:v27+s13+$0x0], $0xffff;
	v4 =	vadd.f32 v59, v58;
	v0 =	vadd.f32 v1, v0  }
0x1df: {  	v9 =	vadd.f32 v21, v63;
	v47 =	vor.u32 s21, v30;
	v40 =	vld.idx.msk [tilespmem:v34+s5+$0x0], $0xffff  }
0x1e0: {  	s31 =	sadd.s32 $0x7E, s21;
	v42 =	vld.idx.msk [tilespmem:v34+s12+$0x0], $0xffff;
	v5 =	vmul.f32 v5, v5;
	v4 =	vsub.f32 v4, v61;
	v0 =	vadd.f32 v32, v0  }
0x1e1: {  	v41 =	vadd.f32 v26, v25;
	v10 =	vld.idx.msk [tilespmem:v34+s13+$0x0], $0xffff;
	v43 =	vor.u32 s31, v57  }
0x1e2: {  	v45 =	vld.idx.msk [tilespmem:v38+s5+$0x0], $0xffff;
	v8 =	vsub.f32 v9, v23;
	v4 =	vmul.f32 v4, v4;
	v0 =	vadd.f32 v5, v0  }
0x1e3: {  	v3 =	vsub.f32 v41, v29;
	v46 =	vld.idx.msk [tilespmem:v38+s12+$0x0], $0xffff  }
0x1e4: {  	v48 =	vld.idx.msk [tilespmem:v38+s13+$0x0], $0xffff;
	v44 =	vmul.f32 v8, v8;
	v2 =	vadd.f32 v33, v31;
	v0 =	vadd.f32 v4, v0  }
0x1e5: {  	v52 =	vld.idx.msk [tilespmem:v47+s5+$0x0], $0xffff;
	v1 =	vadd.f32 v37, v36  }
0x1e6: {  	v3 =	vmul.f32 v3, v3;
	v49 =	vld.idx.msk [tilespmem:v43+s5+$0x0], $0xffff;
	v2 =	vsub.f32 v2, v35;
	v0 =	vadd.f32 v44, v0  }
0x1e7: {  	v50 =	vld.idx.msk [tilespmem:v43+s12+$0x0], $0xffff;
	v1 =	vsub.f32 v1, v39  }
0x1e8: {  	v54 =	vld.idx.msk [tilespmem:v47+s12+$0x0], $0xffff;
	v2 =	vmul.f32 v2, v2;
	v5 =	vadd.f32 v42, v40;
	v0 =	vadd.f32 v3, v0  }
0x1e9: {  	v51 =	vld.idx.msk [tilespmem:v43+s13+$0x0], $0xffff;
	v6 =	vadd.f32 v46, v45  }
0x1ea: {  	v1 =	vmul.f32 v1, v1;
	v53 =	vsub.f32 v5, v10;
	v0 =	vadd.f32 v2, v0  }
0x1eb: {  	v56 =	vld.idx.msk [tilespmem:v47+s13+$0x0], $0xffff;
	v4 =	vsub.f32 v6, v48  }
0x1ec: {  	v55 =	vmul.f32 v53, v53;
	v3 =	vadd.f32 v50, v49;
	v0 =	vadd.f32 v1, v0  }
0x1ed: {  	v59 =	vadd.f32 v54, v52  }
0x1ee: {  	v4 =	vmul.f32 v4, v4;
	v58 =	vsub.f32 v3, v51;
	v0 =	vadd.f32 v55, v0;
	_ =	sdelay $0x1  }
0x1ef: {  	v2 =	vsub.f32 v59, v56;
	v1 =	vmul.f32 v58, v58;
	v0 =	vadd.f32 v4, v0;
	_ =	sdelay $0x1  }
0x1f0: {  	v60 =	vmul.f32 v2, v2;
	v0 =	vadd.f32 v1, v0;
	_ =	sdelay $0x1  }
0x1f1: {  	v0 =	vadd.f32 v60, v0;
	_ =	sdelay $0x1  }
0x1f2: {  	v1 =	vshra.s32 v0, $0x1  }
0x1f3: {  	v1 =	vadd.s32 $0x1FBD1DF5, v1  }
0x1f4: {  	(erf) = vrcp.f32 v1;
	_ =	sdelay $0x8  }
0x1f5: {  	v61 =	vpop (erf)  }
0x1f6: {  	v2 =	vmul.f32 v61, v0;
	_ =	sdelay $0x1  }
0x1f7: {  	v1 =	vadd.f32 v1, v2;
	_ =	sdelay $0x1  }
0x1f8: {  	v1 =	vmul.f32 $5.000000000e-01, v1;
	_ =	sdelay $0x1  }
0x1f9: {  	(erf) = vrcp.f32 v1;
	_ =	sdelay $0x8  }
0x1fa: {  	v62 =	vpop (erf)  }
0x1fb: {  	v2 =	vmul.f32 v62, v0;
	_ =	sdelay $0x1  }
0x1fc: {  	v1 =	vadd.f32 v2, v1;
	_ =	sdelay $0x1  }
0x1fd: {  	v1 =	vmul.f32 $5.000000000e-01, v1;
	_ =	sdelay $0x1  }
0x1fe: {  	(erf) = vrcp.f32 v1;
	_ =	sdelay $0x8  }
0x1ff: {  	v63 =	vpop (erf)  }
0x200: {  	v0 =	vmul.f32 v63, v0;
	_ =	sdelay $0x1  }
0x201: {  	v0 =	vadd.f32 v0, v1  }
0x202: {  	p1 =	seq.s32 s19, $0x3800  }
.Ltmp0:
0x203: {  	v0 =	vmul.f32 $5.000000000e-01, v0;
	(pc) =	sbr.rel @!p1 .LBB2_4-.Ltmp0, $3  }
0x204: {  	_ = 	snop  }
0x205: {  	v0 =	vmul.f32 $0.0e+00, v0;
	_ =	sdelay $0x1  }
0x206: {  	s19 =	sadd.s32 $0x800, s19;
	[tilespmem:s20+$0x0] =	vst v0;
	s20 =	sadd.s32 $0x10, s20  }
0x207: {  	p1 =	seq.s32 s18, $0x4  }
.Ltmp1:
0x208: {  	_ = 	snop;
	(pc) =	sbr.rel @!p1 .LBB2_3-.Ltmp1, $2  }
0x209: {  	_ =	sdelay $0x2  }
0x20a: {  	p0 =	por !p0, !p0;
	s17 =	sadd.s32 $0x80, s17  }
0x20b: {  	s16 =	sadd.s32 $0x1, s16  }
0x20c: {  	p0 =	sne.s32 s16, s11  }
.Ltmp2:
0x20d: {  	_ = 	snop;
	(pc) =	sbr.rel @p0 .LBB2_1-.Ltmp2, $4  }
0x20e: {  	[hbm4b:s10+s5] =	stream.linear.scatter [tilespmem:s14], [sflag:$0x7], $0x200, $0x38;
	[tilespmem:$0x18200] =	vst v63  }
0x20f: {  	_ =	swait.ge [sflag:s15], $0x200  }
0x210: {  	[sflag:s15] =	ssyncset.done $0x0  }
0x211: {  	[sflag:s15] =	ssyncadd.s32 $0xFFFFFE00  }
0x212: {  	_ =	sfence.sel $0x180000  }
0x213: {  	[bflag:$0x0] =	sbarrier.arrive $0xFFFF  }
0x214: {  	p0 =	sne.s32 s3, $0x0;
	_ =	strace $0x90000047  }
0x215: {  	s0 =	sadd.s32 @!p0 $0x100000, s0;
	[bflag:$0x2] =	sbarrier.arrive $0xFFFF  }
0x216: {  	[sflag:s0] =	ssyncadd.tile.s32 @!p0 $0x1;
	_ =	shalt  }
.Lfunc_end2:
_tile_overlayer_lowered:
.L_overlay_start_2:
0x217: {  	(tag) =	ssettag $0x2  }
0x218: {  	s0 =	rddreg [dreg:$0x0];
	s2 =	stileid.u32  }
0x219: {  	s1 =	rddreg [dreg:$0x1];
	p0 =	sne.s32 s2, $0x0  }
0x21a: {  	s3 =	rddreg [dreg:$0x2];
	[bflag:$0x3] =	sbarrier.arrive $0xFFFF;
	s2 =	simm.s32 @!p0 $0x1C07  }
0x21b: {  	[timem:s3], [sflag:s2] =	dma.local @!p0 [hbm:s0], s1  }
0x21c: {  	s0 =	simm.s32 @!p0 $0x7  }
0x21d: {  	_ =	swait.ge @!p0 [sflag:s0], s1  }
0x21e: {  	s1 =	ssub.s32 @!p0 $0x0, s1;
	[sflag:s0] =	ssyncset.done @!p0 $0x0  }
0x21f: {  	[sflag:s0] =	ssyncadd.s32 @!p0 s1  }
0x220: {  	[bflag:$0x3] =	sbarrier.arrive $0xFFFF  }
0x221: {  	_ =	shalt  }

</sc_bundles>
